<compile_context>
chip_gen: v7x
topology: tpu7x:2x2x1
jax: 0.10.2.dev20260603
libtpu: 0.0.44.dev20260713+nightly
codegen_flags: <defaults>
</compile_context>

<pallas_src>
import jax
import jax.numpy as jnp
import numpy as np
from jax import lax
from jax.experimental import pallas as pl

_IMG_W = 1024.0
_IMG_H = 1024.0
_PRE = 2000
_POST = 1000
_T = 0.7
_CLIP = float(np.log(1000.0 / 16.0))
_NPAD = 2048
_B = 256
_NB = _NPAD // _B
_OUTP = 1024


def _iota1d(n):
    r = lax.broadcasted_iota(jnp.int32, (n // 128, 128), 0)
    c = lax.broadcasted_iota(jnp.int32, (n // 128, 128), 1)
    return (r * 128 + c).reshape(n)


def _cumsum1d(v):
    c = v
    sh = 1
    while sh < _NPAD:
        z = jnp.zeros((sh,), jnp.float32)
        c = c + jnp.concatenate([z, c[:-sh]])
        sh *= 2
    return c


def _nms_kernel(g_ref, s_ref, out_ref):
    g = g_ref[...]
    ax1, ay1, ax2, ay2 = g[0], g[1], g[2], g[3]
    dx, dy, dw, dh = g[4], g[5], g[6], g[7]
    scores = s_ref[...]

    widths = ax2 - ax1 + 1.0
    heights = ay2 - ay1 + 1.0
    ctr_x = ax1 + 0.5 * widths
    ctr_y = ay1 + 0.5 * heights
    dw = jnp.minimum(dw, _CLIP)
    dh = jnp.minimum(dh, _CLIP)
    pcx = dx * widths + ctr_x
    pcy = dy * heights + ctr_y
    pw = jnp.exp(dw) * widths
    ph = jnp.exp(dh) * heights
    x1 = jnp.clip(pcx - 0.5 * pw, 0.0, _IMG_W - 1.0)
    y1 = jnp.clip(pcy - 0.5 * ph, 0.0, _IMG_H - 1.0)
    x2 = jnp.clip(pcx + 0.5 * pw - 1.0, 0.0, _IMG_W - 1.0)
    y2 = jnp.clip(pcy + 0.5 * ph - 1.0, 0.0, _IMG_H - 1.0)
    areas = (x2 - x1 + 1.0) * (y2 - y1 + 1.0)

    idx = _iota1d(_NPAD)
    validf = (idx < _PRE).astype(jnp.float32)

    cols = [v.reshape(_NB, _B) for v in (x1, y1, x2, y2, areas, validf)]
    rows = [v.reshape(_NPAD, 1) for v in (x1, y1, x2, y2, areas)]

    def iou_block(j, i):
        r0 = j * _B
        xr1, yr1, xr2, yr2, ar = (v[r0:r0 + _B] for v in rows)
        xc1, yc1, xc2, yc2, ac, _ = (v[i:i + 1] for v in cols)
        xx1 = jnp.maximum(xr1, xc1)
        yy1 = jnp.maximum(yr1, yc1)
        xx2 = jnp.minimum(xr2, xc2)
        yy2 = jnp.minimum(yr2, yc2)
        w = jnp.maximum(0.0, xx2 - xx1 + 1.0)
        h = jnp.maximum(0.0, yy2 - yy1 + 1.0)
        inter = w * h
        return inter / (ar + ac - inter)

    tri_r = lax.broadcasted_iota(jnp.int32, (_B, _B), 0)
    tri_c = lax.broadcasted_iota(jnp.int32, (_B, _B), 1)
    upper = tri_r < tri_c

    kcols = []
    krows = []
    for i in range(_NB):
        supp = jnp.zeros((1, _B), jnp.float32)
        for j in range(i):
            m = (iou_block(j, i) > _T).astype(jnp.float32)
            supp = jnp.maximum(supp, jnp.max(m * krows[j], axis=0, keepdims=True))
        cand = cols[5][i:i + 1] * (1.0 - supp)
        m_ii = ((iou_block(i, i) > _T) & upper).astype(jnp.float32)

        def body(carry):
            k, _ = carry
            kr = k.reshape(_B, 1)
            s2 = jnp.max(m_ii * kr, axis=0, keepdims=True)
            kn = cand * (1.0 - s2)
            return kn, jnp.any(kn != k)

        k, _ = lax.while_loop(lambda c: c[1], body, (cand, jnp.array(True)))
        kcols.append(k)
        krows.append(k.reshape(_B, 1))

    keep = jnp.concatenate(kcols, axis=1).reshape(_NPAD)

    msc = jnp.where(keep > 0.5, scores, -1.0)
    nk = jnp.sum(keep)
    ck = _cumsum1d(keep)
    cs = _cumsum1d(validf * (1.0 - keep))
    pos = jnp.where(keep > 0.5, ck - 1.0, nk + cs - 1.0)
    pos = jnp.where(validf > 0.5, pos, 3000.0)

    prow = pos.astype(jnp.int32).reshape(1, _NPAD)
    orow = lax.broadcasted_iota(jnp.int32, (_POST, _NPAD), 0)
    onehot = (orow == prow).astype(jnp.float32)
    for c, colv in enumerate((x1, y1, x2, y2, msc)):
        out_ref[:, c] = jnp.sum(onehot * colv.reshape(1, _NPAD), axis=1)


def kernel(anchors, objectness, rpn_box_regression):
    scores = jax.nn.sigmoid(objectness)
    top_scores, top_idx = lax.top_k(scores, _NPAD)
    both = jnp.concatenate([anchors, rpn_box_regression], axis=1)
    g_t = jnp.take(both, top_idx, axis=0).T
    return pl.pallas_call(
        _nms_kernel,
        out_shape=jax.ShapeDtypeStruct((_POST, 5), jnp.float32),
    )(g_t, top_scores)

# --- scband reference (transcript-rebuilt; emitter-appended) ---
"""Pipeline reference for scband-garpnmodule-23244363006289 (READ-ONLY COPY).

The authoritative reference and input builder live on the scoring server;
editing this copy changes nothing except your own understanding.
"""

import jax, jax.numpy as jnp
import numpy as np

IMG_W = 1024.0
IMG_H = 1024.0
N_ANCHORS = 20000
PRE_NMS_TOP_N = 2000
POST_NMS_TOP_N = 1000
NMS_THRESH = 0.7
BBOX_XFORM_CLIP = float(np.log(1000.0 / 16.0))


def setup_inputs(seed: int = 0) -> dict:
    key = jax.random.key(seed)
    k1, k2, k3, k4 = jax.random.split(key, 4)
    # realistic anchor boxes (x1, y1, x2, y2) inside a 1024x1024 image
    ctr = jax.random.uniform(k1, (N_ANCHORS, 2), dtype=jnp.float32) * jnp.array([IMG_W, IMG_H], dtype=jnp.float32)
    wh = jax.random.uniform(k2, (N_ANCHORS, 2), dtype=jnp.float32) * 200.0 + 16.0
    anchors = jnp.concatenate([ctr - 0.5 * wh, ctr + 0.5 * wh], axis=1).astype(jnp.float32)
    objectness = jax.random.normal(k3, (N_ANCHORS,), dtype=jnp.float32)
    rpn_box_regression = (jax.random.normal(k4, (N_ANCHORS, 4), dtype=jnp.float32) * 0.1).astype(jnp.float32)
    return {"anchors": anchors, "objectness": objectness, "rpn_box_regression": rpn_box_regression}


def _decode(rel_codes, boxes):
    # BoxCoder.decode with weights (1,1,1,1), maskrcnn-benchmark convention
    TO_REMOVE = 1.0
    widths = boxes[:, 2] - boxes[:, 0] + TO_REMOVE
    heights = boxes[:, 3] - boxes[:, 1] + TO_REMOVE
    ctr_x = boxes[:, 0] + 0.5 * widths
    ctr_y = boxes[:, 1] + 0.5 * heights
    dx = rel_codes[:, 0]
    dy = rel_codes[:, 1]
    dw = jnp.minimum(rel_codes[:, 2], BBOX_XFORM_CLIP)
    dh = jnp.minimum(rel_codes[:, 3], BBOX_XFORM_CLIP)
    pred_ctr_x = dx * widths + ctr_x
    pred_ctr_y = dy * heights + ctr_y
    pred_w = jnp.exp(dw) * widths
    pred_h = jnp.exp(dh) * heights
    x1 = pred_ctr_x - 0.5 * pred_w
    y1 = pred_ctr_y - 0.5 * pred_h
    x2 = pred_ctr_x + 0.5 * pred_w - 1.0
    y2 = pred_ctr_y + 0.5 * pred_h - 1.0
    return jnp.stack([x1, y1, x2, y2], axis=1)


def _clip_to_image(boxes):
    x1 = jnp.clip(boxes[:, 0], 0.0, IMG_W - 1.0)
    y1 = jnp.clip(boxes[:, 1], 0.0, IMG_H - 1.0)
    x2 = jnp.clip(boxes[:, 2], 0.0, IMG_W - 1.0)
    y2 = jnp.clip(boxes[:, 3], 0.0, IMG_H - 1.0)
    return jnp.stack([x1, y1, x2, y2], axis=1)


def _nms_keep(boxes):
    # greedy NMS over score-descending boxes; returns bool keep mask
    n = boxes.shape[0]
    x1, y1, x2, y2 = boxes[:, 0], boxes[:, 1], boxes[:, 2], boxes[:, 3]
    areas = (x2 - x1 + 1.0) * (y2 - y1 + 1.0)
    xx1 = jnp.maximum(x1[:, None], x1[None, :])
    yy1 = jnp.maximum(y1[:, None], y1[None, :])
    xx2 = jnp.minimum(x2[:, None], x2[None, :])
    yy2 = jnp.minimum(y2[:, None], y2[None, :])
    w = jnp.maximum(0.0, xx2 - xx1 + 1.0)
    h = jnp.maximum(0.0, yy2 - yy1 + 1.0)
    inter = w * h
    iou = inter / (areas[:, None] + areas[None, :] - inter)
    idx = jnp.arange(n)

    def body(i, keep):
        suppress = (iou[i] > NMS_THRESH) & (idx > i) & keep[i]
        return keep & (~suppress)

    return jax.lax.fori_loop(0, n, body, jnp.ones((n,), dtype=bool))


def reference(anchors, objectness, rpn_box_regression):
    # _forward_test path: box_selector_test (decode + pre-NMS topk + clip + NMS +
    # post-NMS topk) followed by sort by objectness descending (RPN_ONLY)
    scores = jax.nn.sigmoid(objectness)
    top_scores, top_idx = jax.lax.top_k(scores, PRE_NMS_TOP_N)
    proposals = _decode(rpn_box_regression[top_idx], anchors[top_idx])
    proposals = _clip_to_image(proposals)
    # boxes already sorted descending by score via top_k
    keep = _nms_keep(jax.lax.stop_gradient(proposals))
    masked_scores = jnp.where(keep, top_scores, -1.0)
    final_scores, sel = jax.lax.top_k(masked_scores, POST_NMS_TOP_N)
    final_boxes = proposals[sel]
    # output: [post_nms_top_n, 5] = (x1, y1, x2, y2, objectness), score-descending
    return jnp.concatenate([final_boxes, final_scores[:, None]], axis=1)

if __name__ == "__main__":
    import jax
    _d = setup_inputs()
    print(jax.jit(kernel)(*tuple(_d.values())))

</pallas_src>

<mosaic_0001>
module attributes {stable_mosaic.version = 14 : i64} {
  func.func @_nms_kernel(%arg0: memref<8x2048xf32, #tpu.memory_space<vmem>>, %arg1: memref<2048xf32, #tpu.memory_space<vmem>>, %arg2: memref<1000x5xf32, #tpu.memory_space<vmem>>) attributes {dimension_semantics = [], scalar_prefetch = 0 : i64, scratch_operands = 0 : i64, tpu.core_type = #tpu.core_type<tc>} {
    %get3A = arith.constant 0 : index
    %get3A_0 = arith.constant 0 : index
    %get3A_1 = vector.load %arg0[%get3A, %get3A_0] : memref<8x2048xf32, #tpu.memory_space<vmem>>, vector<8x2048xf32>
    %slice3A = vector.extract_strided_slice %get3A_1 {offsets = [0, 0], sizes = [1, 2048], strides = [1, 1]} : vector<8x2048xf32> to vector<1x2048xf32>
    %squeeze3A = vector.shape_cast %slice3A : vector<1x2048xf32> to vector<2048xf32>
    %slice3A_2 = vector.extract_strided_slice %get3A_1 {offsets = [1, 0], sizes = [1, 2048], strides = [1, 1]} : vector<8x2048xf32> to vector<1x2048xf32>
    %squeeze3A_3 = vector.shape_cast %slice3A_2 : vector<1x2048xf32> to vector<2048xf32>
    %slice3A_4 = vector.extract_strided_slice %get3A_1 {offsets = [2, 0], sizes = [1, 2048], strides = [1, 1]} : vector<8x2048xf32> to vector<1x2048xf32>
    %squeeze3A_5 = vector.shape_cast %slice3A_4 : vector<1x2048xf32> to vector<2048xf32>
    %slice3A_6 = vector.extract_strided_slice %get3A_1 {offsets = [3, 0], sizes = [1, 2048], strides = [1, 1]} : vector<8x2048xf32> to vector<1x2048xf32>
    %squeeze3A_7 = vector.shape_cast %slice3A_6 : vector<1x2048xf32> to vector<2048xf32>
    %slice3A_8 = vector.extract_strided_slice %get3A_1 {offsets = [4, 0], sizes = [1, 2048], strides = [1, 1]} : vector<8x2048xf32> to vector<1x2048xf32>
    %squeeze3A_9 = vector.shape_cast %slice3A_8 : vector<1x2048xf32> to vector<2048xf32>
    %slice3A_10 = vector.extract_strided_slice %get3A_1 {offsets = [5, 0], sizes = [1, 2048], strides = [1, 1]} : vector<8x2048xf32> to vector<1x2048xf32>
    %squeeze3A_11 = vector.shape_cast %slice3A_10 : vector<1x2048xf32> to vector<2048xf32>
    %slice3A_12 = vector.extract_strided_slice %get3A_1 {offsets = [6, 0], sizes = [1, 2048], strides = [1, 1]} : vector<8x2048xf32> to vector<1x2048xf32>
    %squeeze3A_13 = vector.shape_cast %slice3A_12 : vector<1x2048xf32> to vector<2048xf32>
    %slice3A_14 = vector.extract_strided_slice %get3A_1 {offsets = [7, 0], sizes = [1, 2048], strides = [1, 1]} : vector<8x2048xf32> to vector<1x2048xf32>
    %squeeze3A_15 = vector.shape_cast %slice3A_14 : vector<1x2048xf32> to vector<2048xf32>
    %get3A_16 = arith.constant 0 : index
    %get3A_17 = vector.load %arg1[%get3A_16] : memref<2048xf32, #tpu.memory_space<vmem>>, vector<2048xf32>
    %sub3A = arith.subf %squeeze3A_5, %squeeze3A : vector<2048xf32>
    %add3A = arith.constant 1.000000e+00 : f32
    %add3A_18 = vector.broadcast %add3A : f32 to vector<2048xf32>
    %add3A_19 = arith.addf %sub3A, %add3A_18 : vector<2048xf32>
    %sub3A_20 = arith.subf %squeeze3A_7, %squeeze3A_3 : vector<2048xf32>
    %add3A_21 = arith.constant 1.000000e+00 : f32
    %add3A_22 = vector.broadcast %add3A_21 : f32 to vector<2048xf32>
    %add3A_23 = arith.addf %sub3A_20, %add3A_22 : vector<2048xf32>
    %mul3A = arith.constant 5.000000e-01 : f32
    %mul3A_24 = vector.broadcast %mul3A : f32 to vector<2048xf32>
    %mul3A_25 = arith.mulf %mul3A_24, %add3A_19 : vector<2048xf32>
    %add3A_26 = arith.addf %squeeze3A, %mul3A_25 : vector<2048xf32>
    %mul3A_27 = arith.constant 5.000000e-01 : f32
    %mul3A_28 = vector.broadcast %mul3A_27 : f32 to vector<2048xf32>
    %mul3A_29 = arith.mulf %mul3A_28, %add3A_23 : vector<2048xf32>
    %add3A_30 = arith.addf %squeeze3A_3, %mul3A_29 : vector<2048xf32>
    %min3A = arith.constant 4.13516665 : f32
    %min3A_31 = vector.broadcast %min3A : f32 to vector<2048xf32>
    %min3A_32 = arith.minimumf %squeeze3A_13, %min3A_31 : vector<2048xf32>
    %min3A_33 = arith.constant 4.13516665 : f32
    %min3A_34 = vector.broadcast %min3A_33 : f32 to vector<2048xf32>
    %min3A_35 = arith.minimumf %squeeze3A_15, %min3A_34 : vector<2048xf32>
    %mul3A_36 = arith.mulf %squeeze3A_9, %add3A_19 : vector<2048xf32>
    %add3A_37 = arith.addf %mul3A_36, %add3A_26 : vector<2048xf32>
    %mul3A_38 = arith.mulf %squeeze3A_11, %add3A_23 : vector<2048xf32>
    %add3A_39 = arith.addf %mul3A_38, %add3A_30 : vector<2048xf32>
    %exp3A = math.exp %min3A_32 : vector<2048xf32>
    %mul3A_40 = arith.mulf %exp3A, %add3A_19 : vector<2048xf32>
    %exp3A_41 = math.exp %min3A_35 : vector<2048xf32>
    %mul3A_42 = arith.mulf %exp3A_41, %add3A_23 : vector<2048xf32>
    %mul3A_43 = arith.constant 5.000000e-01 : f32
    %mul3A_44 = vector.broadcast %mul3A_43 : f32 to vector<2048xf32>
    %mul3A_45 = arith.mulf %mul3A_44, %mul3A_40 : vector<2048xf32>
    %sub3A_46 = arith.subf %add3A_37, %mul3A_45 : vector<2048xf32>
    %jit3A = arith.constant 0.000000e+00 : f32
    %jit3A_47 = arith.constant 1.023000e+03 : f32
    %max3A = vector.broadcast %jit3A : f32 to vector<2048xf32>
    %max3A_48 = arith.maximumf %max3A, %sub3A_46 : vector<2048xf32>
    %min3A_49 = vector.broadcast %jit3A_47 : f32 to vector<2048xf32>
    %min3A_50 = arith.minimumf %min3A_49, %max3A_48 : vector<2048xf32>
    %mul3A_51 = arith.constant 5.000000e-01 : f32
    %mul3A_52 = vector.broadcast %mul3A_51 : f32 to vector<2048xf32>
    %mul3A_53 = arith.mulf %mul3A_52, %mul3A_42 : vector<2048xf32>
    %sub3A_54 = arith.subf %add3A_39, %mul3A_53 : vector<2048xf32>
    %jit3A_55 = arith.constant 0.000000e+00 : f32
    %jit3A_56 = arith.constant 1.023000e+03 : f32
    %max3A_57 = vector.broadcast %jit3A_55 : f32 to vector<2048xf32>
    %max3A_58 = arith.maximumf %max3A_57, %sub3A_54 : vector<2048xf32>
    %min3A_59 = vector.broadcast %jit3A_56 : f32 to vector<2048xf32>
    %min3A_60 = arith.minimumf %min3A_59, %max3A_58 : vector<2048xf32>
    %mul3A_61 = arith.constant 5.000000e-01 : f32
    %mul3A_62 = vector.broadcast %mul3A_61 : f32 to vector<2048xf32>
    %mul3A_63 = arith.mulf %mul3A_62, %mul3A_40 : vector<2048xf32>
    %add3A_64 = arith.addf %add3A_37, %mul3A_63 : vector<2048xf32>
    %sub3A_65 = arith.constant 1.000000e+00 : f32
    %sub3A_66 = vector.broadcast %sub3A_65 : f32 to vector<2048xf32>
    %sub3A_67 = arith.subf %add3A_64, %sub3A_66 : vector<2048xf32>
    %jit3A_68 = arith.constant 0.000000e+00 : f32
    %jit3A_69 = arith.constant 1.023000e+03 : f32
    %max3A_70 = vector.broadcast %jit3A_68 : f32 to vector<2048xf32>
    %max3A_71 = arith.maximumf %max3A_70, %sub3A_67 : vector<2048xf32>
    %min3A_72 = vector.broadcast %jit3A_69 : f32 to vector<2048xf32>
    %min3A_73 = arith.minimumf %min3A_72, %max3A_71 : vector<2048xf32>
    %mul3A_74 = arith.constant 5.000000e-01 : f32
    %mul3A_75 = vector.broadcast %mul3A_74 : f32 to vector<2048xf32>
    %mul3A_76 = arith.mulf %mul3A_75, %mul3A_42 : vector<2048xf32>
    %add3A_77 = arith.addf %add3A_39, %mul3A_76 : vector<2048xf32>
    %sub3A_78 = arith.constant 1.000000e+00 : f32
    %sub3A_79 = vector.broadcast %sub3A_78 : f32 to vector<2048xf32>
    %sub3A_80 = arith.subf %add3A_77, %sub3A_79 : vector<2048xf32>
    %jit3A_81 = arith.constant 0.000000e+00 : f32
    %jit3A_82 = arith.constant 1.023000e+03 : f32
    %max3A_83 = vector.broadcast %jit3A_81 : f32 to vector<2048xf32>
    %max3A_84 = arith.maximumf %max3A_83, %sub3A_80 : vector<2048xf32>
    %min3A_85 = vector.broadcast %jit3A_82 : f32 to vector<2048xf32>
    %min3A_86 = arith.minimumf %min3A_85, %max3A_84 : vector<2048xf32>
    %sub3A_87 = arith.subf %min3A_73, %min3A_50 : vector<2048xf32>
    %add3A_88 = arith.constant 1.000000e+00 : f32
    %add3A_89 = vector.broadcast %add3A_88 : f32 to vector<2048xf32>
    %add3A_90 = arith.addf %sub3A_87, %add3A_89 : vector<2048xf32>
    %sub3A_91 = arith.subf %min3A_86, %min3A_60 : vector<2048xf32>
    %add3A_92 = arith.constant 1.000000e+00 : f32
    %add3A_93 = vector.broadcast %add3A_92 : f32 to vector<2048xf32>
    %add3A_94 = arith.addf %sub3A_91, %add3A_93 : vector<2048xf32>
    %mul3A_95 = arith.mulf %add3A_90, %add3A_94 : vector<2048xf32>
    %iota3A = tpu.iota {dimensions = array<i32: 0>} : vector<16x128xi32>
    %iota3A_96 = tpu.iota {dimensions = array<i32: 1>} : vector<16x128xi32>
    %mul3A_97 = arith.constant 128 : i32
    %mul3A_98 = vector.broadcast %mul3A_97 : i32 to vector<16x128xi32>
    %mul3A_99 = arith.muli %iota3A, %mul3A_98 : vector<16x128xi32>
    %add3A_100 = arith.addi %mul3A_99, %iota3A_96 : vector<16x128xi32>
    %reshape3A = vector.shape_cast %add3A_100 : vector<16x128xi32> to vector<2048xi32>
    %lt3A = arith.constant 2000 : i32
    %lt3A_101 = vector.broadcast %lt3A : i32 to vector<2048xi32>
    %lt3A_102 = arith.cmpi slt, %reshape3A, %lt3A_101 : vector<2048xi32>
    %convert_element_type3A = arith.extui %lt3A_102 : vector<2048xi1> to vector<2048xi32>
    %convert_element_type3A_103 = arith.sitofp %convert_element_type3A : vector<2048xi32> to vector<2048xf32>
    %reshape3A_104 = vector.shape_cast %min3A_50 : vector<2048xf32> to vector<8x256xf32>
    %reshape3A_105 = vector.shape_cast %min3A_60 : vector<2048xf32> to vector<8x256xf32>
    %reshape3A_106 = vector.shape_cast %min3A_73 : vector<2048xf32> to vector<8x256xf32>
    %reshape3A_107 = vector.shape_cast %min3A_86 : vector<2048xf32> to vector<8x256xf32>
    %reshape3A_108 = vector.shape_cast %mul3A_95 : vector<2048xf32> to vector<8x256xf32>
    %reshape3A_109 = vector.shape_cast %convert_element_type3A_103 : vector<2048xf32> to vector<8x256xf32>
    %reshape3A_110 = vector.shape_cast %min3A_50 : vector<2048xf32> to vector<2048x1xf32>
    %reshape3A_111 = vector.shape_cast %min3A_60 : vector<2048xf32> to vector<2048x1xf32>
    %reshape3A_112 = vector.shape_cast %min3A_73 : vector<2048xf32> to vector<2048x1xf32>
    %reshape3A_113 = vector.shape_cast %min3A_86 : vector<2048xf32> to vector<2048x1xf32>
    %reshape3A_114 = vector.shape_cast %mul3A_95 : vector<2048xf32> to vector<2048x1xf32>
    %iota3A_115 = tpu.iota {dimensions = array<i32: 0>} : vector<256x256xi32>
    %iota3A_116 = tpu.iota {dimensions = array<i32: 1>} : vector<256x256xi32>
    %lt3A_117 = arith.cmpi slt, %iota3A_115, %iota3A_116 : vector<256x256xi32>
    %broadcast_in_dim3A = arith.constant 0.000000e+00 : f32
    %broadcast_in_dim3A_118 = vector.broadcast %broadcast_in_dim3A : f32 to vector<1x256xf32>
    %slice3A_119 = vector.extract_strided_slice %reshape3A_109 {offsets = [0, 0], sizes = [1, 256], strides = [1, 1]} : vector<8x256xf32> to vector<1x256xf32>
    %sub3A_120 = arith.constant 1.000000e+00 : f32
    %sub3A_121 = vector.broadcast %sub3A_120 : f32 to vector<1x256xf32>
    %sub3A_122 = arith.subf %sub3A_121, %broadcast_in_dim3A_118 : vector<1x256xf32>
    %mul3A_123 = arith.mulf %slice3A_119, %sub3A_122 : vector<1x256xf32>
    %slice3A_124 = vector.extract_strided_slice %reshape3A_110 {offsets = [0, 0], sizes = [256, 1], strides = [1, 1]} : vector<2048x1xf32> to vector<256x1xf32>
    %slice3A_125 = vector.extract_strided_slice %reshape3A_111 {offsets = [0, 0], sizes = [256, 1], strides = [1, 1]} : vector<2048x1xf32> to vector<256x1xf32>
    %slice3A_126 = vector.extract_strided_slice %reshape3A_112 {offsets = [0, 0], sizes = [256, 1], strides = [1, 1]} : vector<2048x1xf32> to vector<256x1xf32>
    %slice3A_127 = vector.extract_strided_slice %reshape3A_113 {offsets = [0, 0], sizes = [256, 1], strides = [1, 1]} : vector<2048x1xf32> to vector<256x1xf32>
    %slice3A_128 = vector.extract_strided_slice %reshape3A_114 {offsets = [0, 0], sizes = [256, 1], strides = [1, 1]} : vector<2048x1xf32> to vector<256x1xf32>
    %slice3A_129 = vector.extract_strided_slice %reshape3A_104 {offsets = [0, 0], sizes = [1, 256], strides = [1, 1]} : vector<8x256xf32> to vector<1x256xf32>
    %slice3A_130 = vector.extract_strided_slice %reshape3A_105 {offsets = [0, 0], sizes = [1, 256], strides = [1, 1]} : vector<8x256xf32> to vector<1x256xf32>
    %slice3A_131 = vector.extract_strided_slice %reshape3A_106 {offsets = [0, 0], sizes = [1, 256], strides = [1, 1]} : vector<8x256xf32> to vector<1x256xf32>
    %slice3A_132 = vector.extract_strided_slice %reshape3A_107 {offsets = [0, 0], sizes = [1, 256], strides = [1, 1]} : vector<8x256xf32> to vector<1x256xf32>
    %slice3A_133 = vector.extract_strided_slice %reshape3A_108 {offsets = [0, 0], sizes = [1, 256], strides = [1, 1]} : vector<8x256xf32> to vector<1x256xf32>
    %max3A_134 = vector.broadcast %slice3A_124 : vector<256x1xf32> to vector<256x256xf32>
    %max3A_135 = vector.broadcast %slice3A_129 : vector<1x256xf32> to vector<256x256xf32>
    %max3A_136 = arith.maximumf %max3A_134, %max3A_135 : vector<256x256xf32>
    %max3A_137 = vector.broadcast %slice3A_125 : vector<256x1xf32> to vector<256x256xf32>
    %max3A_138 = vector.broadcast %slice3A_130 : vector<1x256xf32> to vector<256x256xf32>
    %max3A_139 = arith.maximumf %max3A_137, %max3A_138 : vector<256x256xf32>
    %min3A_140 = vector.broadcast %slice3A_126 : vector<256x1xf32> to vector<256x256xf32>
    %min3A_141 = vector.broadcast %slice3A_131 : vector<1x256xf32> to vector<256x256xf32>
    %min3A_142 = arith.minimumf %min3A_140, %min3A_141 : vector<256x256xf32>
    %min3A_143 = vector.broadcast %slice3A_127 : vector<256x1xf32> to vector<256x256xf32>
    %min3A_144 = vector.broadcast %slice3A_132 : vector<1x256xf32> to vector<256x256xf32>
    %min3A_145 = arith.minimumf %min3A_143, %min3A_144 : vector<256x256xf32>
    %sub3A_146 = arith.subf %min3A_142, %max3A_136 : vector<256x256xf32>
    %add3A_147 = arith.constant 1.000000e+00 : f32
    %add3A_148 = vector.broadcast %add3A_147 : f32 to vector<256x256xf32>
    %add3A_149 = arith.addf %sub3A_146, %add3A_148 : vector<256x256xf32>
    %max3A_150 = arith.constant 0.000000e+00 : f32
    %max3A_151 = vector.broadcast %max3A_150 : f32 to vector<256x256xf32>
    %max3A_152 = arith.maximumf %max3A_151, %add3A_149 : vector<256x256xf32>
    %sub3A_153 = arith.subf %min3A_145, %max3A_139 : vector<256x256xf32>
    %add3A_154 = arith.constant 1.000000e+00 : f32
    %add3A_155 = vector.broadcast %add3A_154 : f32 to vector<256x256xf32>
    %add3A_156 = arith.addf %sub3A_153, %add3A_155 : vector<256x256xf32>
    %max3A_157 = arith.constant 0.000000e+00 : f32
    %max3A_158 = vector.broadcast %max3A_157 : f32 to vector<256x256xf32>
    %max3A_159 = arith.maximumf %max3A_158, %add3A_156 : vector<256x256xf32>
    %mul3A_160 = arith.mulf %max3A_152, %max3A_159 : vector<256x256xf32>
    %add3A_161 = vector.broadcast %slice3A_128 : vector<256x1xf32> to vector<256x256xf32>
    %add3A_162 = vector.broadcast %slice3A_133 : vector<1x256xf32> to vector<256x256xf32>
    %add3A_163 = arith.addf %add3A_161, %add3A_162 : vector<256x256xf32>
    %sub3A_164 = arith.subf %add3A_163, %mul3A_160 : vector<256x256xf32>
    %div3A = arith.divf %mul3A_160, %sub3A_164 : vector<256x256xf32>
    %gt3A = arith.constant 0.699999988 : f32
    %gt3A_165 = vector.broadcast %gt3A : f32 to vector<256x256xf32>
    %gt3A_166 = arith.cmpf ogt, %div3A, %gt3A_165 : vector<256x256xf32>
    %and3A = arith.andi %gt3A_166, %lt3A_117 : vector<256x256xi1>
    %convert_element_type3A_167 = arith.extui %and3A : vector<256x256xi1> to vector<256x256xi32>
    %convert_element_type3A_168 = arith.sitofp %convert_element_type3A_167 : vector<256x256xi32> to vector<256x256xf32>
    %while3A = arith.constant true
    %while3A_169:2 = scf.while (%while3A_2256 = %mul3A_123, %while3A_2257 = %while3A) : (vector<1x256xf32>, i1) -> (vector<1x256xf32>, i1) {
      scf.condition(%while3A_2257) %while3A_2256, %while3A_2257 : vector<1x256xf32>, i1
    } do {
    ^bb0(%while3A_2256: vector<1x256xf32>, %while3A_2257: i1):
      %reshape3A_2258 = vector.shape_cast %while3A_2256 : vector<1x256xf32> to vector<256x1xf32>
      %mul3A_2259 = vector.broadcast %reshape3A_2258 : vector<256x1xf32> to vector<256x256xf32>
      %mul3A_2260 = arith.mulf %convert_element_type3A_168, %mul3A_2259 : vector<256x256xf32>
      %reduce_max3A_2261 = arith.constant dense<0xFF800000> : vector<256xf32>
      %reduce_max3A_2262 = vector.multi_reduction <maximumf>, %mul3A_2260, %reduce_max3A_2261 [0] : vector<256x256xf32> to vector<256xf32>
      %broadcast_in_dim3A_2263 = vector.shape_cast %reduce_max3A_2262 : vector<256xf32> to vector<1x256xf32>
      %sub3A_2264 = arith.constant 1.000000e+00 : f32
      %sub3A_2265 = vector.broadcast %sub3A_2264 : f32 to vector<1x256xf32>
      %sub3A_2266 = arith.subf %sub3A_2265, %broadcast_in_dim3A_2263 : vector<1x256xf32>
      %mul3A_2267 = arith.mulf %mul3A_123, %sub3A_2266 : vector<1x256xf32>
      %ne3A = arith.cmpf one, %mul3A_2267, %while3A_2256 : vector<1x256xf32>
      %reduce_or3A = arith.constant 1.000000e+00 : f32
      %reduce_or3A_2268 = arith.constant 0.000000e+00 : f32
      %reduce_or3A_2269 = vector.broadcast %reduce_or3A : f32 to vector<1x256xf32>
      %reduce_or3A_2270 = vector.broadcast %reduce_or3A_2268 : f32 to vector<1x256xf32>
      %reduce_or3A_2271 = arith.select %ne3A, %reduce_or3A_2269, %reduce_or3A_2270 : vector<1x256xi1>, vector<1x256xf32>
      %reduce_or3A_2272 = vector.shape_cast %reduce_or3A_2271 : vector<1x256xf32> to vector<1x1x256xf32>
      %reduce_or3A_2273 = arith.constant dense<0xFF800000> : vector<1xf32>
      %reduce_or3A_2274 = vector.multi_reduction <maximumf>, %reduce_or3A_2272, %reduce_or3A_2273 [1, 2] : vector<1x1x256xf32> to vector<1xf32>
      %reduce_or3A_2275 = vector.shape_cast %reduce_or3A_2274 : vector<1xf32> to vector<1x1x1xf32>
      %reduce_or3A_2276 = vector.extract %reduce_or3A_2275[0, 0, 0] : f32 from vector<1x1x1xf32>
      %reduce_or3A_2277 = arith.constant 0.000000e+00 : f32
      %reduce_or3A_2278 = arith.cmpf ogt, %reduce_or3A_2276, %reduce_or3A_2277 : f32
      scf.yield %mul3A_2267, %reduce_or3A_2278 : vector<1x256xf32>, i1
    }
    %reshape3A_170 = vector.shape_cast %while3A_169#0 : vector<1x256xf32> to vector<256x1xf32>
    %broadcast_in_dim3A_171 = arith.constant 0.000000e+00 : f32
    %broadcast_in_dim3A_172 = vector.broadcast %broadcast_in_dim3A_171 : f32 to vector<1x256xf32>
    %slice3A_173 = vector.extract_strided_slice %reshape3A_110 {offsets = [0, 0], sizes = [256, 1], strides = [1, 1]} : vector<2048x1xf32> to vector<256x1xf32>
    %slice3A_174 = vector.extract_strided_slice %reshape3A_111 {offsets = [0, 0], sizes = [256, 1], strides = [1, 1]} : vector<2048x1xf32> to vector<256x1xf32>
    %slice3A_175 = vector.extract_strided_slice %reshape3A_112 {offsets = [0, 0], sizes = [256, 1], strides = [1, 1]} : vector<2048x1xf32> to vector<256x1xf32>
    %slice3A_176 = vector.extract_strided_slice %reshape3A_113 {offsets = [0, 0], sizes = [256, 1], strides = [1, 1]} : vector<2048x1xf32> to vector<256x1xf32>
    %slice3A_177 = vector.extract_strided_slice %reshape3A_114 {offsets = [0, 0], sizes = [256, 1], strides = [1, 1]} : vector<2048x1xf32> to vector<256x1xf32>
    %slice3A_178 = vector.extract_strided_slice %reshape3A_104 {offsets = [1, 0], sizes = [1, 256], strides = [1, 1]} : vector<8x256xf32> to vector<1x256xf32>
    %slice3A_179 = vector.extract_strided_slice %reshape3A_105 {offsets = [1, 0], sizes = [1, 256], strides = [1, 1]} : vector<8x256xf32> to vector<1x256xf32>
    %slice3A_180 = vector.extract_strided_slice %reshape3A_106 {offsets = [1, 0], sizes = [1, 256], strides = [1, 1]} : vector<8x256xf32> to vector<1x256xf32>
    %slice3A_181 = vector.extract_strided_slice %reshape3A_107 {offsets = [1, 0], sizes = [1, 256], strides = [1, 1]} : vector<8x256xf32> to vector<1x256xf32>
    %slice3A_182 = vector.extract_strided_slice %reshape3A_108 {offsets = [1, 0], sizes = [1, 256], strides = [1, 1]} : vector<8x256xf32> to vector<1x256xf32>
    %max3A_183 = vector.broadcast %slice3A_173 : vector<256x1xf32> to vector<256x256xf32>
    %max3A_184 = vector.broadcast %slice3A_178 : vector<1x256xf32> to vector<256x256xf32>
    %max3A_185 = arith.maximumf %max3A_183, %max3A_184 : vector<256x256xf32>
    %max3A_186 = vector.broadcast %slice3A_174 : vector<256x1xf32> to vector<256x256xf32>
    %max3A_187 = vector.broadcast %slice3A_179 : vector<1x256xf32> to vector<256x256xf32>
    %max3A_188 = arith.maximumf %max3A_186, %max3A_187 : vector<256x256xf32>
    %min3A_189 = vector.broadcast %slice3A_175 : vector<256x1xf32> to vector<256x256xf32>
    %min3A_190 = vector.broadcast %slice3A_180 : vector<1x256xf32> to vector<256x256xf32>
    %min3A_191 = arith.minimumf %min3A_189, %min3A_190 : vector<256x256xf32>
    %min3A_192 = vector.broadcast %slice3A_176 : vector<256x1xf32> to vector<256x256xf32>
    %min3A_193 = vector.broadcast %slice3A_181 : vector<1x256xf32> to vector<256x256xf32>
    %min3A_194 = arith.minimumf %min3A_192, %min3A_193 : vector<256x256xf32>
    %sub3A_195 = arith.subf %min3A_191, %max3A_185 : vector<256x256xf32>
    %add3A_196 = arith.constant 1.000000e+00 : f32
    %add3A_197 = vector.broadcast %add3A_196 : f32 to vector<256x256xf32>
    %add3A_198 = arith.addf %sub3A_195, %add3A_197 : vector<256x256xf32>
    %max3A_199 = arith.constant 0.000000e+00 : f32
    %max3A_200 = vector.broadcast %max3A_199 : f32 to vector<256x256xf32>
    %max3A_201 = arith.maximumf %max3A_200, %add3A_198 : vector<256x256xf32>
    %sub3A_202 = arith.subf %min3A_194, %max3A_188 : vector<256x256xf32>
    %add3A_203 = arith.constant 1.000000e+00 : f32
    %add3A_204 = vector.broadcast %add3A_203 : f32 to vector<256x256xf32>
    %add3A_205 = arith.addf %sub3A_202, %add3A_204 : vector<256x256xf32>
    %max3A_206 = arith.constant 0.000000e+00 : f32
    %max3A_207 = vector.broadcast %max3A_206 : f32 to vector<256x256xf32>
    %max3A_208 = arith.maximumf %max3A_207, %add3A_205 : vector<256x256xf32>
    %mul3A_209 = arith.mulf %max3A_201, %max3A_208 : vector<256x256xf32>
    %add3A_210 = vector.broadcast %slice3A_177 : vector<256x1xf32> to vector<256x256xf32>
    %add3A_211 = vector.broadcast %slice3A_182 : vector<1x256xf32> to vector<256x256xf32>
    %add3A_212 = arith.addf %add3A_210, %add3A_211 : vector<256x256xf32>
    %sub3A_213 = arith.subf %add3A_212, %mul3A_209 : vector<256x256xf32>
    %div3A_214 = arith.divf %mul3A_209, %sub3A_213 : vector<256x256xf32>
    %gt3A_215 = arith.constant 0.699999988 : f32
    %gt3A_216 = vector.broadcast %gt3A_215 : f32 to vector<256x256xf32>
    %gt3A_217 = arith.cmpf ogt, %div3A_214, %gt3A_216 : vector<256x256xf32>
    %convert_element_type3A_218 = arith.extui %gt3A_217 : vector<256x256xi1> to vector<256x256xi32>
    %convert_element_type3A_219 = arith.sitofp %convert_element_type3A_218 : vector<256x256xi32> to vector<256x256xf32>
    %mul3A_220 = vector.broadcast %reshape3A_170 : vector<256x1xf32> to vector<256x256xf32>
    %mul3A_221 = arith.mulf %convert_element_type3A_219, %mul3A_220 : vector<256x256xf32>
    %reduce_max3A = arith.constant dense<0xFF800000> : vector<256xf32>
    %reduce_max3A_222 = vector.multi_reduction <maximumf>, %mul3A_221, %reduce_max3A [0] : vector<256x256xf32> to vector<256xf32>
    %broadcast_in_dim3A_223 = vector.shape_cast %reduce_max3A_222 : vector<256xf32> to vector<1x256xf32>
    %max3A_224 = arith.maximumf %broadcast_in_dim3A_172, %broadcast_in_dim3A_223 : vector<1x256xf32>
    %slice3A_225 = vector.extract_strided_slice %reshape3A_109 {offsets = [1, 0], sizes = [1, 256], strides = [1, 1]} : vector<8x256xf32> to vector<1x256xf32>
    %sub3A_226 = arith.constant 1.000000e+00 : f32
    %sub3A_227 = vector.broadcast %sub3A_226 : f32 to vector<1x256xf32>
    %sub3A_228 = arith.subf %sub3A_227, %max3A_224 : vector<1x256xf32>
    %mul3A_229 = arith.mulf %slice3A_225, %sub3A_228 : vector<1x256xf32>
    %slice3A_230 = vector.extract_strided_slice %reshape3A_110 {offsets = [256, 0], sizes = [256, 1], strides = [1, 1]} : vector<2048x1xf32> to vector<256x1xf32>
    %slice3A_231 = vector.extract_strided_slice %reshape3A_111 {offsets = [256, 0], sizes = [256, 1], strides = [1, 1]} : vector<2048x1xf32> to vector<256x1xf32>
    %slice3A_232 = vector.extract_strided_slice %reshape3A_112 {offsets = [256, 0], sizes = [256, 1], strides = [1, 1]} : vector<2048x1xf32> to vector<256x1xf32>
    %slice3A_233 = vector.extract_strided_slice %reshape3A_113 {offsets = [256, 0], sizes = [256, 1], strides = [1, 1]} : vector<2048x1xf32> to vector<256x1xf32>
    %slice3A_234 = vector.extract_strided_slice %reshape3A_114 {offsets = [256, 0], sizes = [256, 1], strides = [1, 1]} : vector<2048x1xf32> to vector<256x1xf32>
    %slice3A_235 = vector.extract_strided_slice %reshape3A_104 {offsets = [1, 0], sizes = [1, 256], strides = [1, 1]} : vector<8x256xf32> to vector<1x256xf32>
    %slice3A_236 = vector.extract_strided_slice %reshape3A_105 {offsets = [1, 0], sizes = [1, 256], strides = [1, 1]} : vector<8x256xf32> to vector<1x256xf32>
    %slice3A_237 = vector.extract_strided_slice %reshape3A_106 {offsets = [1, 0], sizes = [1, 256], strides = [1, 1]} : vector<8x256xf32> to vector<1x256xf32>
    %slice3A_238 = vector.extract_strided_slice %reshape3A_107 {offsets = [1, 0], sizes = [1, 256], strides = [1, 1]} : vector<8x256xf32> to vector<1x256xf32>
    %slice3A_239 = vector.extract_strided_slice %reshape3A_108 {offsets = [1, 0], sizes = [1, 256], strides = [1, 1]} : vector<8x256xf32> to vector<1x256xf32>
    %max3A_240 = vector.broadcast %slice3A_230 : vector<256x1xf32> to vector<256x256xf32>
    %max3A_241 = vector.broadcast %slice3A_235 : vector<1x256xf32> to vector<256x256xf32>
    %max3A_242 = arith.maximumf %max3A_240, %max3A_241 : vector<256x256xf32>
    %max3A_243 = vector.broadcast %slice3A_231 : vector<256x1xf32> to vector<256x256xf32>
    %max3A_244 = vector.broadcast %slice3A_236 : vector<1x256xf32> to vector<256x256xf32>
    %max3A_245 = arith.maximumf %max3A_243, %max3A_244 : vector<256x256xf32>
    %min3A_246 = vector.broadcast %slice3A_232 : vector<256x1xf32> to vector<256x256xf32>
    %min3A_247 = vector.broadcast %slice3A_237 : vector<1x256xf32> to vector<256x256xf32>
    %min3A_248 = arith.minimumf %min3A_246, %min3A_247 : vector<256x256xf32>
    %min3A_249 = vector.broadcast %slice3A_233 : vector<256x1xf32> to vector<256x256xf32>
    %min3A_250 = vector.broadcast %slice3A_238 : vector<1x256xf32> to vector<256x256xf32>
    %min3A_251 = arith.minimumf %min3A_249, %min3A_250 : vector<256x256xf32>
    %sub3A_252 = arith.subf %min3A_248, %max3A_242 : vector<256x256xf32>
    %add3A_253 = arith.constant 1.000000e+00 : f32
    %add3A_254 = vector.broadcast %add3A_253 : f32 to vector<256x256xf32>
    %add3A_255 = arith.addf %sub3A_252, %add3A_254 : vector<256x256xf32>
    %max3A_256 = arith.constant 0.000000e+00 : f32
    %max3A_257 = vector.broadcast %max3A_256 : f32 to vector<256x256xf32>
    %max3A_258 = arith.maximumf %max3A_257, %add3A_255 : vector<256x256xf32>
    %sub3A_259 = arith.subf %min3A_251, %max3A_245 : vector<256x256xf32>
    %add3A_260 = arith.constant 1.000000e+00 : f32
    %add3A_261 = vector.broadcast %add3A_260 : f32 to vector<256x256xf32>
    %add3A_262 = arith.addf %sub3A_259, %add3A_261 : vector<256x256xf32>
    %max3A_263 = arith.constant 0.000000e+00 : f32
    %max3A_264 = vector.broadcast %max3A_263 : f32 to vector<256x256xf32>
    %max3A_265 = arith.maximumf %max3A_264, %add3A_262 : vector<256x256xf32>
    %mul3A_266 = arith.mulf %max3A_258, %max3A_265 : vector<256x256xf32>
    %add3A_267 = vector.broadcast %slice3A_234 : vector<256x1xf32> to vector<256x256xf32>
    %add3A_268 = vector.broadcast %slice3A_239 : vector<1x256xf32> to vector<256x256xf32>
    %add3A_269 = arith.addf %add3A_267, %add3A_268 : vector<256x256xf32>
    %sub3A_270 = arith.subf %add3A_269, %mul3A_266 : vector<256x256xf32>
    %div3A_271 = arith.divf %mul3A_266, %sub3A_270 : vector<256x256xf32>
    %gt3A_272 = arith.constant 0.699999988 : f32
    %gt3A_273 = vector.broadcast %gt3A_272 : f32 to vector<256x256xf32>
    %gt3A_274 = arith.cmpf ogt, %div3A_271, %gt3A_273 : vector<256x256xf32>
    %and3A_275 = arith.andi %gt3A_274, %lt3A_117 : vector<256x256xi1>
    %convert_element_type3A_276 = arith.extui %and3A_275 : vector<256x256xi1> to vector<256x256xi32>
    %convert_element_type3A_277 = arith.sitofp %convert_element_type3A_276 : vector<256x256xi32> to vector<256x256xf32>
    %while3A_278 = arith.constant true
    %while3A_279:2 = scf.while (%while3A_2256 = %mul3A_229, %while3A_2257 = %while3A_278) : (vector<1x256xf32>, i1) -> (vector<1x256xf32>, i1) {
      scf.condition(%while3A_2257) %while3A_2256, %while3A_2257 : vector<1x256xf32>, i1
    } do {
    ^bb0(%while3A_2256: vector<1x256xf32>, %while3A_2257: i1):
      %reshape3A_2258 = vector.shape_cast %while3A_2256 : vector<1x256xf32> to vector<256x1xf32>
      %mul3A_2259 = vector.broadcast %reshape3A_2258 : vector<256x1xf32> to vector<256x256xf32>
      %mul3A_2260 = arith.mulf %convert_element_type3A_277, %mul3A_2259 : vector<256x256xf32>
      %reduce_max3A_2261 = arith.constant dense<0xFF800000> : vector<256xf32>
      %reduce_max3A_2262 = vector.multi_reduction <maximumf>, %mul3A_2260, %reduce_max3A_2261 [0] : vector<256x256xf32> to vector<256xf32>
      %broadcast_in_dim3A_2263 = vector.shape_cast %reduce_max3A_2262 : vector<256xf32> to vector<1x256xf32>
      %sub3A_2264 = arith.constant 1.000000e+00 : f32
      %sub3A_2265 = vector.broadcast %sub3A_2264 : f32 to vector<1x256xf32>
      %sub3A_2266 = arith.subf %sub3A_2265, %broadcast_in_dim3A_2263 : vector<1x256xf32>
      %mul3A_2267 = arith.mulf %mul3A_229, %sub3A_2266 : vector<1x256xf32>
      %ne3A = arith.cmpf one, %mul3A_2267, %while3A_2256 : vector<1x256xf32>
      %reduce_or3A = arith.constant 1.000000e+00 : f32
      %reduce_or3A_2268 = arith.constant 0.000000e+00 : f32
      %reduce_or3A_2269 = vector.broadcast %reduce_or3A : f32 to vector<1x256xf32>
      %reduce_or3A_2270 = vector.broadcast %reduce_or3A_2268 : f32 to vector<1x256xf32>
      %reduce_or3A_2271 = arith.select %ne3A, %reduce_or3A_2269, %reduce_or3A_2270 : vector<1x256xi1>, vector<1x256xf32>
      %reduce_or3A_2272 = vector.shape_cast %reduce_or3A_2271 : vector<1x256xf32> to vector<1x1x256xf32>
      %reduce_or3A_2273 = arith.constant dense<0xFF800000> : vector<1xf32>
      %reduce_or3A_2274 = vector.multi_reduction <maximumf>, %reduce_or3A_2272, %reduce_or3A_2273 [1, 2] : vector<1x1x256xf32> to vector<1xf32>
      %reduce_or3A_2275 = vector.shape_cast %reduce_or3A_2274 : vector<1xf32> to vector<1x1x1xf32>
      %reduce_or3A_2276 = vector.extract %reduce_or3A_2275[0, 0, 0] : f32 from vector<1x1x1xf32>
      %reduce_or3A_2277 = arith.constant 0.000000e+00 : f32
      %reduce_or3A_2278 = arith.cmpf ogt, %reduce_or3A_2276, %reduce_or3A_2277 : f32
      scf.yield %mul3A_2267, %reduce_or3A_2278 : vector<1x256xf32>, i1
    }
    %reshape3A_280 = vector.shape_cast %while3A_279#0 : vector<1x256xf32> to vector<256x1xf32>
    %broadcast_in_dim3A_281 = arith.constant 0.000000e+00 : f32
    %broadcast_in_dim3A_282 = vector.broadcast %broadcast_in_dim3A_281 : f32 to vector<1x256xf32>
    %slice3A_283 = vector.extract_strided_slice %reshape3A_110 {offsets = [0, 0], sizes = [256, 1], strides = [1, 1]} : vector<2048x1xf32> to vector<256x1xf32>
    %slice3A_284 = vector.extract_strided_slice %reshape3A_111 {offsets = [0, 0], sizes = [256, 1], strides = [1, 1]} : vector<2048x1xf32> to vector<256x1xf32>
    %slice3A_285 = vector.extract_strided_slice %reshape3A_112 {offsets = [0, 0], sizes = [256, 1], strides = [1, 1]} : vector<2048x1xf32> to vector<256x1xf32>
    %slice3A_286 = vector.extract_strided_slice %reshape3A_113 {offsets = [0, 0], sizes = [256, 1], strides = [1, 1]} : vector<2048x1xf32> to vector<256x1xf32>
    %slice3A_287 = vector.extract_strided_slice %reshape3A_114 {offsets = [0, 0], sizes = [256, 1], strides = [1, 1]} : vector<2048x1xf32> to vector<256x1xf32>
    %slice3A_288 = vector.extract_strided_slice %reshape3A_104 {offsets = [2, 0], sizes = [1, 256], strides = [1, 1]} : vector<8x256xf32> to vector<1x256xf32>
    %slice3A_289 = vector.extract_strided_slice %reshape3A_105 {offsets = [2, 0], sizes = [1, 256], strides = [1, 1]} : vector<8x256xf32> to vector<1x256xf32>
    %slice3A_290 = vector.extract_strided_slice %reshape3A_106 {offsets = [2, 0], sizes = [1, 256], strides = [1, 1]} : vector<8x256xf32> to vector<1x256xf32>
    %slice3A_291 = vector.extract_strided_slice %reshape3A_107 {offsets = [2, 0], sizes = [1, 256], strides = [1, 1]} : vector<8x256xf32> to vector<1x256xf32>
    %slice3A_292 = vector.extract_strided_slice %reshape3A_108 {offsets = [2, 0], sizes = [1, 256], strides = [1, 1]} : vector<8x256xf32> to vector<1x256xf32>
    %max3A_293 = vector.broadcast %slice3A_283 : vector<256x1xf32> to vector<256x256xf32>
    %max3A_294 = vector.broadcast %slice3A_288 : vector<1x256xf32> to vector<256x256xf32>
    %max3A_295 = arith.maximumf %max3A_293, %max3A_294 : vector<256x256xf32>
    %max3A_296 = vector.broadcast %slice3A_284 : vector<256x1xf32> to vector<256x256xf32>
    %max3A_297 = vector.broadcast %slice3A_289 : vector<1x256xf32> to vector<256x256xf32>
    %max3A_298 = arith.maximumf %max3A_296, %max3A_297 : vector<256x256xf32>
    %min3A_299 = vector.broadcast %slice3A_285 : vector<256x1xf32> to vector<256x256xf32>
    %min3A_300 = vector.broadcast %slice3A_290 : vector<1x256xf32> to vector<256x256xf32>
    %min3A_301 = arith.minimumf %min3A_299, %min3A_300 : vector<256x256xf32>
    %min3A_302 = vector.broadcast %slice3A_286 : vector<256x1xf32> to vector<256x256xf32>
    %min3A_303 = vector.broadcast %slice3A_291 : vector<1x256xf32> to vector<256x256xf32>
    %min3A_304 = arith.minimumf %min3A_302, %min3A_303 : vector<256x256xf32>
    %sub3A_305 = arith.subf %min3A_301, %max3A_295 : vector<256x256xf32>
    %add3A_306 = arith.constant 1.000000e+00 : f32
    %add3A_307 = vector.broadcast %add3A_306 : f32 to vector<256x256xf32>
    %add3A_308 = arith.addf %sub3A_305, %add3A_307 : vector<256x256xf32>
    %max3A_309 = arith.constant 0.000000e+00 : f32
    %max3A_310 = vector.broadcast %max3A_309 : f32 to vector<256x256xf32>
    %max3A_311 = arith.maximumf %max3A_310, %add3A_308 : vector<256x256xf32>
    %sub3A_312 = arith.subf %min3A_304, %max3A_298 : vector<256x256xf32>
    %add3A_313 = arith.constant 1.000000e+00 : f32
    %add3A_314 = vector.broadcast %add3A_313 : f32 to vector<256x256xf32>
    %add3A_315 = arith.addf %sub3A_312, %add3A_314 : vector<256x256xf32>
    %max3A_316 = arith.constant 0.000000e+00 : f32
    %max3A_317 = vector.broadcast %max3A_316 : f32 to vector<256x256xf32>
    %max3A_318 = arith.maximumf %max3A_317, %add3A_315 : vector<256x256xf32>
    %mul3A_319 = arith.mulf %max3A_311, %max3A_318 : vector<256x256xf32>
    %add3A_320 = vector.broadcast %slice3A_287 : vector<256x1xf32> to vector<256x256xf32>
    %add3A_321 = vector.broadcast %slice3A_292 : vector<1x256xf32> to vector<256x256xf32>
    %add3A_322 = arith.addf %add3A_320, %add3A_321 : vector<256x256xf32>
    %sub3A_323 = arith.subf %add3A_322, %mul3A_319 : vector<256x256xf32>
    %div3A_324 = arith.divf %mul3A_319, %sub3A_323 : vector<256x256xf32>
    %gt3A_325 = arith.constant 0.699999988 : f32
    %gt3A_326 = vector.broadcast %gt3A_325 : f32 to vector<256x256xf32>
    %gt3A_327 = arith.cmpf ogt, %div3A_324, %gt3A_326 : vector<256x256xf32>
    %convert_element_type3A_328 = arith.extui %gt3A_327 : vector<256x256xi1> to vector<256x256xi32>
    %convert_element_type3A_329 = arith.sitofp %convert_element_type3A_328 : vector<256x256xi32> to vector<256x256xf32>
    %mul3A_330 = vector.broadcast %reshape3A_170 : vector<256x1xf32> to vector<256x256xf32>
    %mul3A_331 = arith.mulf %convert_element_type3A_329, %mul3A_330 : vector<256x256xf32>
    %reduce_max3A_332 = arith.constant dense<0xFF800000> : vector<256xf32>
    %reduce_max3A_333 = vector.multi_reduction <maximumf>, %mul3A_331, %reduce_max3A_332 [0] : vector<256x256xf32> to vector<256xf32>
    %broadcast_in_dim3A_334 = vector.shape_cast %reduce_max3A_333 : vector<256xf32> to vector<1x256xf32>
    %max3A_335 = arith.maximumf %broadcast_in_dim3A_282, %broadcast_in_dim3A_334 : vector<1x256xf32>
    %slice3A_336 = vector.extract_strided_slice %reshape3A_110 {offsets = [256, 0], sizes = [256, 1], strides = [1, 1]} : vector<2048x1xf32> to vector<256x1xf32>
    %slice3A_337 = vector.extract_strided_slice %reshape3A_111 {offsets = [256, 0], sizes = [256, 1], strides = [1, 1]} : vector<2048x1xf32> to vector<256x1xf32>
    %slice3A_338 = vector.extract_strided_slice %reshape3A_112 {offsets = [256, 0], sizes = [256, 1], strides = [1, 1]} : vector<2048x1xf32> to vector<256x1xf32>
    %slice3A_339 = vector.extract_strided_slice %reshape3A_113 {offsets = [256, 0], sizes = [256, 1], strides = [1, 1]} : vector<2048x1xf32> to vector<256x1xf32>
    %slice3A_340 = vector.extract_strided_slice %reshape3A_114 {offsets = [256, 0], sizes = [256, 1], strides = [1, 1]} : vector<2048x1xf32> to vector<256x1xf32>
    %slice3A_341 = vector.extract_strided_slice %reshape3A_104 {offsets = [2, 0], sizes = [1, 256], strides = [1, 1]} : vector<8x256xf32> to vector<1x256xf32>
    %slice3A_342 = vector.extract_strided_slice %reshape3A_105 {offsets = [2, 0], sizes = [1, 256], strides = [1, 1]} : vector<8x256xf32> to vector<1x256xf32>
    %slice3A_343 = vector.extract_strided_slice %reshape3A_106 {offsets = [2, 0], sizes = [1, 256], strides = [1, 1]} : vector<8x256xf32> to vector<1x256xf32>
    %slice3A_344 = vector.extract_strided_slice %reshape3A_107 {offsets = [2, 0], sizes = [1, 256], strides = [1, 1]} : vector<8x256xf32> to vector<1x256xf32>
    %slice3A_345 = vector.extract_strided_slice %reshape3A_108 {offsets = [2, 0], sizes = [1, 256], strides = [1, 1]} : vector<8x256xf32> to vector<1x256xf32>
    %max3A_346 = vector.broadcast %slice3A_336 : vector<256x1xf32> to vector<256x256xf32>
    %max3A_347 = vector.broadcast %slice3A_341 : vector<1x256xf32> to vector<256x256xf32>
    %max3A_348 = arith.maximumf %max3A_346, %max3A_347 : vector<256x256xf32>
    %max3A_349 = vector.broadcast %slice3A_337 : vector<256x1xf32> to vector<256x256xf32>
    %max3A_350 = vector.broadcast %slice3A_342 : vector<1x256xf32> to vector<256x256xf32>
    %max3A_351 = arith.maximumf %max3A_349, %max3A_350 : vector<256x256xf32>
    %min3A_352 = vector.broadcast %slice3A_338 : vector<256x1xf32> to vector<256x256xf32>
    %min3A_353 = vector.broadcast %slice3A_343 : vector<1x256xf32> to vector<256x256xf32>
    %min3A_354 = arith.minimumf %min3A_352, %min3A_353 : vector<256x256xf32>
    %min3A_355 = vector.broadcast %slice3A_339 : vector<256x1xf32> to vector<256x256xf32>
    %min3A_356 = vector.broadcast %slice3A_344 : vector<1x256xf32> to vector<256x256xf32>
    %min3A_357 = arith.minimumf %min3A_355, %min3A_356 : vector<256x256xf32>
    %sub3A_358 = arith.subf %min3A_354, %max3A_348 : vector<256x256xf32>
    %add3A_359 = arith.constant 1.000000e+00 : f32
    %add3A_360 = vector.broadcast %add3A_359 : f32 to vector<256x256xf32>
    %add3A_361 = arith.addf %sub3A_358, %add3A_360 : vector<256x256xf32>
    %max3A_362 = arith.constant 0.000000e+00 : f32
    %max3A_363 = vector.broadcast %max3A_362 : f32 to vector<256x256xf32>
    %max3A_364 = arith.maximumf %max3A_363, %add3A_361 : vector<256x256xf32>
    %sub3A_365 = arith.subf %min3A_357, %max3A_351 : vector<256x256xf32>
    %add3A_366 = arith.constant 1.000000e+00 : f32
    %add3A_367 = vector.broadcast %add3A_366 : f32 to vector<256x256xf32>
    %add3A_368 = arith.addf %sub3A_365, %add3A_367 : vector<256x256xf32>
    %max3A_369 = arith.constant 0.000000e+00 : f32
    %max3A_370 = vector.broadcast %max3A_369 : f32 to vector<256x256xf32>
    %max3A_371 = arith.maximumf %max3A_370, %add3A_368 : vector<256x256xf32>
    %mul3A_372 = arith.mulf %max3A_364, %max3A_371 : vector<256x256xf32>
    %add3A_373 = vector.broadcast %slice3A_340 : vector<256x1xf32> to vector<256x256xf32>
    %add3A_374 = vector.broadcast %slice3A_345 : vector<1x256xf32> to vector<256x256xf32>
    %add3A_375 = arith.addf %add3A_373, %add3A_374 : vector<256x256xf32>
    %sub3A_376 = arith.subf %add3A_375, %mul3A_372 : vector<256x256xf32>
    %div3A_377 = arith.divf %mul3A_372, %sub3A_376 : vector<256x256xf32>
    %gt3A_378 = arith.constant 0.699999988 : f32
    %gt3A_379 = vector.broadcast %gt3A_378 : f32 to vector<256x256xf32>
    %gt3A_380 = arith.cmpf ogt, %div3A_377, %gt3A_379 : vector<256x256xf32>
    %convert_element_type3A_381 = arith.extui %gt3A_380 : vector<256x256xi1> to vector<256x256xi32>
    %convert_element_type3A_382 = arith.sitofp %convert_element_type3A_381 : vector<256x256xi32> to vector<256x256xf32>
    %mul3A_383 = vector.broadcast %reshape3A_280 : vector<256x1xf32> to vector<256x256xf32>
    %mul3A_384 = arith.mulf %convert_element_type3A_382, %mul3A_383 : vector<256x256xf32>
    %reduce_max3A_385 = arith.constant dense<0xFF800000> : vector<256xf32>
    %reduce_max3A_386 = vector.multi_reduction <maximumf>, %mul3A_384, %reduce_max3A_385 [0] : vector<256x256xf32> to vector<256xf32>
    %broadcast_in_dim3A_387 = vector.shape_cast %reduce_max3A_386 : vector<256xf32> to vector<1x256xf32>
    %max3A_388 = arith.maximumf %max3A_335, %broadcast_in_dim3A_387 : vector<1x256xf32>
    %slice3A_389 = vector.extract_strided_slice %reshape3A_109 {offsets = [2, 0], sizes = [1, 256], strides = [1, 1]} : vector<8x256xf32> to vector<1x256xf32>
    %sub3A_390 = arith.constant 1.000000e+00 : f32
    %sub3A_391 = vector.broadcast %sub3A_390 : f32 to vector<1x256xf32>
    %sub3A_392 = arith.subf %sub3A_391, %max3A_388 : vector<1x256xf32>
    %mul3A_393 = arith.mulf %slice3A_389, %sub3A_392 : vector<1x256xf32>
    %slice3A_394 = vector.extract_strided_slice %reshape3A_110 {offsets = [512, 0], sizes = [256, 1], strides = [1, 1]} : vector<2048x1xf32> to vector<256x1xf32>
    %slice3A_395 = vector.extract_strided_slice %reshape3A_111 {offsets = [512, 0], sizes = [256, 1], strides = [1, 1]} : vector<2048x1xf32> to vector<256x1xf32>
    %slice3A_396 = vector.extract_strided_slice %reshape3A_112 {offsets = [512, 0], sizes = [256, 1], strides = [1, 1]} : vector<2048x1xf32> to vector<256x1xf32>
    %slice3A_397 = vector.extract_strided_slice %reshape3A_113 {offsets = [512, 0], sizes = [256, 1], strides = [1, 1]} : vector<2048x1xf32> to vector<256x1xf32>
    %slice3A_398 = vector.extract_strided_slice %reshape3A_114 {offsets = [512, 0], sizes = [256, 1], strides = [1, 1]} : vector<2048x1xf32> to vector<256x1xf32>
    %slice3A_399 = vector.extract_strided_slice %reshape3A_104 {offsets = [2, 0], sizes = [1, 256], strides = [1, 1]} : vector<8x256xf32> to vector<1x256xf32>
    %slice3A_400 = vector.extract_strided_slice %reshape3A_105 {offsets = [2, 0], sizes = [1, 256], strides = [1, 1]} : vector<8x256xf32> to vector<1x256xf32>
    %slice3A_401 = vector.extract_strided_slice %reshape3A_106 {offsets = [2, 0], sizes = [1, 256], strides = [1, 1]} : vector<8x256xf32> to vector<1x256xf32>
    %slice3A_402 = vector.extract_strided_slice %reshape3A_107 {offsets = [2, 0], sizes = [1, 256], strides = [1, 1]} : vector<8x256xf32> to vector<1x256xf32>
    %slice3A_403 = vector.extract_strided_slice %reshape3A_108 {offsets = [2, 0], sizes = [1, 256], strides = [1, 1]} : vector<8x256xf32> to vector<1x256xf32>
    %max3A_404 = vector.broadcast %slice3A_394 : vector<256x1xf32> to vector<256x256xf32>
    %max3A_405 = vector.broadcast %slice3A_399 : vector<1x256xf32> to vector<256x256xf32>
    %max3A_406 = arith.maximumf %max3A_404, %max3A_405 : vector<256x256xf32>
    %max3A_407 = vector.broadcast %slice3A_395 : vector<256x1xf32> to vector<256x256xf32>
    %max3A_408 = vector.broadcast %slice3A_400 : vector<1x256xf32> to vector<256x256xf32>
    %max3A_409 = arith.maximumf %max3A_407, %max3A_408 : vector<256x256xf32>
    %min3A_410 = vector.broadcast %slice3A_396 : vector<256x1xf32> to vector<256x256xf32>
    %min3A_411 = vector.broadcast %slice3A_401 : vector<1x256xf32> to vector<256x256xf32>
    %min3A_412 = arith.minimumf %min3A_410, %min3A_411 : vector<256x256xf32>
    %min3A_413 = vector.broadcast %slice3A_397 : vector<256x1xf32> to vector<256x256xf32>
    %min3A_414 = vector.broadcast %slice3A_402 : vector<1x256xf32> to vector<256x256xf32>
    %min3A_415 = arith.minimumf %min3A_413, %min3A_414 : vector<256x256xf32>
    %sub3A_416 = arith.subf %min3A_412, %max3A_406 : vector<256x256xf32>
    %add3A_417 = arith.constant 1.000000e+00 : f32
    %add3A_418 = vector.broadcast %add3A_417 : f32 to vector<256x256xf32>
    %add3A_419 = arith.addf %sub3A_416, %add3A_418 : vector<256x256xf32>
    %max3A_420 = arith.constant 0.000000e+00 : f32
    %max3A_421 = vector.broadcast %max3A_420 : f32 to vector<256x256xf32>
    %max3A_422 = arith.maximumf %max3A_421, %add3A_419 : vector<256x256xf32>
    %sub3A_423 = arith.subf %min3A_415, %max3A_409 : vector<256x256xf32>
    %add3A_424 = arith.constant 1.000000e+00 : f32
    %add3A_425 = vector.broadcast %add3A_424 : f32 to vector<256x256xf32>
    %add3A_426 = arith.addf %sub3A_423, %add3A_425 : vector<256x256xf32>
    %max3A_427 = arith.constant 0.000000e+00 : f32
    %max3A_428 = vector.broadcast %max3A_427 : f32 to vector<256x256xf32>
    %max3A_429 = arith.maximumf %max3A_428, %add3A_426 : vector<256x256xf32>
    %mul3A_430 = arith.mulf %max3A_422, %max3A_429 : vector<256x256xf32>
    %add3A_431 = vector.broadcast %slice3A_398 : vector<256x1xf32> to vector<256x256xf32>
    %add3A_432 = vector.broadcast %slice3A_403 : vector<1x256xf32> to vector<256x256xf32>
    %add3A_433 = arith.addf %add3A_431, %add3A_432 : vector<256x256xf32>
    %sub3A_434 = arith.subf %add3A_433, %mul3A_430 : vector<256x256xf32>
    %div3A_435 = arith.divf %mul3A_430, %sub3A_434 : vector<256x256xf32>
    %gt3A_436 = arith.constant 0.699999988 : f32
    %gt3A_437 = vector.broadcast %gt3A_436 : f32 to vector<256x256xf32>
    %gt3A_438 = arith.cmpf ogt, %div3A_435, %gt3A_437 : vector<256x256xf32>
    %and3A_439 = arith.andi %gt3A_438, %lt3A_117 : vector<256x256xi1>
    %convert_element_type3A_440 = arith.extui %and3A_439 : vector<256x256xi1> to vector<256x256xi32>
    %convert_element_type3A_441 = arith.sitofp %convert_element_type3A_440 : vector<256x256xi32> to vector<256x256xf32>
    %while3A_442 = arith.constant true
    %while3A_443:2 = scf.while (%while3A_2256 = %mul3A_393, %while3A_2257 = %while3A_442) : (vector<1x256xf32>, i1) -> (vector<1x256xf32>, i1) {
      scf.condition(%while3A_2257) %while3A_2256, %while3A_2257 : vector<1x256xf32>, i1
    } do {
    ^bb0(%while3A_2256: vector<1x256xf32>, %while3A_2257: i1):
      %reshape3A_2258 = vector.shape_cast %while3A_2256 : vector<1x256xf32> to vector<256x1xf32>
      %mul3A_2259 = vector.broadcast %reshape3A_2258 : vector<256x1xf32> to vector<256x256xf32>
      %mul3A_2260 = arith.mulf %convert_element_type3A_441, %mul3A_2259 : vector<256x256xf32>
      %reduce_max3A_2261 = arith.constant dense<0xFF800000> : vector<256xf32>
      %reduce_max3A_2262 = vector.multi_reduction <maximumf>, %mul3A_2260, %reduce_max3A_2261 [0] : vector<256x256xf32> to vector<256xf32>
      %broadcast_in_dim3A_2263 = vector.shape_cast %reduce_max3A_2262 : vector<256xf32> to vector<1x256xf32>
      %sub3A_2264 = arith.constant 1.000000e+00 : f32
      %sub3A_2265 = vector.broadcast %sub3A_2264 : f32 to vector<1x256xf32>
      %sub3A_2266 = arith.subf %sub3A_2265, %broadcast_in_dim3A_2263 : vector<1x256xf32>
      %mul3A_2267 = arith.mulf %mul3A_393, %sub3A_2266 : vector<1x256xf32>
      %ne3A = arith.cmpf one, %mul3A_2267, %while3A_2256 : vector<1x256xf32>
      %reduce_or3A = arith.constant 1.000000e+00 : f32
      %reduce_or3A_2268 = arith.constant 0.000000e+00 : f32
      %reduce_or3A_2269 = vector.broadcast %reduce_or3A : f32 to vector<1x256xf32>
      %reduce_or3A_2270 = vector.broadcast %reduce_or3A_2268 : f32 to vector<1x256xf32>
      %reduce_or3A_2271 = arith.select %ne3A, %reduce_or3A_2269, %reduce_or3A_2270 : vector<1x256xi1>, vector<1x256xf32>
      %reduce_or3A_2272 = vector.shape_cast %reduce_or3A_2271 : vector<1x256xf32> to vector<1x1x256xf32>
      %reduce_or3A_2273 = arith.constant dense<0xFF800000> : vector<1xf32>
      %reduce_or3A_2274 = vector.multi_reduction <maximumf>, %reduce_or3A_2272, %reduce_or3A_2273 [1, 2] : vector<1x1x256xf32> to vector<1xf32>
      %reduce_or3A_2275 = vector.shape_cast %reduce_or3A_2274 : vector<1xf32> to vector<1x1x1xf32>
      %reduce_or3A_2276 = vector.extract %reduce_or3A_2275[0, 0, 0] : f32 from vector<1x1x1xf32>
      %reduce_or3A_2277 = arith.constant 0.000000e+00 : f32
      %reduce_or3A_2278 = arith.cmpf ogt, %reduce_or3A_2276, %reduce_or3A_2277 : f32
      scf.yield %mul3A_2267, %reduce_or3A_2278 : vector<1x256xf32>, i1
    }
    %reshape3A_444 = vector.shape_cast %while3A_443#0 : vector<1x256xf32> to vector<256x1xf32>
    %broadcast_in_dim3A_445 = arith.constant 0.000000e+00 : f32
    %broadcast_in_dim3A_446 = vector.broadcast %broadcast_in_dim3A_445 : f32 to vector<1x256xf32>
    %slice3A_447 = vector.extract_strided_slice %reshape3A_110 {offsets = [0, 0], sizes = [256, 1], strides = [1, 1]} : vector<2048x1xf32> to vector<256x1xf32>
    %slice3A_448 = vector.extract_strided_slice %reshape3A_111 {offsets = [0, 0], sizes = [256, 1], strides = [1, 1]} : vector<2048x1xf32> to vector<256x1xf32>
    %slice3A_449 = vector.extract_strided_slice %reshape3A_112 {offsets = [0, 0], sizes = [256, 1], strides = [1, 1]} : vector<2048x1xf32> to vector<256x1xf32>
    %slice3A_450 = vector.extract_strided_slice %reshape3A_113 {offsets = [0, 0], sizes = [256, 1], strides = [1, 1]} : vector<2048x1xf32> to vector<256x1xf32>
    %slice3A_451 = vector.extract_strided_slice %reshape3A_114 {offsets = [0, 0], sizes = [256, 1], strides = [1, 1]} : vector<2048x1xf32> to vector<256x1xf32>
    %slice3A_452 = vector.extract_strided_slice %reshape3A_104 {offsets = [3, 0], sizes = [1, 256], strides = [1, 1]} : vector<8x256xf32> to vector<1x256xf32>
    %slice3A_453 = vector.extract_strided_slice %reshape3A_105 {offsets = [3, 0], sizes = [1, 256], strides = [1, 1]} : vector<8x256xf32> to vector<1x256xf32>
    %slice3A_454 = vector.extract_strided_slice %reshape3A_106 {offsets = [3, 0], sizes = [1, 256], strides = [1, 1]} : vector<8x256xf32> to vector<1x256xf32>
    %slice3A_455 = vector.extract_strided_slice %reshape3A_107 {offsets = [3, 0], sizes = [1, 256], strides = [1, 1]} : vector<8x256xf32> to vector<1x256xf32>
    %slice3A_456 = vector.extract_strided_slice %reshape3A_108 {offsets = [3, 0], sizes = [1, 256], strides = [1, 1]} : vector<8x256xf32> to vector<1x256xf32>
    %max3A_457 = vector.broadcast %slice3A_447 : vector<256x1xf32> to vector<256x256xf32>
    %max3A_458 = vector.broadcast %slice3A_452 : vector<1x256xf32> to vector<256x256xf32>
    %max3A_459 = arith.maximumf %max3A_457, %max3A_458 : vector<256x256xf32>
    %max3A_460 = vector.broadcast %slice3A_448 : vector<256x1xf32> to vector<256x256xf32>
    %max3A_461 = vector.broadcast %slice3A_453 : vector<1x256xf32> to vector<256x256xf32>
    %max3A_462 = arith.maximumf %max3A_460, %max3A_461 : vector<256x256xf32>
    %min3A_463 = vector.broadcast %slice3A_449 : vector<256x1xf32> to vector<256x256xf32>
    %min3A_464 = vector.broadcast %slice3A_454 : vector<1x256xf32> to vector<256x256xf32>
    %min3A_465 = arith.minimumf %min3A_463, %min3A_464 : vector<256x256xf32>
    %min3A_466 = vector.broadcast %slice3A_450 : vector<256x1xf32> to vector<256x256xf32>
    %min3A_467 = vector.broadcast %slice3A_455 : vector<1x256xf32> to vector<256x256xf32>
    %min3A_468 = arith.minimumf %min3A_466, %min3A_467 : vector<256x256xf32>
    %sub3A_469 = arith.subf %min3A_465, %max3A_459 : vector<256x256xf32>
    %add3A_470 = arith.constant 1.000000e+00 : f32
    %add3A_471 = vector.broadcast %add3A_470 : f32 to vector<256x256xf32>
    %add3A_472 = arith.addf %sub3A_469, %add3A_471 : vector<256x256xf32>
    %max3A_473 = arith.constant 0.000000e+00 : f32
    %max3A_474 = vector.broadcast %max3A_473 : f32 to vector<256x256xf32>
    %max3A_475 = arith.maximumf %max3A_474, %add3A_472 : vector<256x256xf32>
    %sub3A_476 = arith.subf %min3A_468, %max3A_462 : vector<256x256xf32>
    %add3A_477 = arith.constant 1.000000e+00 : f32
    %add3A_478 = vector.broadcast %add3A_477 : f32 to vector<256x256xf32>
    %add3A_479 = arith.addf %sub3A_476, %add3A_478 : vector<256x256xf32>
    %max3A_480 = arith.constant 0.000000e+00 : f32
    %max3A_481 = vector.broadcast %max3A_480 : f32 to vector<256x256xf32>
    %max3A_482 = arith.maximumf %max3A_481, %add3A_479 : vector<256x256xf32>
    %mul3A_483 = arith.mulf %max3A_475, %max3A_482 : vector<256x256xf32>
    %add3A_484 = vector.broadcast %slice3A_451 : vector<256x1xf32> to vector<256x256xf32>
    %add3A_485 = vector.broadcast %slice3A_456 : vector<1x256xf32> to vector<256x256xf32>
    %add3A_486 = arith.addf %add3A_484, %add3A_485 : vector<256x256xf32>
    %sub3A_487 = arith.subf %add3A_486, %mul3A_483 : vector<256x256xf32>
    %div3A_488 = arith.divf %mul3A_483, %sub3A_487 : vector<256x256xf32>
    %gt3A_489 = arith.constant 0.699999988 : f32
    %gt3A_490 = vector.broadcast %gt3A_489 : f32 to vector<256x256xf32>
    %gt3A_491 = arith.cmpf ogt, %div3A_488, %gt3A_490 : vector<256x256xf32>
    %convert_element_type3A_492 = arith.extui %gt3A_491 : vector<256x256xi1> to vector<256x256xi32>
    %convert_element_type3A_493 = arith.sitofp %convert_element_type3A_492 : vector<256x256xi32> to vector<256x256xf32>
    %mul3A_494 = vector.broadcast %reshape3A_170 : vector<256x1xf32> to vector<256x256xf32>
    %mul3A_495 = arith.mulf %convert_element_type3A_493, %mul3A_494 : vector<256x256xf32>
    %reduce_max3A_496 = arith.constant dense<0xFF800000> : vector<256xf32>
    %reduce_max3A_497 = vector.multi_reduction <maximumf>, %mul3A_495, %reduce_max3A_496 [0] : vector<256x256xf32> to vector<256xf32>
    %broadcast_in_dim3A_498 = vector.shape_cast %reduce_max3A_497 : vector<256xf32> to vector<1x256xf32>
    %max3A_499 = arith.maximumf %broadcast_in_dim3A_446, %broadcast_in_dim3A_498 : vector<1x256xf32>
    %slice3A_500 = vector.extract_strided_slice %reshape3A_110 {offsets = [256, 0], sizes = [256, 1], strides = [1, 1]} : vector<2048x1xf32> to vector<256x1xf32>
    %slice3A_501 = vector.extract_strided_slice %reshape3A_111 {offsets = [256, 0], sizes = [256, 1], strides = [1, 1]} : vector<2048x1xf32> to vector<256x1xf32>
    %slice3A_502 = vector.extract_strided_slice %reshape3A_112 {offsets = [256, 0], sizes = [256, 1], strides = [1, 1]} : vector<2048x1xf32> to vector<256x1xf32>
    %slice3A_503 = vector.extract_strided_slice %reshape3A_113 {offsets = [256, 0], sizes = [256, 1], strides = [1, 1]} : vector<2048x1xf32> to vector<256x1xf32>
    %slice3A_504 = vector.extract_strided_slice %reshape3A_114 {offsets = [256, 0], sizes = [256, 1], strides = [1, 1]} : vector<2048x1xf32> to vector<256x1xf32>
    %slice3A_505 = vector.extract_strided_slice %reshape3A_104 {offsets = [3, 0], sizes = [1, 256], strides = [1, 1]} : vector<8x256xf32> to vector<1x256xf32>
    %slice3A_506 = vector.extract_strided_slice %reshape3A_105 {offsets = [3, 0], sizes = [1, 256], strides = [1, 1]} : vector<8x256xf32> to vector<1x256xf32>
    %slice3A_507 = vector.extract_strided_slice %reshape3A_106 {offsets = [3, 0], sizes = [1, 256], strides = [1, 1]} : vector<8x256xf32> to vector<1x256xf32>
    %slice3A_508 = vector.extract_strided_slice %reshape3A_107 {offsets = [3, 0], sizes = [1, 256], strides = [1, 1]} : vector<8x256xf32> to vector<1x256xf32>
    %slice3A_509 = vector.extract_strided_slice %reshape3A_108 {offsets = [3, 0], sizes = [1, 256], strides = [1, 1]} : vector<8x256xf32> to vector<1x256xf32>
    %max3A_510 = vector.broadcast %slice3A_500 : vector<256x1xf32> to vector<256x256xf32>
    %max3A_511 = vector.broadcast %slice3A_505 : vector<1x256xf32> to vector<256x256xf32>
    %max3A_512 = arith.maximumf %max3A_510, %max3A_511 : vector<256x256xf32>
    %max3A_513 = vector.broadcast %slice3A_501 : vector<256x1xf32> to vector<256x256xf32>
    %max3A_514 = vector.broadcast %slice3A_506 : vector<1x256xf32> to vector<256x256xf32>
    %max3A_515 = arith.maximumf %max3A_513, %max3A_514 : vector<256x256xf32>
    %min3A_516 = vector.broadcast %slice3A_502 : vector<256x1xf32> to vector<256x256xf32>
    %min3A_517 = vector.broadcast %slice3A_507 : vector<1x256xf32> to vector<256x256xf32>
    %min3A_518 = arith.minimumf %min3A_516, %min3A_517 : vector<256x256xf32>
    %min3A_519 = vector.broadcast %slice3A_503 : vector<256x1xf32> to vector<256x256xf32>
    %min3A_520 = vector.broadcast %slice3A_508 : vector<1x256xf32> to vector<256x256xf32>
    %min3A_521 = arith.minimumf %min3A_519, %min3A_520 : vector<256x256xf32>
    %sub3A_522 = arith.subf %min3A_518, %max3A_512 : vector<256x256xf32>
    %add3A_523 = arith.constant 1.000000e+00 : f32
    %add3A_524 = vector.broadcast %add3A_523 : f32 to vector<256x256xf32>
    %add3A_525 = arith.addf %sub3A_522, %add3A_524 : vector<256x256xf32>
    %max3A_526 = arith.constant 0.000000e+00 : f32
    %max3A_527 = vector.broadcast %max3A_526 : f32 to vector<256x256xf32>
    %max3A_528 = arith.maximumf %max3A_527, %add3A_525 : vector<256x256xf32>
    %sub3A_529 = arith.subf %min3A_521, %max3A_515 : vector<256x256xf32>
    %add3A_530 = arith.constant 1.000000e+00 : f32
    %add3A_531 = vector.broadcast %add3A_530 : f32 to vector<256x256xf32>
    %add3A_532 = arith.addf %sub3A_529, %add3A_531 : vector<256x256xf32>
    %max3A_533 = arith.constant 0.000000e+00 : f32
    %max3A_534 = vector.broadcast %max3A_533 : f32 to vector<256x256xf32>
    %max3A_535 = arith.maximumf %max3A_534, %add3A_532 : vector<256x256xf32>
    %mul3A_536 = arith.mulf %max3A_528, %max3A_535 : vector<256x256xf32>
    %add3A_537 = vector.broadcast %slice3A_504 : vector<256x1xf32> to vector<256x256xf32>
    %add3A_538 = vector.broadcast %slice3A_509 : vector<1x256xf32> to vector<256x256xf32>
    %add3A_539 = arith.addf %add3A_537, %add3A_538 : vector<256x256xf32>
    %sub3A_540 = arith.subf %add3A_539, %mul3A_536 : vector<256x256xf32>
    %div3A_541 = arith.divf %mul3A_536, %sub3A_540 : vector<256x256xf32>
    %gt3A_542 = arith.constant 0.699999988 : f32
    %gt3A_543 = vector.broadcast %gt3A_542 : f32 to vector<256x256xf32>
    %gt3A_544 = arith.cmpf ogt, %div3A_541, %gt3A_543 : vector<256x256xf32>
    %convert_element_type3A_545 = arith.extui %gt3A_544 : vector<256x256xi1> to vector<256x256xi32>
    %convert_element_type3A_546 = arith.sitofp %convert_element_type3A_545 : vector<256x256xi32> to vector<256x256xf32>
    %mul3A_547 = vector.broadcast %reshape3A_280 : vector<256x1xf32> to vector<256x256xf32>
    %mul3A_548 = arith.mulf %convert_element_type3A_546, %mul3A_547 : vector<256x256xf32>
    %reduce_max3A_549 = arith.constant dense<0xFF800000> : vector<256xf32>
    %reduce_max3A_550 = vector.multi_reduction <maximumf>, %mul3A_548, %reduce_max3A_549 [0] : vector<256x256xf32> to vector<256xf32>
    %broadcast_in_dim3A_551 = vector.shape_cast %reduce_max3A_550 : vector<256xf32> to vector<1x256xf32>
    %max3A_552 = arith.maximumf %max3A_499, %broadcast_in_dim3A_551 : vector<1x256xf32>
    %slice3A_553 = vector.extract_strided_slice %reshape3A_110 {offsets = [512, 0], sizes = [256, 1], strides = [1, 1]} : vector<2048x1xf32> to vector<256x1xf32>
    %slice3A_554 = vector.extract_strided_slice %reshape3A_111 {offsets = [512, 0], sizes = [256, 1], strides = [1, 1]} : vector<2048x1xf32> to vector<256x1xf32>
    %slice3A_555 = vector.extract_strided_slice %reshape3A_112 {offsets = [512, 0], sizes = [256, 1], strides = [1, 1]} : vector<2048x1xf32> to vector<256x1xf32>
    %slice3A_556 = vector.extract_strided_slice %reshape3A_113 {offsets = [512, 0], sizes = [256, 1], strides = [1, 1]} : vector<2048x1xf32> to vector<256x1xf32>
    %slice3A_557 = vector.extract_strided_slice %reshape3A_114 {offsets = [512, 0], sizes = [256, 1], strides = [1, 1]} : vector<2048x1xf32> to vector<256x1xf32>
    %slice3A_558 = vector.extract_strided_slice %reshape3A_104 {offsets = [3, 0], sizes = [1, 256], strides = [1, 1]} : vector<8x256xf32> to vector<1x256xf32>
    %slice3A_559 = vector.extract_strided_slice %reshape3A_105 {offsets = [3, 0], sizes = [1, 256], strides = [1, 1]} : vector<8x256xf32> to vector<1x256xf32>
    %slice3A_560 = vector.extract_strided_slice %reshape3A_106 {offsets = [3, 0], sizes = [1, 256], strides = [1, 1]} : vector<8x256xf32> to vector<1x256xf32>
    %slice3A_561 = vector.extract_strided_slice %reshape3A_107 {offsets = [3, 0], sizes = [1, 256], strides = [1, 1]} : vector<8x256xf32> to vector<1x256xf32>
    %slice3A_562 = vector.extract_strided_slice %reshape3A_108 {offsets = [3, 0], sizes = [1, 256], strides = [1, 1]} : vector<8x256xf32> to vector<1x256xf32>
    %max3A_563 = vector.broadcast %slice3A_553 : vector<256x1xf32> to vector<256x256xf32>
    %max3A_564 = vector.broadcast %slice3A_558 : vector<1x256xf32> to vector<256x256xf32>
    %max3A_565 = arith.maximumf %max3A_563, %max3A_564 : vector<256x256xf32>
    %max3A_566 = vector.broadcast %slice3A_554 : vector<256x1xf32> to vector<256x256xf32>
    %max3A_567 = vector.broadcast %slice3A_559 : vector<1x256xf32> to vector<256x256xf32>
    %max3A_568 = arith.maximumf %max3A_566, %max3A_567 : vector<256x256xf32>
    %min3A_569 = vector.broadcast %slice3A_555 : vector<256x1xf32> to vector<256x256xf32>
    %min3A_570 = vector.broadcast %slice3A_560 : vector<1x256xf32> to vector<256x256xf32>
    %min3A_571 = arith.minimumf %min3A_569, %min3A_570 : vector<256x256xf32>
    %min3A_572 = vector.broadcast %slice3A_556 : vector<256x1xf32> to vector<256x256xf32>
    %min3A_573 = vector.broadcast %slice3A_561 : vector<1x256xf32> to vector<256x256xf32>
    %min3A_574 = arith.minimumf %min3A_572, %min3A_573 : vector<256x256xf32>
    %sub3A_575 = arith.subf %min3A_571, %max3A_565 : vector<256x256xf32>
    %add3A_576 = arith.constant 1.000000e+00 : f32
    %add3A_577 = vector.broadcast %add3A_576 : f32 to vector<256x256xf32>
    %add3A_578 = arith.addf %sub3A_575, %add3A_577 : vector<256x256xf32>
    %max3A_579 = arith.constant 0.000000e+00 : f32
    %max3A_580 = vector.broadcast %max3A_579 : f32 to vector<256x256xf32>
    %max3A_581 = arith.maximumf %max3A_580, %add3A_578 : vector<256x256xf32>
    %sub3A_582 = arith.subf %min3A_574, %max3A_568 : vector<256x256xf32>
    %add3A_583 = arith.constant 1.000000e+00 : f32
    %add3A_584 = vector.broadcast %add3A_583 : f32 to vector<256x256xf32>
    %add3A_585 = arith.addf %sub3A_582, %add3A_584 : vector<256x256xf32>
    %max3A_586 = arith.constant 0.000000e+00 : f32
    %max3A_587 = vector.broadcast %max3A_586 : f32 to vector<256x256xf32>
    %max3A_588 = arith.maximumf %max3A_587, %add3A_585 : vector<256x256xf32>
    %mul3A_589 = arith.mulf %max3A_581, %max3A_588 : vector<256x256xf32>
    %add3A_590 = vector.broadcast %slice3A_557 : vector<256x1xf32> to vector<256x256xf32>
    %add3A_591 = vector.broadcast %slice3A_562 : vector<1x256xf32> to vector<256x256xf32>
    %add3A_592 = arith.addf %add3A_590, %add3A_591 : vector<256x256xf32>
    %sub3A_593 = arith.subf %add3A_592, %mul3A_589 : vector<256x256xf32>
    %div3A_594 = arith.divf %mul3A_589, %sub3A_593 : vector<256x256xf32>
    %gt3A_595 = arith.constant 0.699999988 : f32
    %gt3A_596 = vector.broadcast %gt3A_595 : f32 to vector<256x256xf32>
    %gt3A_597 = arith.cmpf ogt, %div3A_594, %gt3A_596 : vector<256x256xf32>
    %convert_element_type3A_598 = arith.extui %gt3A_597 : vector<256x256xi1> to vector<256x256xi32>
    %convert_element_type3A_599 = arith.sitofp %convert_element_type3A_598 : vector<256x256xi32> to vector<256x256xf32>
    %mul3A_600 = vector.broadcast %reshape3A_444 : vector<256x1xf32> to vector<256x256xf32>
    %mul3A_601 = arith.mulf %convert_element_type3A_599, %mul3A_600 : vector<256x256xf32>
    %reduce_max3A_602 = arith.constant dense<0xFF800000> : vector<256xf32>
    %reduce_max3A_603 = vector.multi_reduction <maximumf>, %mul3A_601, %reduce_max3A_602 [0] : vector<256x256xf32> to vector<256xf32>
    %broadcast_in_dim3A_604 = vector.shape_cast %reduce_max3A_603 : vector<256xf32> to vector<1x256xf32>
    %max3A_605 = arith.maximumf %max3A_552, %broadcast_in_dim3A_604 : vector<1x256xf32>
    %slice3A_606 = vector.extract_strided_slice %reshape3A_109 {offsets = [3, 0], sizes = [1, 256], strides = [1, 1]} : vector<8x256xf32> to vector<1x256xf32>
    %sub3A_607 = arith.constant 1.000000e+00 : f32
    %sub3A_608 = vector.broadcast %sub3A_607 : f32 to vector<1x256xf32>
    %sub3A_609 = arith.subf %sub3A_608, %max3A_605 : vector<1x256xf32>
    %mul3A_610 = arith.mulf %slice3A_606, %sub3A_609 : vector<1x256xf32>
    %slice3A_611 = vector.extract_strided_slice %reshape3A_110 {offsets = [768, 0], sizes = [256, 1], strides = [1, 1]} : vector<2048x1xf32> to vector<256x1xf32>
    %slice3A_612 = vector.extract_strided_slice %reshape3A_111 {offsets = [768, 0], sizes = [256, 1], strides = [1, 1]} : vector<2048x1xf32> to vector<256x1xf32>
    %slice3A_613 = vector.extract_strided_slice %reshape3A_112 {offsets = [768, 0], sizes = [256, 1], strides = [1, 1]} : vector<2048x1xf32> to vector<256x1xf32>
    %slice3A_614 = vector.extract_strided_slice %reshape3A_113 {offsets = [768, 0], sizes = [256, 1], strides = [1, 1]} : vector<2048x1xf32> to vector<256x1xf32>
    %slice3A_615 = vector.extract_strided_slice %reshape3A_114 {offsets = [768, 0], sizes = [256, 1], strides = [1, 1]} : vector<2048x1xf32> to vector<256x1xf32>
    %slice3A_616 = vector.extract_strided_slice %reshape3A_104 {offsets = [3, 0], sizes = [1, 256], strides = [1, 1]} : vector<8x256xf32> to vector<1x256xf32>
    %slice3A_617 = vector.extract_strided_slice %reshape3A_105 {offsets = [3, 0], sizes = [1, 256], strides = [1, 1]} : vector<8x256xf32> to vector<1x256xf32>
    %slice3A_618 = vector.extract_strided_slice %reshape3A_106 {offsets = [3, 0], sizes = [1, 256], strides = [1, 1]} : vector<8x256xf32> to vector<1x256xf32>
    %slice3A_619 = vector.extract_strided_slice %reshape3A_107 {offsets = [3, 0], sizes = [1, 256], strides = [1, 1]} : vector<8x256xf32> to vector<1x256xf32>
    %slice3A_620 = vector.extract_strided_slice %reshape3A_108 {offsets = [3, 0], sizes = [1, 256], strides = [1, 1]} : vector<8x256xf32> to vector<1x256xf32>
    %max3A_621 = vector.broadcast %slice3A_611 : vector<256x1xf32> to vector<256x256xf32>
    %max3A_622 = vector.broadcast %slice3A_616 : vector<1x256xf32> to vector<256x256xf32>
    %max3A_623 = arith.maximumf %max3A_621, %max3A_622 : vector<256x256xf32>
    %max3A_624 = vector.broadcast %slice3A_612 : vector<256x1xf32> to vector<256x256xf32>
    %max3A_625 = vector.broadcast %slice3A_617 : vector<1x256xf32> to vector<256x256xf32>
    %max3A_626 = arith.maximumf %max3A_624, %max3A_625 : vector<256x256xf32>
    %min3A_627 = vector.broadcast %slice3A_613 : vector<256x1xf32> to vector<256x256xf32>
    %min3A_628 = vector.broadcast %slice3A_618 : vector<1x256xf32> to vector<256x256xf32>
    %min3A_629 = arith.minimumf %min3A_627, %min3A_628 : vector<256x256xf32>
    %min3A_630 = vector.broadcast %slice3A_614 : vector<256x1xf32> to vector<256x256xf32>
    %min3A_631 = vector.broadcast %slice3A_619 : vector<1x256xf32> to vector<256x256xf32>
    %min3A_632 = arith.minimumf %min3A_630, %min3A_631 : vector<256x256xf32>
    %sub3A_633 = arith.subf %min3A_629, %max3A_623 : vector<256x256xf32>
    %add3A_634 = arith.constant 1.000000e+00 : f32
    %add3A_635 = vector.broadcast %add3A_634 : f32 to vector<256x256xf32>
    %add3A_636 = arith.addf %sub3A_633, %add3A_635 : vector<256x256xf32>
    %max3A_637 = arith.constant 0.000000e+00 : f32
    %max3A_638 = vector.broadcast %max3A_637 : f32 to vector<256x256xf32>
    %max3A_639 = arith.maximumf %max3A_638, %add3A_636 : vector<256x256xf32>
    %sub3A_640 = arith.subf %min3A_632, %max3A_626 : vector<256x256xf32>
    %add3A_641 = arith.constant 1.000000e+00 : f32
    %add3A_642 = vector.broadcast %add3A_641 : f32 to vector<256x256xf32>
    %add3A_643 = arith.addf %sub3A_640, %add3A_642 : vector<256x256xf32>
    %max3A_644 = arith.constant 0.000000e+00 : f32
    %max3A_645 = vector.broadcast %max3A_644 : f32 to vector<256x256xf32>
    %max3A_646 = arith.maximumf %max3A_645, %add3A_643 : vector<256x256xf32>
    %mul3A_647 = arith.mulf %max3A_639, %max3A_646 : vector<256x256xf32>
    %add3A_648 = vector.broadcast %slice3A_615 : vector<256x1xf32> to vector<256x256xf32>
    %add3A_649 = vector.broadcast %slice3A_620 : vector<1x256xf32> to vector<256x256xf32>
    %add3A_650 = arith.addf %add3A_648, %add3A_649 : vector<256x256xf32>
    %sub3A_651 = arith.subf %add3A_650, %mul3A_647 : vector<256x256xf32>
    %div3A_652 = arith.divf %mul3A_647, %sub3A_651 : vector<256x256xf32>
    %gt3A_653 = arith.constant 0.699999988 : f32
    %gt3A_654 = vector.broadcast %gt3A_653 : f32 to vector<256x256xf32>
    %gt3A_655 = arith.cmpf ogt, %div3A_652, %gt3A_654 : vector<256x256xf32>
    %and3A_656 = arith.andi %gt3A_655, %lt3A_117 : vector<256x256xi1>
    %convert_element_type3A_657 = arith.extui %and3A_656 : vector<256x256xi1> to vector<256x256xi32>
    %convert_element_type3A_658 = arith.sitofp %convert_element_type3A_657 : vector<256x256xi32> to vector<256x256xf32>
    %while3A_659 = arith.constant true
    %while3A_660:2 = scf.while (%while3A_2256 = %mul3A_610, %while3A_2257 = %while3A_659) : (vector<1x256xf32>, i1) -> (vector<1x256xf32>, i1) {
      scf.condition(%while3A_2257) %while3A_2256, %while3A_2257 : vector<1x256xf32>, i1
    } do {
    ^bb0(%while3A_2256: vector<1x256xf32>, %while3A_2257: i1):
      %reshape3A_2258 = vector.shape_cast %while3A_2256 : vector<1x256xf32> to vector<256x1xf32>
      %mul3A_2259 = vector.broadcast %reshape3A_2258 : vector<256x1xf32> to vector<256x256xf32>
      %mul3A_2260 = arith.mulf %convert_element_type3A_658, %mul3A_2259 : vector<256x256xf32>
      %reduce_max3A_2261 = arith.constant dense<0xFF800000> : vector<256xf32>
      %reduce_max3A_2262 = vector.multi_reduction <maximumf>, %mul3A_2260, %reduce_max3A_2261 [0] : vector<256x256xf32> to vector<256xf32>
      %broadcast_in_dim3A_2263 = vector.shape_cast %reduce_max3A_2262 : vector<256xf32> to vector<1x256xf32>
      %sub3A_2264 = arith.constant 1.000000e+00 : f32
      %sub3A_2265 = vector.broadcast %sub3A_2264 : f32 to vector<1x256xf32>
      %sub3A_2266 = arith.subf %sub3A_2265, %broadcast_in_dim3A_2263 : vector<1x256xf32>
      %mul3A_2267 = arith.mulf %mul3A_610, %sub3A_2266 : vector<1x256xf32>
      %ne3A = arith.cmpf one, %mul3A_2267, %while3A_2256 : vector<1x256xf32>
      %reduce_or3A = arith.constant 1.000000e+00 : f32
      %reduce_or3A_2268 = arith.constant 0.000000e+00 : f32
      %reduce_or3A_2269 = vector.broadcast %reduce_or3A : f32 to vector<1x256xf32>
      %reduce_or3A_2270 = vector.broadcast %reduce_or3A_2268 : f32 to vector<1x256xf32>
      %reduce_or3A_2271 = arith.select %ne3A, %reduce_or3A_2269, %reduce_or3A_2270 : vector<1x256xi1>, vector<1x256xf32>
      %reduce_or3A_2272 = vector.shape_cast %reduce_or3A_2271 : vector<1x256xf32> to vector<1x1x256xf32>
      %reduce_or3A_2273 = arith.constant dense<0xFF800000> : vector<1xf32>
      %reduce_or3A_2274 = vector.multi_reduction <maximumf>, %reduce_or3A_2272, %reduce_or3A_2273 [1, 2] : vector<1x1x256xf32> to vector<1xf32>
      %reduce_or3A_2275 = vector.shape_cast %reduce_or3A_2274 : vector<1xf32> to vector<1x1x1xf32>
      %reduce_or3A_2276 = vector.extract %reduce_or3A_2275[0, 0, 0] : f32 from vector<1x1x1xf32>
      %reduce_or3A_2277 = arith.constant 0.000000e+00 : f32
      %reduce_or3A_2278 = arith.cmpf ogt, %reduce_or3A_2276, %reduce_or3A_2277 : f32
      scf.yield %mul3A_2267, %reduce_or3A_2278 : vector<1x256xf32>, i1
    }
    %reshape3A_661 = vector.shape_cast %while3A_660#0 : vector<1x256xf32> to vector<256x1xf32>
    %broadcast_in_dim3A_662 = arith.constant 0.000000e+00 : f32
    %broadcast_in_dim3A_663 = vector.broadcast %broadcast_in_dim3A_662 : f32 to vector<1x256xf32>
    %slice3A_664 = vector.extract_strided_slice %reshape3A_110 {offsets = [0, 0], sizes = [256, 1], strides = [1, 1]} : vector<2048x1xf32> to vector<256x1xf32>
    %slice3A_665 = vector.extract_strided_slice %reshape3A_111 {offsets = [0, 0], sizes = [256, 1], strides = [1, 1]} : vector<2048x1xf32> to vector<256x1xf32>
    %slice3A_666 = vector.extract_strided_slice %reshape3A_112 {offsets = [0, 0], sizes = [256, 1], strides = [1, 1]} : vector<2048x1xf32> to vector<256x1xf32>
    %slice3A_667 = vector.extract_strided_slice %reshape3A_113 {offsets = [0, 0], sizes = [256, 1], strides = [1, 1]} : vector<2048x1xf32> to vector<256x1xf32>
    %slice3A_668 = vector.extract_strided_slice %reshape3A_114 {offsets = [0, 0], sizes = [256, 1], strides = [1, 1]} : vector<2048x1xf32> to vector<256x1xf32>
    %slice3A_669 = vector.extract_strided_slice %reshape3A_104 {offsets = [4, 0], sizes = [1, 256], strides = [1, 1]} : vector<8x256xf32> to vector<1x256xf32>
    %slice3A_670 = vector.extract_strided_slice %reshape3A_105 {offsets = [4, 0], sizes = [1, 256], strides = [1, 1]} : vector<8x256xf32> to vector<1x256xf32>
    %slice3A_671 = vector.extract_strided_slice %reshape3A_106 {offsets = [4, 0], sizes = [1, 256], strides = [1, 1]} : vector<8x256xf32> to vector<1x256xf32>
    %slice3A_672 = vector.extract_strided_slice %reshape3A_107 {offsets = [4, 0], sizes = [1, 256], strides = [1, 1]} : vector<8x256xf32> to vector<1x256xf32>
    %slice3A_673 = vector.extract_strided_slice %reshape3A_108 {offsets = [4, 0], sizes = [1, 256], strides = [1, 1]} : vector<8x256xf32> to vector<1x256xf32>
    %max3A_674 = vector.broadcast %slice3A_664 : vector<256x1xf32> to vector<256x256xf32>
    %max3A_675 = vector.broadcast %slice3A_669 : vector<1x256xf32> to vector<256x256xf32>
    %max3A_676 = arith.maximumf %max3A_674, %max3A_675 : vector<256x256xf32>
    %max3A_677 = vector.broadcast %slice3A_665 : vector<256x1xf32> to vector<256x256xf32>
    %max3A_678 = vector.broadcast %slice3A_670 : vector<1x256xf32> to vector<256x256xf32>
    %max3A_679 = arith.maximumf %max3A_677, %max3A_678 : vector<256x256xf32>
    %min3A_680 = vector.broadcast %slice3A_666 : vector<256x1xf32> to vector<256x256xf32>
    %min3A_681 = vector.broadcast %slice3A_671 : vector<1x256xf32> to vector<256x256xf32>
    %min3A_682 = arith.minimumf %min3A_680, %min3A_681 : vector<256x256xf32>
    %min3A_683 = vector.broadcast %slice3A_667 : vector<256x1xf32> to vector<256x256xf32>
    %min3A_684 = vector.broadcast %slice3A_672 : vector<1x256xf32> to vector<256x256xf32>
    %min3A_685 = arith.minimumf %min3A_683, %min3A_684 : vector<256x256xf32>
    %sub3A_686 = arith.subf %min3A_682, %max3A_676 : vector<256x256xf32>
    %add3A_687 = arith.constant 1.000000e+00 : f32
    %add3A_688 = vector.broadcast %add3A_687 : f32 to vector<256x256xf32>
    %add3A_689 = arith.addf %sub3A_686, %add3A_688 : vector<256x256xf32>
    %max3A_690 = arith.constant 0.000000e+00 : f32
    %max3A_691 = vector.broadcast %max3A_690 : f32 to vector<256x256xf32>
    %max3A_692 = arith.maximumf %max3A_691, %add3A_689 : vector<256x256xf32>
    %sub3A_693 = arith.subf %min3A_685, %max3A_679 : vector<256x256xf32>
    %add3A_694 = arith.constant 1.000000e+00 : f32
    %add3A_695 = vector.broadcast %add3A_694 : f32 to vector<256x256xf32>
    %add3A_696 = arith.addf %sub3A_693, %add3A_695 : vector<256x256xf32>
    %max3A_697 = arith.constant 0.000000e+00 : f32
    %max3A_698 = vector.broadcast %max3A_697 : f32 to vector<256x256xf32>
    %max3A_699 = arith.maximumf %max3A_698, %add3A_696 : vector<256x256xf32>
    %mul3A_700 = arith.mulf %max3A_692, %max3A_699 : vector<256x256xf32>
    %add3A_701 = vector.broadcast %slice3A_668 : vector<256x1xf32> to vector<256x256xf32>
    %add3A_702 = vector.broadcast %slice3A_673 : vector<1x256xf32> to vector<256x256xf32>
    %add3A_703 = arith.addf %add3A_701, %add3A_702 : vector<256x256xf32>
    %sub3A_704 = arith.subf %add3A_703, %mul3A_700 : vector<256x256xf32>
    %div3A_705 = arith.divf %mul3A_700, %sub3A_704 : vector<256x256xf32>
    %gt3A_706 = arith.constant 0.699999988 : f32
    %gt3A_707 = vector.broadcast %gt3A_706 : f32 to vector<256x256xf32>
    %gt3A_708 = arith.cmpf ogt, %div3A_705, %gt3A_707 : vector<256x256xf32>
    %convert_element_type3A_709 = arith.extui %gt3A_708 : vector<256x256xi1> to vector<256x256xi32>
    %convert_element_type3A_710 = arith.sitofp %convert_element_type3A_709 : vector<256x256xi32> to vector<256x256xf32>
    %mul3A_711 = vector.broadcast %reshape3A_170 : vector<256x1xf32> to vector<256x256xf32>
    %mul3A_712 = arith.mulf %convert_element_type3A_710, %mul3A_711 : vector<256x256xf32>
    %reduce_max3A_713 = arith.constant dense<0xFF800000> : vector<256xf32>
    %reduce_max3A_714 = vector.multi_reduction <maximumf>, %mul3A_712, %reduce_max3A_713 [0] : vector<256x256xf32> to vector<256xf32>
    %broadcast_in_dim3A_715 = vector.shape_cast %reduce_max3A_714 : vector<256xf32> to vector<1x256xf32>
    %max3A_716 = arith.maximumf %broadcast_in_dim3A_663, %broadcast_in_dim3A_715 : vector<1x256xf32>
    %slice3A_717 = vector.extract_strided_slice %reshape3A_110 {offsets = [256, 0], sizes = [256, 1], strides = [1, 1]} : vector<2048x1xf32> to vector<256x1xf32>
    %slice3A_718 = vector.extract_strided_slice %reshape3A_111 {offsets = [256, 0], sizes = [256, 1], strides = [1, 1]} : vector<2048x1xf32> to vector<256x1xf32>
    %slice3A_719 = vector.extract_strided_slice %reshape3A_112 {offsets = [256, 0], sizes = [256, 1], strides = [1, 1]} : vector<2048x1xf32> to vector<256x1xf32>
    %slice3A_720 = vector.extract_strided_slice %reshape3A_113 {offsets = [256, 0], sizes = [256, 1], strides = [1, 1]} : vector<2048x1xf32> to vector<256x1xf32>
    %slice3A_721 = vector.extract_strided_slice %reshape3A_114 {offsets = [256, 0], sizes = [256, 1], strides = [1, 1]} : vector<2048x1xf32> to vector<256x1xf32>
    %slice3A_722 = vector.extract_strided_slice %reshape3A_104 {offsets = [4, 0], sizes = [1, 256], strides = [1, 1]} : vector<8x256xf32> to vector<1x256xf32>
    %slice3A_723 = vector.extract_strided_slice %reshape3A_105 {offsets = [4, 0], sizes = [1, 256], strides = [1, 1]} : vector<8x256xf32> to vector<1x256xf32>
    %slice3A_724 = vector.extract_strided_slice %reshape3A_106 {offsets = [4, 0], sizes = [1, 256], strides = [1, 1]} : vector<8x256xf32> to vector<1x256xf32>
    %slice3A_725 = vector.extract_strided_slice %reshape3A_107 {offsets = [4, 0], sizes = [1, 256], strides = [1, 1]} : vector<8x256xf32> to vector<1x256xf32>
    %slice3A_726 = vector.extract_strided_slice %reshape3A_108 {offsets = [4, 0], sizes = [1, 256], strides = [1, 1]} : vector<8x256xf32> to vector<1x256xf32>
    %max3A_727 = vector.broadcast %slice3A_717 : vector<256x1xf32> to vector<256x256xf32>
    %max3A_728 = vector.broadcast %slice3A_722 : vector<1x256xf32> to vector<256x256xf32>
    %max3A_729 = arith.maximumf %max3A_727, %max3A_728 : vector<256x256xf32>
    %max3A_730 = vector.broadcast %slice3A_718 : vector<256x1xf32> to vector<256x256xf32>
    %max3A_731 = vector.broadcast %slice3A_723 : vector<1x256xf32> to vector<256x256xf32>
    %max3A_732 = arith.maximumf %max3A_730, %max3A_731 : vector<256x256xf32>
    %min3A_733 = vector.broadcast %slice3A_719 : vector<256x1xf32> to vector<256x256xf32>
    %min3A_734 = vector.broadcast %slice3A_724 : vector<1x256xf32> to vector<256x256xf32>
    %min3A_735 = arith.minimumf %min3A_733, %min3A_734 : vector<256x256xf32>
    %min3A_736 = vector.broadcast %slice3A_720 : vector<256x1xf32> to vector<256x256xf32>
    %min3A_737 = vector.broadcast %slice3A_725 : vector<1x256xf32> to vector<256x256xf32>
    %min3A_738 = arith.minimumf %min3A_736, %min3A_737 : vector<256x256xf32>
    %sub3A_739 = arith.subf %min3A_735, %max3A_729 : vector<256x256xf32>
    %add3A_740 = arith.constant 1.000000e+00 : f32
    %add3A_741 = vector.broadcast %add3A_740 : f32 to vector<256x256xf32>
    %add3A_742 = arith.addf %sub3A_739, %add3A_741 : vector<256x256xf32>
    %max3A_743 = arith.constant 0.000000e+00 : f32
    %max3A_744 = vector.broadcast %max3A_743 : f32 to vector<256x256xf32>
    %max3A_745 = arith.maximumf %max3A_744, %add3A_742 : vector<256x256xf32>
    %sub3A_746 = arith.subf %min3A_738, %max3A_732 : vector<256x256xf32>
    %add3A_747 = arith.constant 1.000000e+00 : f32
    %add3A_748 = vector.broadcast %add3A_747 : f32 to vector<256x256xf32>
    %add3A_749 = arith.addf %sub3A_746, %add3A_748 : vector<256x256xf32>
    %max3A_750 = arith.constant 0.000000e+00 : f32
    %max3A_751 = vector.broadcast %max3A_750 : f32 to vector<256x256xf32>
    %max3A_752 = arith.maximumf %max3A_751, %add3A_749 : vector<256x256xf32>
    %mul3A_753 = arith.mulf %max3A_745, %max3A_752 : vector<256x256xf32>
    %add3A_754 = vector.broadcast %slice3A_721 : vector<256x1xf32> to vector<256x256xf32>
    %add3A_755 = vector.broadcast %slice3A_726 : vector<1x256xf32> to vector<256x256xf32>
    %add3A_756 = arith.addf %add3A_754, %add3A_755 : vector<256x256xf32>
    %sub3A_757 = arith.subf %add3A_756, %mul3A_753 : vector<256x256xf32>
    %div3A_758 = arith.divf %mul3A_753, %sub3A_757 : vector<256x256xf32>
    %gt3A_759 = arith.constant 0.699999988 : f32
    %gt3A_760 = vector.broadcast %gt3A_759 : f32 to vector<256x256xf32>
    %gt3A_761 = arith.cmpf ogt, %div3A_758, %gt3A_760 : vector<256x256xf32>
    %convert_element_type3A_762 = arith.extui %gt3A_761 : vector<256x256xi1> to vector<256x256xi32>
    %convert_element_type3A_763 = arith.sitofp %convert_element_type3A_762 : vector<256x256xi32> to vector<256x256xf32>
    %mul3A_764 = vector.broadcast %reshape3A_280 : vector<256x1xf32> to vector<256x256xf32>
    %mul3A_765 = arith.mulf %convert_element_type3A_763, %mul3A_764 : vector<256x256xf32>
    %reduce_max3A_766 = arith.constant dense<0xFF800000> : vector<256xf32>
    %reduce_max3A_767 = vector.multi_reduction <maximumf>, %mul3A_765, %reduce_max3A_766 [0] : vector<256x256xf32> to vector<256xf32>
    %broadcast_in_dim3A_768 = vector.shape_cast %reduce_max3A_767 : vector<256xf32> to vector<1x256xf32>
    %max3A_769 = arith.maximumf %max3A_716, %broadcast_in_dim3A_768 : vector<1x256xf32>
    %slice3A_770 = vector.extract_strided_slice %reshape3A_110 {offsets = [512, 0], sizes = [256, 1], strides = [1, 1]} : vector<2048x1xf32> to vector<256x1xf32>
    %slice3A_771 = vector.extract_strided_slice %reshape3A_111 {offsets = [512, 0], sizes = [256, 1], strides = [1, 1]} : vector<2048x1xf32> to vector<256x1xf32>
    %slice3A_772 = vector.extract_strided_slice %reshape3A_112 {offsets = [512, 0], sizes = [256, 1], strides = [1, 1]} : vector<2048x1xf32> to vector<256x1xf32>
    %slice3A_773 = vector.extract_strided_slice %reshape3A_113 {offsets = [512, 0], sizes = [256, 1], strides = [1, 1]} : vector<2048x1xf32> to vector<256x1xf32>
    %slice3A_774 = vector.extract_strided_slice %reshape3A_114 {offsets = [512, 0], sizes = [256, 1], strides = [1, 1]} : vector<2048x1xf32> to vector<256x1xf32>
    %slice3A_775 = vector.extract_strided_slice %reshape3A_104 {offsets = [4, 0], sizes = [1, 256], strides = [1, 1]} : vector<8x256xf32> to vector<1x256xf32>
    %slice3A_776 = vector.extract_strided_slice %reshape3A_105 {offsets = [4, 0], sizes = [1, 256], strides = [1, 1]} : vector<8x256xf32> to vector<1x256xf32>
    %slice3A_777 = vector.extract_strided_slice %reshape3A_106 {offsets = [4, 0], sizes = [1, 256], strides = [1, 1]} : vector<8x256xf32> to vector<1x256xf32>
    %slice3A_778 = vector.extract_strided_slice %reshape3A_107 {offsets = [4, 0], sizes = [1, 256], strides = [1, 1]} : vector<8x256xf32> to vector<1x256xf32>
    %slice3A_779 = vector.extract_strided_slice %reshape3A_108 {offsets = [4, 0], sizes = [1, 256], strides = [1, 1]} : vector<8x256xf32> to vector<1x256xf32>
    %max3A_780 = vector.broadcast %slice3A_770 : vector<256x1xf32> to vector<256x256xf32>
    %max3A_781 = vector.broadcast %slice3A_775 : vector<1x256xf32> to vector<256x256xf32>
    %max3A_782 = arith.maximumf %max3A_780, %max3A_781 : vector<256x256xf32>
    %max3A_783 = vector.broadcast %slice3A_771 : vector<256x1xf32> to vector<256x256xf32>
    %max3A_784 = vector.broadcast %slice3A_776 : vector<1x256xf32> to vector<256x256xf32>
    %max3A_785 = arith.maximumf %max3A_783, %max3A_784 : vector<256x256xf32>
    %min3A_786 = vector.broadcast %slice3A_772 : vector<256x1xf32> to vector<256x256xf32>
    %min3A_787 = vector.broadcast %slice3A_777 : vector<1x256xf32> to vector<256x256xf32>
    %min3A_788 = arith.minimumf %min3A_786, %min3A_787 : vector<256x256xf32>
    %min3A_789 = vector.broadcast %slice3A_773 : vector<256x1xf32> to vector<256x256xf32>
    %min3A_790 = vector.broadcast %slice3A_778 : vector<1x256xf32> to vector<256x256xf32>
    %min3A_791 = arith.minimumf %min3A_789, %min3A_790 : vector<256x256xf32>
    %sub3A_792 = arith.subf %min3A_788, %max3A_782 : vector<256x256xf32>
    %add3A_793 = arith.constant 1.000000e+00 : f32
    %add3A_794 = vector.broadcast %add3A_793 : f32 to vector<256x256xf32>
    %add3A_795 = arith.addf %sub3A_792, %add3A_794 : vector<256x256xf32>
    %max3A_796 = arith.constant 0.000000e+00 : f32
    %max3A_797 = vector.broadcast %max3A_796 : f32 to vector<256x256xf32>
    %max3A_798 = arith.maximumf %max3A_797, %add3A_795 : vector<256x256xf32>
    %sub3A_799 = arith.subf %min3A_791, %max3A_785 : vector<256x256xf32>
    %add3A_800 = arith.constant 1.000000e+00 : f32
    %add3A_801 = vector.broadcast %add3A_800 : f32 to vector<256x256xf32>
    %add3A_802 = arith.addf %sub3A_799, %add3A_801 : vector<256x256xf32>
    %max3A_803 = arith.constant 0.000000e+00 : f32
    %max3A_804 = vector.broadcast %max3A_803 : f32 to vector<256x256xf32>
    %max3A_805 = arith.maximumf %max3A_804, %add3A_802 : vector<256x256xf32>
    %mul3A_806 = arith.mulf %max3A_798, %max3A_805 : vector<256x256xf32>
    %add3A_807 = vector.broadcast %slice3A_774 : vector<256x1xf32> to vector<256x256xf32>
    %add3A_808 = vector.broadcast %slice3A_779 : vector<1x256xf32> to vector<256x256xf32>
    %add3A_809 = arith.addf %add3A_807, %add3A_808 : vector<256x256xf32>
    %sub3A_810 = arith.subf %add3A_809, %mul3A_806 : vector<256x256xf32>
    %div3A_811 = arith.divf %mul3A_806, %sub3A_810 : vector<256x256xf32>
    %gt3A_812 = arith.constant 0.699999988 : f32
    %gt3A_813 = vector.broadcast %gt3A_812 : f32 to vector<256x256xf32>
    %gt3A_814 = arith.cmpf ogt, %div3A_811, %gt3A_813 : vector<256x256xf32>
    %convert_element_type3A_815 = arith.extui %gt3A_814 : vector<256x256xi1> to vector<256x256xi32>
    %convert_element_type3A_816 = arith.sitofp %convert_element_type3A_815 : vector<256x256xi32> to vector<256x256xf32>
    %mul3A_817 = vector.broadcast %reshape3A_444 : vector<256x1xf32> to vector<256x256xf32>
    %mul3A_818 = arith.mulf %convert_element_type3A_816, %mul3A_817 : vector<256x256xf32>
    %reduce_max3A_819 = arith.constant dense<0xFF800000> : vector<256xf32>
    %reduce_max3A_820 = vector.multi_reduction <maximumf>, %mul3A_818, %reduce_max3A_819 [0] : vector<256x256xf32> to vector<256xf32>
    %broadcast_in_dim3A_821 = vector.shape_cast %reduce_max3A_820 : vector<256xf32> to vector<1x256xf32>
    %max3A_822 = arith.maximumf %max3A_769, %broadcast_in_dim3A_821 : vector<1x256xf32>
    %slice3A_823 = vector.extract_strided_slice %reshape3A_110 {offsets = [768, 0], sizes = [256, 1], strides = [1, 1]} : vector<2048x1xf32> to vector<256x1xf32>
    %slice3A_824 = vector.extract_strided_slice %reshape3A_111 {offsets = [768, 0], sizes = [256, 1], strides = [1, 1]} : vector<2048x1xf32> to vector<256x1xf32>
    %slice3A_825 = vector.extract_strided_slice %reshape3A_112 {offsets = [768, 0], sizes = [256, 1], strides = [1, 1]} : vector<2048x1xf32> to vector<256x1xf32>
    %slice3A_826 = vector.extract_strided_slice %reshape3A_113 {offsets = [768, 0], sizes = [256, 1], strides = [1, 1]} : vector<2048x1xf32> to vector<256x1xf32>
    %slice3A_827 = vector.extract_strided_slice %reshape3A_114 {offsets = [768, 0], sizes = [256, 1], strides = [1, 1]} : vector<2048x1xf32> to vector<256x1xf32>
    %slice3A_828 = vector.extract_strided_slice %reshape3A_104 {offsets = [4, 0], sizes = [1, 256], strides = [1, 1]} : vector<8x256xf32> to vector<1x256xf32>
    %slice3A_829 = vector.extract_strided_slice %reshape3A_105 {offsets = [4, 0], sizes = [1, 256], strides = [1, 1]} : vector<8x256xf32> to vector<1x256xf32>
    %slice3A_830 = vector.extract_strided_slice %reshape3A_106 {offsets = [4, 0], sizes = [1, 256], strides = [1, 1]} : vector<8x256xf32> to vector<1x256xf32>
    %slice3A_831 = vector.extract_strided_slice %reshape3A_107 {offsets = [4, 0], sizes = [1, 256], strides = [1, 1]} : vector<8x256xf32> to vector<1x256xf32>
    %slice3A_832 = vector.extract_strided_slice %reshape3A_108 {offsets = [4, 0], sizes = [1, 256], strides = [1, 1]} : vector<8x256xf32> to vector<1x256xf32>
    %max3A_833 = vector.broadcast %slice3A_823 : vector<256x1xf32> to vector<256x256xf32>
    %max3A_834 = vector.broadcast %slice3A_828 : vector<1x256xf32> to vector<256x256xf32>
    %max3A_835 = arith.maximumf %max3A_833, %max3A_834 : vector<256x256xf32>
    %max3A_836 = vector.broadcast %slice3A_824 : vector<256x1xf32> to vector<256x256xf32>
    %max3A_837 = vector.broadcast %slice3A_829 : vector<1x256xf32> to vector<256x256xf32>
    %max3A_838 = arith.maximumf %max3A_836, %max3A_837 : vector<256x256xf32>
    %min3A_839 = vector.broadcast %slice3A_825 : vector<256x1xf32> to vector<256x256xf32>
    %min3A_840 = vector.broadcast %slice3A_830 : vector<1x256xf32> to vector<256x256xf32>
    %min3A_841 = arith.minimumf %min3A_839, %min3A_840 : vector<256x256xf32>
    %min3A_842 = vector.broadcast %slice3A_826 : vector<256x1xf32> to vector<256x256xf32>
    %min3A_843 = vector.broadcast %slice3A_831 : vector<1x256xf32> to vector<256x256xf32>
    %min3A_844 = arith.minimumf %min3A_842, %min3A_843 : vector<256x256xf32>
    %sub3A_845 = arith.subf %min3A_841, %max3A_835 : vector<256x256xf32>
    %add3A_846 = arith.constant 1.000000e+00 : f32
    %add3A_847 = vector.broadcast %add3A_846 : f32 to vector<256x256xf32>
    %add3A_848 = arith.addf %sub3A_845, %add3A_847 : vector<256x256xf32>
    %max3A_849 = arith.constant 0.000000e+00 : f32
    %max3A_850 = vector.broadcast %max3A_849 : f32 to vector<256x256xf32>
    %max3A_851 = arith.maximumf %max3A_850, %add3A_848 : vector<256x256xf32>
    %sub3A_852 = arith.subf %min3A_844, %max3A_838 : vector<256x256xf32>
    %add3A_853 = arith.constant 1.000000e+00 : f32
    %add3A_854 = vector.broadcast %add3A_853 : f32 to vector<256x256xf32>
    %add3A_855 = arith.addf %sub3A_852, %add3A_854 : vector<256x256xf32>
    %max3A_856 = arith.constant 0.000000e+00 : f32
    %max3A_857 = vector.broadcast %max3A_856 : f32 to vector<256x256xf32>
    %max3A_858 = arith.maximumf %max3A_857, %add3A_855 : vector<256x256xf32>
    %mul3A_859 = arith.mulf %max3A_851, %max3A_858 : vector<256x256xf32>
    %add3A_860 = vector.broadcast %slice3A_827 : vector<256x1xf32> to vector<256x256xf32>
    %add3A_861 = vector.broadcast %slice3A_832 : vector<1x256xf32> to vector<256x256xf32>
    %add3A_862 = arith.addf %add3A_860, %add3A_861 : vector<256x256xf32>
    %sub3A_863 = arith.subf %add3A_862, %mul3A_859 : vector<256x256xf32>
    %div3A_864 = arith.divf %mul3A_859, %sub3A_863 : vector<256x256xf32>
    %gt3A_865 = arith.constant 0.699999988 : f32
    %gt3A_866 = vector.broadcast %gt3A_865 : f32 to vector<256x256xf32>
    %gt3A_867 = arith.cmpf ogt, %div3A_864, %gt3A_866 : vector<256x256xf32>
    %convert_element_type3A_868 = arith.extui %gt3A_867 : vector<256x256xi1> to vector<256x256xi32>
    %convert_element_type3A_869 = arith.sitofp %convert_element_type3A_868 : vector<256x256xi32> to vector<256x256xf32>
    %mul3A_870 = vector.broadcast %reshape3A_661 : vector<256x1xf32> to vector<256x256xf32>
    %mul3A_871 = arith.mulf %convert_element_type3A_869, %mul3A_870 : vector<256x256xf32>
    %reduce_max3A_872 = arith.constant dense<0xFF800000> : vector<256xf32>
    %reduce_max3A_873 = vector.multi_reduction <maximumf>, %mul3A_871, %reduce_max3A_872 [0] : vector<256x256xf32> to vector<256xf32>
    %broadcast_in_dim3A_874 = vector.shape_cast %reduce_max3A_873 : vector<256xf32> to vector<1x256xf32>
    %max3A_875 = arith.maximumf %max3A_822, %broadcast_in_dim3A_874 : vector<1x256xf32>
    %slice3A_876 = vector.extract_strided_slice %reshape3A_109 {offsets = [4, 0], sizes = [1, 256], strides = [1, 1]} : vector<8x256xf32> to vector<1x256xf32>
    %sub3A_877 = arith.constant 1.000000e+00 : f32
    %sub3A_878 = vector.broadcast %sub3A_877 : f32 to vector<1x256xf32>
    %sub3A_879 = arith.subf %sub3A_878, %max3A_875 : vector<1x256xf32>
    %mul3A_880 = arith.mulf %slice3A_876, %sub3A_879 : vector<1x256xf32>
    %slice3A_881 = vector.extract_strided_slice %reshape3A_110 {offsets = [1024, 0], sizes = [256, 1], strides = [1, 1]} : vector<2048x1xf32> to vector<256x1xf32>
    %slice3A_882 = vector.extract_strided_slice %reshape3A_111 {offsets = [1024, 0], sizes = [256, 1], strides = [1, 1]} : vector<2048x1xf32> to vector<256x1xf32>
    %slice3A_883 = vector.extract_strided_slice %reshape3A_112 {offsets = [1024, 0], sizes = [256, 1], strides = [1, 1]} : vector<2048x1xf32> to vector<256x1xf32>
    %slice3A_884 = vector.extract_strided_slice %reshape3A_113 {offsets = [1024, 0], sizes = [256, 1], strides = [1, 1]} : vector<2048x1xf32> to vector<256x1xf32>
    %slice3A_885 = vector.extract_strided_slice %reshape3A_114 {offsets = [1024, 0], sizes = [256, 1], strides = [1, 1]} : vector<2048x1xf32> to vector<256x1xf32>
    %slice3A_886 = vector.extract_strided_slice %reshape3A_104 {offsets = [4, 0], sizes = [1, 256], strides = [1, 1]} : vector<8x256xf32> to vector<1x256xf32>
    %slice3A_887 = vector.extract_strided_slice %reshape3A_105 {offsets = [4, 0], sizes = [1, 256], strides = [1, 1]} : vector<8x256xf32> to vector<1x256xf32>
    %slice3A_888 = vector.extract_strided_slice %reshape3A_106 {offsets = [4, 0], sizes = [1, 256], strides = [1, 1]} : vector<8x256xf32> to vector<1x256xf32>
    %slice3A_889 = vector.extract_strided_slice %reshape3A_107 {offsets = [4, 0], sizes = [1, 256], strides = [1, 1]} : vector<8x256xf32> to vector<1x256xf32>
    %slice3A_890 = vector.extract_strided_slice %reshape3A_108 {offsets = [4, 0], sizes = [1, 256], strides = [1, 1]} : vector<8x256xf32> to vector<1x256xf32>
    %max3A_891 = vector.broadcast %slice3A_881 : vector<256x1xf32> to vector<256x256xf32>
    %max3A_892 = vector.broadcast %slice3A_886 : vector<1x256xf32> to vector<256x256xf32>
    %max3A_893 = arith.maximumf %max3A_891, %max3A_892 : vector<256x256xf32>
    %max3A_894 = vector.broadcast %slice3A_882 : vector<256x1xf32> to vector<256x256xf32>
    %max3A_895 = vector.broadcast %slice3A_887 : vector<1x256xf32> to vector<256x256xf32>
    %max3A_896 = arith.maximumf %max3A_894, %max3A_895 : vector<256x256xf32>
    %min3A_897 = vector.broadcast %slice3A_883 : vector<256x1xf32> to vector<256x256xf32>
    %min3A_898 = vector.broadcast %slice3A_888 : vector<1x256xf32> to vector<256x256xf32>
    %min3A_899 = arith.minimumf %min3A_897, %min3A_898 : vector<256x256xf32>
    %min3A_900 = vector.broadcast %slice3A_884 : vector<256x1xf32> to vector<256x256xf32>
    %min3A_901 = vector.broadcast %slice3A_889 : vector<1x256xf32> to vector<256x256xf32>
    %min3A_902 = arith.minimumf %min3A_900, %min3A_901 : vector<256x256xf32>
    %sub3A_903 = arith.subf %min3A_899, %max3A_893 : vector<256x256xf32>
    %add3A_904 = arith.constant 1.000000e+00 : f32
    %add3A_905 = vector.broadcast %add3A_904 : f32 to vector<256x256xf32>
    %add3A_906 = arith.addf %sub3A_903, %add3A_905 : vector<256x256xf32>
    %max3A_907 = arith.constant 0.000000e+00 : f32
    %max3A_908 = vector.broadcast %max3A_907 : f32 to vector<256x256xf32>
    %max3A_909 = arith.maximumf %max3A_908, %add3A_906 : vector<256x256xf32>
    %sub3A_910 = arith.subf %min3A_902, %max3A_896 : vector<256x256xf32>
    %add3A_911 = arith.constant 1.000000e+00 : f32
    %add3A_912 = vector.broadcast %add3A_911 : f32 to vector<256x256xf32>
    %add3A_913 = arith.addf %sub3A_910, %add3A_912 : vector<256x256xf32>
    %max3A_914 = arith.constant 0.000000e+00 : f32
    %max3A_915 = vector.broadcast %max3A_914 : f32 to vector<256x256xf32>
    %max3A_916 = arith.maximumf %max3A_915, %add3A_913 : vector<256x256xf32>
    %mul3A_917 = arith.mulf %max3A_909, %max3A_916 : vector<256x256xf32>
    %add3A_918 = vector.broadcast %slice3A_885 : vector<256x1xf32> to vector<256x256xf32>
    %add3A_919 = vector.broadcast %slice3A_890 : vector<1x256xf32> to vector<256x256xf32>
    %add3A_920 = arith.addf %add3A_918, %add3A_919 : vector<256x256xf32>
    %sub3A_921 = arith.subf %add3A_920, %mul3A_917 : vector<256x256xf32>
    %div3A_922 = arith.divf %mul3A_917, %sub3A_921 : vector<256x256xf32>
    %gt3A_923 = arith.constant 0.699999988 : f32
    %gt3A_924 = vector.broadcast %gt3A_923 : f32 to vector<256x256xf32>
    %gt3A_925 = arith.cmpf ogt, %div3A_922, %gt3A_924 : vector<256x256xf32>
    %and3A_926 = arith.andi %gt3A_925, %lt3A_117 : vector<256x256xi1>
    %convert_element_type3A_927 = arith.extui %and3A_926 : vector<256x256xi1> to vector<256x256xi32>
    %convert_element_type3A_928 = arith.sitofp %convert_element_type3A_927 : vector<256x256xi32> to vector<256x256xf32>
    %while3A_929 = arith.constant true
    %while3A_930:2 = scf.while (%while3A_2256 = %mul3A_880, %while3A_2257 = %while3A_929) : (vector<1x256xf32>, i1) -> (vector<1x256xf32>, i1) {
      scf.condition(%while3A_2257) %while3A_2256, %while3A_2257 : vector<1x256xf32>, i1
    } do {
    ^bb0(%while3A_2256: vector<1x256xf32>, %while3A_2257: i1):
      %reshape3A_2258 = vector.shape_cast %while3A_2256 : vector<1x256xf32> to vector<256x1xf32>
      %mul3A_2259 = vector.broadcast %reshape3A_2258 : vector<256x1xf32> to vector<256x256xf32>
      %mul3A_2260 = arith.mulf %convert_element_type3A_928, %mul3A_2259 : vector<256x256xf32>
      %reduce_max3A_2261 = arith.constant dense<0xFF800000> : vector<256xf32>
      %reduce_max3A_2262 = vector.multi_reduction <maximumf>, %mul3A_2260, %reduce_max3A_2261 [0] : vector<256x256xf32> to vector<256xf32>
      %broadcast_in_dim3A_2263 = vector.shape_cast %reduce_max3A_2262 : vector<256xf32> to vector<1x256xf32>
      %sub3A_2264 = arith.constant 1.000000e+00 : f32
      %sub3A_2265 = vector.broadcast %sub3A_2264 : f32 to vector<1x256xf32>
      %sub3A_2266 = arith.subf %sub3A_2265, %broadcast_in_dim3A_2263 : vector<1x256xf32>
      %mul3A_2267 = arith.mulf %mul3A_880, %sub3A_2266 : vector<1x256xf32>
      %ne3A = arith.cmpf one, %mul3A_2267, %while3A_2256 : vector<1x256xf32>
      %reduce_or3A = arith.constant 1.000000e+00 : f32
      %reduce_or3A_2268 = arith.constant 0.000000e+00 : f32
      %reduce_or3A_2269 = vector.broadcast %reduce_or3A : f32 to vector<1x256xf32>
      %reduce_or3A_2270 = vector.broadcast %reduce_or3A_2268 : f32 to vector<1x256xf32>
      %reduce_or3A_2271 = arith.select %ne3A, %reduce_or3A_2269, %reduce_or3A_2270 : vector<1x256xi1>, vector<1x256xf32>
      %reduce_or3A_2272 = vector.shape_cast %reduce_or3A_2271 : vector<1x256xf32> to vector<1x1x256xf32>
      %reduce_or3A_2273 = arith.constant dense<0xFF800000> : vector<1xf32>
      %reduce_or3A_2274 = vector.multi_reduction <maximumf>, %reduce_or3A_2272, %reduce_or3A_2273 [1, 2] : vector<1x1x256xf32> to vector<1xf32>
      %reduce_or3A_2275 = vector.shape_cast %reduce_or3A_2274 : vector<1xf32> to vector<1x1x1xf32>
      %reduce_or3A_2276 = vector.extract %reduce_or3A_2275[0, 0, 0] : f32 from vector<1x1x1xf32>
      %reduce_or3A_2277 = arith.constant 0.000000e+00 : f32
      %reduce_or3A_2278 = arith.cmpf ogt, %reduce_or3A_2276, %reduce_or3A_2277 : f32
      scf.yield %mul3A_2267, %reduce_or3A_2278 : vector<1x256xf32>, i1
    }
    %reshape3A_931 = vector.shape_cast %while3A_930#0 : vector<1x256xf32> to vector<256x1xf32>
    %broadcast_in_dim3A_932 = arith.constant 0.000000e+00 : f32
    %broadcast_in_dim3A_933 = vector.broadcast %broadcast_in_dim3A_932 : f32 to vector<1x256xf32>
    %slice3A_934 = vector.extract_strided_slice %reshape3A_110 {offsets = [0, 0], sizes = [256, 1], strides = [1, 1]} : vector<2048x1xf32> to vector<256x1xf32>
    %slice3A_935 = vector.extract_strided_slice %reshape3A_111 {offsets = [0, 0], sizes = [256, 1], strides = [1, 1]} : vector<2048x1xf32> to vector<256x1xf32>
    %slice3A_936 = vector.extract_strided_slice %reshape3A_112 {offsets = [0, 0], sizes = [256, 1], strides = [1, 1]} : vector<2048x1xf32> to vector<256x1xf32>
    %slice3A_937 = vector.extract_strided_slice %reshape3A_113 {offsets = [0, 0], sizes = [256, 1], strides = [1, 1]} : vector<2048x1xf32> to vector<256x1xf32>
    %slice3A_938 = vector.extract_strided_slice %reshape3A_114 {offsets = [0, 0], sizes = [256, 1], strides = [1, 1]} : vector<2048x1xf32> to vector<256x1xf32>
    %slice3A_939 = vector.extract_strided_slice %reshape3A_104 {offsets = [5, 0], sizes = [1, 256], strides = [1, 1]} : vector<8x256xf32> to vector<1x256xf32>
    %slice3A_940 = vector.extract_strided_slice %reshape3A_105 {offsets = [5, 0], sizes = [1, 256], strides = [1, 1]} : vector<8x256xf32> to vector<1x256xf32>
    %slice3A_941 = vector.extract_strided_slice %reshape3A_106 {offsets = [5, 0], sizes = [1, 256], strides = [1, 1]} : vector<8x256xf32> to vector<1x256xf32>
    %slice3A_942 = vector.extract_strided_slice %reshape3A_107 {offsets = [5, 0], sizes = [1, 256], strides = [1, 1]} : vector<8x256xf32> to vector<1x256xf32>
    %slice3A_943 = vector.extract_strided_slice %reshape3A_108 {offsets = [5, 0], sizes = [1, 256], strides = [1, 1]} : vector<8x256xf32> to vector<1x256xf32>
    %max3A_944 = vector.broadcast %slice3A_934 : vector<256x1xf32> to vector<256x256xf32>
    %max3A_945 = vector.broadcast %slice3A_939 : vector<1x256xf32> to vector<256x256xf32>
    %max3A_946 = arith.maximumf %max3A_944, %max3A_945 : vector<256x256xf32>
    %max3A_947 = vector.broadcast %slice3A_935 : vector<256x1xf32> to vector<256x256xf32>
    %max3A_948 = vector.broadcast %slice3A_940 : vector<1x256xf32> to vector<256x256xf32>
    %max3A_949 = arith.maximumf %max3A_947, %max3A_948 : vector<256x256xf32>
    %min3A_950 = vector.broadcast %slice3A_936 : vector<256x1xf32> to vector<256x256xf32>
    %min3A_951 = vector.broadcast %slice3A_941 : vector<1x256xf32> to vector<256x256xf32>
    %min3A_952 = arith.minimumf %min3A_950, %min3A_951 : vector<256x256xf32>
    %min3A_953 = vector.broadcast %slice3A_937 : vector<256x1xf32> to vector<256x256xf32>
    %min3A_954 = vector.broadcast %slice3A_942 : vector<1x256xf32> to vector<256x256xf32>
    %min3A_955 = arith.minimumf %min3A_953, %min3A_954 : vector<256x256xf32>
    %sub3A_956 = arith.subf %min3A_952, %max3A_946 : vector<256x256xf32>
    %add3A_957 = arith.constant 1.000000e+00 : f32
    %add3A_958 = vector.broadcast %add3A_957 : f32 to vector<256x256xf32>
    %add3A_959 = arith.addf %sub3A_956, %add3A_958 : vector<256x256xf32>
    %max3A_960 = arith.constant 0.000000e+00 : f32
    %max3A_961 = vector.broadcast %max3A_960 : f32 to vector<256x256xf32>
    %max3A_962 = arith.maximumf %max3A_961, %add3A_959 : vector<256x256xf32>
    %sub3A_963 = arith.subf %min3A_955, %max3A_949 : vector<256x256xf32>
    %add3A_964 = arith.constant 1.000000e+00 : f32
    %add3A_965 = vector.broadcast %add3A_964 : f32 to vector<256x256xf32>
    %add3A_966 = arith.addf %sub3A_963, %add3A_965 : vector<256x256xf32>
    %max3A_967 = arith.constant 0.000000e+00 : f32
    %max3A_968 = vector.broadcast %max3A_967 : f32 to vector<256x256xf32>
    %max3A_969 = arith.maximumf %max3A_968, %add3A_966 : vector<256x256xf32>
    %mul3A_970 = arith.mulf %max3A_962, %max3A_969 : vector<256x256xf32>
    %add3A_971 = vector.broadcast %slice3A_938 : vector<256x1xf32> to vector<256x256xf32>
    %add3A_972 = vector.broadcast %slice3A_943 : vector<1x256xf32> to vector<256x256xf32>
    %add3A_973 = arith.addf %add3A_971, %add3A_972 : vector<256x256xf32>
    %sub3A_974 = arith.subf %add3A_973, %mul3A_970 : vector<256x256xf32>
    %div3A_975 = arith.divf %mul3A_970, %sub3A_974 : vector<256x256xf32>
    %gt3A_976 = arith.constant 0.699999988 : f32
    %gt3A_977 = vector.broadcast %gt3A_976 : f32 to vector<256x256xf32>
    %gt3A_978 = arith.cmpf ogt, %div3A_975, %gt3A_977 : vector<256x256xf32>
    %convert_element_type3A_979 = arith.extui %gt3A_978 : vector<256x256xi1> to vector<256x256xi32>
    %convert_element_type3A_980 = arith.sitofp %convert_element_type3A_979 : vector<256x256xi32> to vector<256x256xf32>
    %mul3A_981 = vector.broadcast %reshape3A_170 : vector<256x1xf32> to vector<256x256xf32>
    %mul3A_982 = arith.mulf %convert_element_type3A_980, %mul3A_981 : vector<256x256xf32>
    %reduce_max3A_983 = arith.constant dense<0xFF800000> : vector<256xf32>
    %reduce_max3A_984 = vector.multi_reduction <maximumf>, %mul3A_982, %reduce_max3A_983 [0] : vector<256x256xf32> to vector<256xf32>
    %broadcast_in_dim3A_985 = vector.shape_cast %reduce_max3A_984 : vector<256xf32> to vector<1x256xf32>
    %max3A_986 = arith.maximumf %broadcast_in_dim3A_933, %broadcast_in_dim3A_985 : vector<1x256xf32>
    %slice3A_987 = vector.extract_strided_slice %reshape3A_110 {offsets = [256, 0], sizes = [256, 1], strides = [1, 1]} : vector<2048x1xf32> to vector<256x1xf32>
    %slice3A_988 = vector.extract_strided_slice %reshape3A_111 {offsets = [256, 0], sizes = [256, 1], strides = [1, 1]} : vector<2048x1xf32> to vector<256x1xf32>
    %slice3A_989 = vector.extract_strided_slice %reshape3A_112 {offsets = [256, 0], sizes = [256, 1], strides = [1, 1]} : vector<2048x1xf32> to vector<256x1xf32>
    %slice3A_990 = vector.extract_strided_slice %reshape3A_113 {offsets = [256, 0], sizes = [256, 1], strides = [1, 1]} : vector<2048x1xf32> to vector<256x1xf32>
    %slice3A_991 = vector.extract_strided_slice %reshape3A_114 {offsets = [256, 0], sizes = [256, 1], strides = [1, 1]} : vector<2048x1xf32> to vector<256x1xf32>
    %slice3A_992 = vector.extract_strided_slice %reshape3A_104 {offsets = [5, 0], sizes = [1, 256], strides = [1, 1]} : vector<8x256xf32> to vector<1x256xf32>
    %slice3A_993 = vector.extract_strided_slice %reshape3A_105 {offsets = [5, 0], sizes = [1, 256], strides = [1, 1]} : vector<8x256xf32> to vector<1x256xf32>
    %slice3A_994 = vector.extract_strided_slice %reshape3A_106 {offsets = [5, 0], sizes = [1, 256], strides = [1, 1]} : vector<8x256xf32> to vector<1x256xf32>
    %slice3A_995 = vector.extract_strided_slice %reshape3A_107 {offsets = [5, 0], sizes = [1, 256], strides = [1, 1]} : vector<8x256xf32> to vector<1x256xf32>
    %slice3A_996 = vector.extract_strided_slice %reshape3A_108 {offsets = [5, 0], sizes = [1, 256], strides = [1, 1]} : vector<8x256xf32> to vector<1x256xf32>
    %max3A_997 = vector.broadcast %slice3A_987 : vector<256x1xf32> to vector<256x256xf32>
    %max3A_998 = vector.broadcast %slice3A_992 : vector<1x256xf32> to vector<256x256xf32>
    %max3A_999 = arith.maximumf %max3A_997, %max3A_998 : vector<256x256xf32>
    %max3A_1000 = vector.broadcast %slice3A_988 : vector<256x1xf32> to vector<256x256xf32>
    %max3A_1001 = vector.broadcast %slice3A_993 : vector<1x256xf32> to vector<256x256xf32>
    %max3A_1002 = arith.maximumf %max3A_1000, %max3A_1001 : vector<256x256xf32>
    %min3A_1003 = vector.broadcast %slice3A_989 : vector<256x1xf32> to vector<256x256xf32>
    %min3A_1004 = vector.broadcast %slice3A_994 : vector<1x256xf32> to vector<256x256xf32>
    %min3A_1005 = arith.minimumf %min3A_1003, %min3A_1004 : vector<256x256xf32>
    %min3A_1006 = vector.broadcast %slice3A_990 : vector<256x1xf32> to vector<256x256xf32>
    %min3A_1007 = vector.broadcast %slice3A_995 : vector<1x256xf32> to vector<256x256xf32>
    %min3A_1008 = arith.minimumf %min3A_1006, %min3A_1007 : vector<256x256xf32>
    %sub3A_1009 = arith.subf %min3A_1005, %max3A_999 : vector<256x256xf32>
    %add3A_1010 = arith.constant 1.000000e+00 : f32
    %add3A_1011 = vector.broadcast %add3A_1010 : f32 to vector<256x256xf32>
    %add3A_1012 = arith.addf %sub3A_1009, %add3A_1011 : vector<256x256xf32>
    %max3A_1013 = arith.constant 0.000000e+00 : f32
    %max3A_1014 = vector.broadcast %max3A_1013 : f32 to vector<256x256xf32>
    %max3A_1015 = arith.maximumf %max3A_1014, %add3A_1012 : vector<256x256xf32>
    %sub3A_1016 = arith.subf %min3A_1008, %max3A_1002 : vector<256x256xf32>
    %add3A_1017 = arith.constant 1.000000e+00 : f32
    %add3A_1018 = vector.broadcast %add3A_1017 : f32 to vector<256x256xf32>
    %add3A_1019 = arith.addf %sub3A_1016, %add3A_1018 : vector<256x256xf32>
    %max3A_1020 = arith.constant 0.000000e+00 : f32
    %max3A_1021 = vector.broadcast %max3A_1020 : f32 to vector<256x256xf32>
    %max3A_1022 = arith.maximumf %max3A_1021, %add3A_1019 : vector<256x256xf32>
    %mul3A_1023 = arith.mulf %max3A_1015, %max3A_1022 : vector<256x256xf32>
    %add3A_1024 = vector.broadcast %slice3A_991 : vector<256x1xf32> to vector<256x256xf32>
    %add3A_1025 = vector.broadcast %slice3A_996 : vector<1x256xf32> to vector<256x256xf32>
    %add3A_1026 = arith.addf %add3A_1024, %add3A_1025 : vector<256x256xf32>
    %sub3A_1027 = arith.subf %add3A_1026, %mul3A_1023 : vector<256x256xf32>
    %div3A_1028 = arith.divf %mul3A_1023, %sub3A_1027 : vector<256x256xf32>
    %gt3A_1029 = arith.constant 0.699999988 : f32
    %gt3A_1030 = vector.broadcast %gt3A_1029 : f32 to vector<256x256xf32>
    %gt3A_1031 = arith.cmpf ogt, %div3A_1028, %gt3A_1030 : vector<256x256xf32>
    %convert_element_type3A_1032 = arith.extui %gt3A_1031 : vector<256x256xi1> to vector<256x256xi32>
    %convert_element_type3A_1033 = arith.sitofp %convert_element_type3A_1032 : vector<256x256xi32> to vector<256x256xf32>
    %mul3A_1034 = vector.broadcast %reshape3A_280 : vector<256x1xf32> to vector<256x256xf32>
    %mul3A_1035 = arith.mulf %convert_element_type3A_1033, %mul3A_1034 : vector<256x256xf32>
    %reduce_max3A_1036 = arith.constant dense<0xFF800000> : vector<256xf32>
    %reduce_max3A_1037 = vector.multi_reduction <maximumf>, %mul3A_1035, %reduce_max3A_1036 [0] : vector<256x256xf32> to vector<256xf32>
    %broadcast_in_dim3A_1038 = vector.shape_cast %reduce_max3A_1037 : vector<256xf32> to vector<1x256xf32>
    %max3A_1039 = arith.maximumf %max3A_986, %broadcast_in_dim3A_1038 : vector<1x256xf32>
    %slice3A_1040 = vector.extract_strided_slice %reshape3A_110 {offsets = [512, 0], sizes = [256, 1], strides = [1, 1]} : vector<2048x1xf32> to vector<256x1xf32>
    %slice3A_1041 = vector.extract_strided_slice %reshape3A_111 {offsets = [512, 0], sizes = [256, 1], strides = [1, 1]} : vector<2048x1xf32> to vector<256x1xf32>
    %slice3A_1042 = vector.extract_strided_slice %reshape3A_112 {offsets = [512, 0], sizes = [256, 1], strides = [1, 1]} : vector<2048x1xf32> to vector<256x1xf32>
    %slice3A_1043 = vector.extract_strided_slice %reshape3A_113 {offsets = [512, 0], sizes = [256, 1], strides = [1, 1]} : vector<2048x1xf32> to vector<256x1xf32>
    %slice3A_1044 = vector.extract_strided_slice %reshape3A_114 {offsets = [512, 0], sizes = [256, 1], strides = [1, 1]} : vector<2048x1xf32> to vector<256x1xf32>
    %slice3A_1045 = vector.extract_strided_slice %reshape3A_104 {offsets = [5, 0], sizes = [1, 256], strides = [1, 1]} : vector<8x256xf32> to vector<1x256xf32>
    %slice3A_1046 = vector.extract_strided_slice %reshape3A_105 {offsets = [5, 0], sizes = [1, 256], strides = [1, 1]} : vector<8x256xf32> to vector<1x256xf32>
    %slice3A_1047 = vector.extract_strided_slice %reshape3A_106 {offsets = [5, 0], sizes = [1, 256], strides = [1, 1]} : vector<8x256xf32> to vector<1x256xf32>
    %slice3A_1048 = vector.extract_strided_slice %reshape3A_107 {offsets = [5, 0], sizes = [1, 256], strides = [1, 1]} : vector<8x256xf32> to vector<1x256xf32>
    %slice3A_1049 = vector.extract_strided_slice %reshape3A_108 {offsets = [5, 0], sizes = [1, 256], strides = [1, 1]} : vector<8x256xf32> to vector<1x256xf32>
    %max3A_1050 = vector.broadcast %slice3A_1040 : vector<256x1xf32> to vector<256x256xf32>
    %max3A_1051 = vector.broadcast %slice3A_1045 : vector<1x256xf32> to vector<256x256xf32>
    %max3A_1052 = arith.maximumf %max3A_1050, %max3A_1051 : vector<256x256xf32>
    %max3A_1053 = vector.broadcast %slice3A_1041 : vector<256x1xf32> to vector<256x256xf32>
    %max3A_1054 = vector.broadcast %slice3A_1046 : vector<1x256xf32> to vector<256x256xf32>
    %max3A_1055 = arith.maximumf %max3A_1053, %max3A_1054 : vector<256x256xf32>
    %min3A_1056 = vector.broadcast %slice3A_1042 : vector<256x1xf32> to vector<256x256xf32>
    %min3A_1057 = vector.broadcast %slice3A_1047 : vector<1x256xf32> to vector<256x256xf32>
    %min3A_1058 = arith.minimumf %min3A_1056, %min3A_1057 : vector<256x256xf32>
    %min3A_1059 = vector.broadcast %slice3A_1043 : vector<256x1xf32> to vector<256x256xf32>
    %min3A_1060 = vector.broadcast %slice3A_1048 : vector<1x256xf32> to vector<256x256xf32>
    %min3A_1061 = arith.minimumf %min3A_1059, %min3A_1060 : vector<256x256xf32>
    %sub3A_1062 = arith.subf %min3A_1058, %max3A_1052 : vector<256x256xf32>
    %add3A_1063 = arith.constant 1.000000e+00 : f32
    %add3A_1064 = vector.broadcast %add3A_1063 : f32 to vector<256x256xf32>
    %add3A_1065 = arith.addf %sub3A_1062, %add3A_1064 : vector<256x256xf32>
    %max3A_1066 = arith.constant 0.000000e+00 : f32
    %max3A_1067 = vector.broadcast %max3A_1066 : f32 to vector<256x256xf32>
    %max3A_1068 = arith.maximumf %max3A_1067, %add3A_1065 : vector<256x256xf32>
    %sub3A_1069 = arith.subf %min3A_1061, %max3A_1055 : vector<256x256xf32>
    %add3A_1070 = arith.constant 1.000000e+00 : f32
    %add3A_1071 = vector.broadcast %add3A_1070 : f32 to vector<256x256xf32>
    %add3A_1072 = arith.addf %sub3A_1069, %add3A_1071 : vector<256x256xf32>
    %max3A_1073 = arith.constant 0.000000e+00 : f32
    %max3A_1074 = vector.broadcast %max3A_1073 : f32 to vector<256x256xf32>
    %max3A_1075 = arith.maximumf %max3A_1074, %add3A_1072 : vector<256x256xf32>
    %mul3A_1076 = arith.mulf %max3A_1068, %max3A_1075 : vector<256x256xf32>
    %add3A_1077 = vector.broadcast %slice3A_1044 : vector<256x1xf32> to vector<256x256xf32>
    %add3A_1078 = vector.broadcast %slice3A_1049 : vector<1x256xf32> to vector<256x256xf32>
    %add3A_1079 = arith.addf %add3A_1077, %add3A_1078 : vector<256x256xf32>
    %sub3A_1080 = arith.subf %add3A_1079, %mul3A_1076 : vector<256x256xf32>
    %div3A_1081 = arith.divf %mul3A_1076, %sub3A_1080 : vector<256x256xf32>
    %gt3A_1082 = arith.constant 0.699999988 : f32
    %gt3A_1083 = vector.broadcast %gt3A_1082 : f32 to vector<256x256xf32>
    %gt3A_1084 = arith.cmpf ogt, %div3A_1081, %gt3A_1083 : vector<256x256xf32>
    %convert_element_type3A_1085 = arith.extui %gt3A_1084 : vector<256x256xi1> to vector<256x256xi32>
    %convert_element_type3A_1086 = arith.sitofp %convert_element_type3A_1085 : vector<256x256xi32> to vector<256x256xf32>
    %mul3A_1087 = vector.broadcast %reshape3A_444 : vector<256x1xf32> to vector<256x256xf32>
    %mul3A_1088 = arith.mulf %convert_element_type3A_1086, %mul3A_1087 : vector<256x256xf32>
    %reduce_max3A_1089 = arith.constant dense<0xFF800000> : vector<256xf32>
    %reduce_max3A_1090 = vector.multi_reduction <maximumf>, %mul3A_1088, %reduce_max3A_1089 [0] : vector<256x256xf32> to vector<256xf32>
    %broadcast_in_dim3A_1091 = vector.shape_cast %reduce_max3A_1090 : vector<256xf32> to vector<1x256xf32>
    %max3A_1092 = arith.maximumf %max3A_1039, %broadcast_in_dim3A_1091 : vector<1x256xf32>
    %slice3A_1093 = vector.extract_strided_slice %reshape3A_110 {offsets = [768, 0], sizes = [256, 1], strides = [1, 1]} : vector<2048x1xf32> to vector<256x1xf32>
    %slice3A_1094 = vector.extract_strided_slice %reshape3A_111 {offsets = [768, 0], sizes = [256, 1], strides = [1, 1]} : vector<2048x1xf32> to vector<256x1xf32>
    %slice3A_1095 = vector.extract_strided_slice %reshape3A_112 {offsets = [768, 0], sizes = [256, 1], strides = [1, 1]} : vector<2048x1xf32> to vector<256x1xf32>
    %slice3A_1096 = vector.extract_strided_slice %reshape3A_113 {offsets = [768, 0], sizes = [256, 1], strides = [1, 1]} : vector<2048x1xf32> to vector<256x1xf32>
    %slice3A_1097 = vector.extract_strided_slice %reshape3A_114 {offsets = [768, 0], sizes = [256, 1], strides = [1, 1]} : vector<2048x1xf32> to vector<256x1xf32>
    %slice3A_1098 = vector.extract_strided_slice %reshape3A_104 {offsets = [5, 0], sizes = [1, 256], strides = [1, 1]} : vector<8x256xf32> to vector<1x256xf32>
    %slice3A_1099 = vector.extract_strided_slice %reshape3A_105 {offsets = [5, 0], sizes = [1, 256], strides = [1, 1]} : vector<8x256xf32> to vector<1x256xf32>
    %slice3A_1100 = vector.extract_strided_slice %reshape3A_106 {offsets = [5, 0], sizes = [1, 256], strides = [1, 1]} : vector<8x256xf32> to vector<1x256xf32>
    %slice3A_1101 = vector.extract_strided_slice %reshape3A_107 {offsets = [5, 0], sizes = [1, 256], strides = [1, 1]} : vector<8x256xf32> to vector<1x256xf32>
    %slice3A_1102 = vector.extract_strided_slice %reshape3A_108 {offsets = [5, 0], sizes = [1, 256], strides = [1, 1]} : vector<8x256xf32> to vector<1x256xf32>
    %max3A_1103 = vector.broadcast %slice3A_1093 : vector<256x1xf32> to vector<256x256xf32>
    %max3A_1104 = vector.broadcast %slice3A_1098 : vector<1x256xf32> to vector<256x256xf32>
    %max3A_1105 = arith.maximumf %max3A_1103, %max3A_1104 : vector<256x256xf32>
    %max3A_1106 = vector.broadcast %slice3A_1094 : vector<256x1xf32> to vector<256x256xf32>
    %max3A_1107 = vector.broadcast %slice3A_1099 : vector<1x256xf32> to vector<256x256xf32>
    %max3A_1108 = arith.maximumf %max3A_1106, %max3A_1107 : vector<256x256xf32>
    %min3A_1109 = vector.broadcast %slice3A_1095 : vector<256x1xf32> to vector<256x256xf32>
    %min3A_1110 = vector.broadcast %slice3A_1100 : vector<1x256xf32> to vector<256x256xf32>
    %min3A_1111 = arith.minimumf %min3A_1109, %min3A_1110 : vector<256x256xf32>
    %min3A_1112 = vector.broadcast %slice3A_1096 : vector<256x1xf32> to vector<256x256xf32>
    %min3A_1113 = vector.broadcast %slice3A_1101 : vector<1x256xf32> to vector<256x256xf32>
    %min3A_1114 = arith.minimumf %min3A_1112, %min3A_1113 : vector<256x256xf32>
    %sub3A_1115 = arith.subf %min3A_1111, %max3A_1105 : vector<256x256xf32>
    %add3A_1116 = arith.constant 1.000000e+00 : f32
    %add3A_1117 = vector.broadcast %add3A_1116 : f32 to vector<256x256xf32>
    %add3A_1118 = arith.addf %sub3A_1115, %add3A_1117 : vector<256x256xf32>
    %max3A_1119 = arith.constant 0.000000e+00 : f32
    %max3A_1120 = vector.broadcast %max3A_1119 : f32 to vector<256x256xf32>
    %max3A_1121 = arith.maximumf %max3A_1120, %add3A_1118 : vector<256x256xf32>
    %sub3A_1122 = arith.subf %min3A_1114, %max3A_1108 : vector<256x256xf32>
    %add3A_1123 = arith.constant 1.000000e+00 : f32
    %add3A_1124 = vector.broadcast %add3A_1123 : f32 to vector<256x256xf32>
    %add3A_1125 = arith.addf %sub3A_1122, %add3A_1124 : vector<256x256xf32>
    %max3A_1126 = arith.constant 0.000000e+00 : f32
    %max3A_1127 = vector.broadcast %max3A_1126 : f32 to vector<256x256xf32>
    %max3A_1128 = arith.maximumf %max3A_1127, %add3A_1125 : vector<256x256xf32>
    %mul3A_1129 = arith.mulf %max3A_1121, %max3A_1128 : vector<256x256xf32>
    %add3A_1130 = vector.broadcast %slice3A_1097 : vector<256x1xf32> to vector<256x256xf32>
    %add3A_1131 = vector.broadcast %slice3A_1102 : vector<1x256xf32> to vector<256x256xf32>
    %add3A_1132 = arith.addf %add3A_1130, %add3A_1131 : vector<256x256xf32>
    %sub3A_1133 = arith.subf %add3A_1132, %mul3A_1129 : vector<256x256xf32>
    %div3A_1134 = arith.divf %mul3A_1129, %sub3A_1133 : vector<256x256xf32>
    %gt3A_1135 = arith.constant 0.699999988 : f32
    %gt3A_1136 = vector.broadcast %gt3A_1135 : f32 to vector<256x256xf32>
    %gt3A_1137 = arith.cmpf ogt, %div3A_1134, %gt3A_1136 : vector<256x256xf32>
    %convert_element_type3A_1138 = arith.extui %gt3A_1137 : vector<256x256xi1> to vector<256x256xi32>
    %convert_element_type3A_1139 = arith.sitofp %convert_element_type3A_1138 : vector<256x256xi32> to vector<256x256xf32>
    %mul3A_1140 = vector.broadcast %reshape3A_661 : vector<256x1xf32> to vector<256x256xf32>
    %mul3A_1141 = arith.mulf %convert_element_type3A_1139, %mul3A_1140 : vector<256x256xf32>
    %reduce_max3A_1142 = arith.constant dense<0xFF800000> : vector<256xf32>
    %reduce_max3A_1143 = vector.multi_reduction <maximumf>, %mul3A_1141, %reduce_max3A_1142 [0] : vector<256x256xf32> to vector<256xf32>
    %broadcast_in_dim3A_1144 = vector.shape_cast %reduce_max3A_1143 : vector<256xf32> to vector<1x256xf32>
    %max3A_1145 = arith.maximumf %max3A_1092, %broadcast_in_dim3A_1144 : vector<1x256xf32>
    %slice3A_1146 = vector.extract_strided_slice %reshape3A_110 {offsets = [1024, 0], sizes = [256, 1], strides = [1, 1]} : vector<2048x1xf32> to vector<256x1xf32>
    %slice3A_1147 = vector.extract_strided_slice %reshape3A_111 {offsets = [1024, 0], sizes = [256, 1], strides = [1, 1]} : vector<2048x1xf32> to vector<256x1xf32>
    %slice3A_1148 = vector.extract_strided_slice %reshape3A_112 {offsets = [1024, 0], sizes = [256, 1], strides = [1, 1]} : vector<2048x1xf32> to vector<256x1xf32>
    %slice3A_1149 = vector.extract_strided_slice %reshape3A_113 {offsets = [1024, 0], sizes = [256, 1], strides = [1, 1]} : vector<2048x1xf32> to vector<256x1xf32>
    %slice3A_1150 = vector.extract_strided_slice %reshape3A_114 {offsets = [1024, 0], sizes = [256, 1], strides = [1, 1]} : vector<2048x1xf32> to vector<256x1xf32>
    %slice3A_1151 = vector.extract_strided_slice %reshape3A_104 {offsets = [5, 0], sizes = [1, 256], strides = [1, 1]} : vector<8x256xf32> to vector<1x256xf32>
    %slice3A_1152 = vector.extract_strided_slice %reshape3A_105 {offsets = [5, 0], sizes = [1, 256], strides = [1, 1]} : vector<8x256xf32> to vector<1x256xf32>
    %slice3A_1153 = vector.extract_strided_slice %reshape3A_106 {offsets = [5, 0], sizes = [1, 256], strides = [1, 1]} : vector<8x256xf32> to vector<1x256xf32>
    %slice3A_1154 = vector.extract_strided_slice %reshape3A_107 {offsets = [5, 0], sizes = [1, 256], strides = [1, 1]} : vector<8x256xf32> to vector<1x256xf32>
    %slice3A_1155 = vector.extract_strided_slice %reshape3A_108 {offsets = [5, 0], sizes = [1, 256], strides = [1, 1]} : vector<8x256xf32> to vector<1x256xf32>
    %max3A_1156 = vector.broadcast %slice3A_1146 : vector<256x1xf32> to vector<256x256xf32>
    %max3A_1157 = vector.broadcast %slice3A_1151 : vector<1x256xf32> to vector<256x256xf32>
    %max3A_1158 = arith.maximumf %max3A_1156, %max3A_1157 : vector<256x256xf32>
    %max3A_1159 = vector.broadcast %slice3A_1147 : vector<256x1xf32> to vector<256x256xf32>
    %max3A_1160 = vector.broadcast %slice3A_1152 : vector<1x256xf32> to vector<256x256xf32>
    %max3A_1161 = arith.maximumf %max3A_1159, %max3A_1160 : vector<256x256xf32>
    %min3A_1162 = vector.broadcast %slice3A_1148 : vector<256x1xf32> to vector<256x256xf32>
    %min3A_1163 = vector.broadcast %slice3A_1153 : vector<1x256xf32> to vector<256x256xf32>
    %min3A_1164 = arith.minimumf %min3A_1162, %min3A_1163 : vector<256x256xf32>
    %min3A_1165 = vector.broadcast %slice3A_1149 : vector<256x1xf32> to vector<256x256xf32>
    %min3A_1166 = vector.broadcast %slice3A_1154 : vector<1x256xf32> to vector<256x256xf32>
    %min3A_1167 = arith.minimumf %min3A_1165, %min3A_1166 : vector<256x256xf32>
    %sub3A_1168 = arith.subf %min3A_1164, %max3A_1158 : vector<256x256xf32>
    %add3A_1169 = arith.constant 1.000000e+00 : f32
    %add3A_1170 = vector.broadcast %add3A_1169 : f32 to vector<256x256xf32>
    %add3A_1171 = arith.addf %sub3A_1168, %add3A_1170 : vector<256x256xf32>
    %max3A_1172 = arith.constant 0.000000e+00 : f32
    %max3A_1173 = vector.broadcast %max3A_1172 : f32 to vector<256x256xf32>
    %max3A_1174 = arith.maximumf %max3A_1173, %add3A_1171 : vector<256x256xf32>
    %sub3A_1175 = arith.subf %min3A_1167, %max3A_1161 : vector<256x256xf32>
    %add3A_1176 = arith.constant 1.000000e+00 : f32
    %add3A_1177 = vector.broadcast %add3A_1176 : f32 to vector<256x256xf32>
    %add3A_1178 = arith.addf %sub3A_1175, %add3A_1177 : vector<256x256xf32>
    %max3A_1179 = arith.constant 0.000000e+00 : f32
    %max3A_1180 = vector.broadcast %max3A_1179 : f32 to vector<256x256xf32>
    %max3A_1181 = arith.maximumf %max3A_1180, %add3A_1178 : vector<256x256xf32>
    %mul3A_1182 = arith.mulf %max3A_1174, %max3A_1181 : vector<256x256xf32>
    %add3A_1183 = vector.broadcast %slice3A_1150 : vector<256x1xf32> to vector<256x256xf32>
    %add3A_1184 = vector.broadcast %slice3A_1155 : vector<1x256xf32> to vector<256x256xf32>
    %add3A_1185 = arith.addf %add3A_1183, %add3A_1184 : vector<256x256xf32>
    %sub3A_1186 = arith.subf %add3A_1185, %mul3A_1182 : vector<256x256xf32>
    %div3A_1187 = arith.divf %mul3A_1182, %sub3A_1186 : vector<256x256xf32>
    %gt3A_1188 = arith.constant 0.699999988 : f32
    %gt3A_1189 = vector.broadcast %gt3A_1188 : f32 to vector<256x256xf32>
    %gt3A_1190 = arith.cmpf ogt, %div3A_1187, %gt3A_1189 : vector<256x256xf32>
    %convert_element_type3A_1191 = arith.extui %gt3A_1190 : vector<256x256xi1> to vector<256x256xi32>
    %convert_element_type3A_1192 = arith.sitofp %convert_element_type3A_1191 : vector<256x256xi32> to vector<256x256xf32>
    %mul3A_1193 = vector.broadcast %reshape3A_931 : vector<256x1xf32> to vector<256x256xf32>
    %mul3A_1194 = arith.mulf %convert_element_type3A_1192, %mul3A_1193 : vector<256x256xf32>
    %reduce_max3A_1195 = arith.constant dense<0xFF800000> : vector<256xf32>
    %reduce_max3A_1196 = vector.multi_reduction <maximumf>, %mul3A_1194, %reduce_max3A_1195 [0] : vector<256x256xf32> to vector<256xf32>
    %broadcast_in_dim3A_1197 = vector.shape_cast %reduce_max3A_1196 : vector<256xf32> to vector<1x256xf32>
    %max3A_1198 = arith.maximumf %max3A_1145, %broadcast_in_dim3A_1197 : vector<1x256xf32>
    %slice3A_1199 = vector.extract_strided_slice %reshape3A_109 {offsets = [5, 0], sizes = [1, 256], strides = [1, 1]} : vector<8x256xf32> to vector<1x256xf32>
    %sub3A_1200 = arith.constant 1.000000e+00 : f32
    %sub3A_1201 = vector.broadcast %sub3A_1200 : f32 to vector<1x256xf32>
    %sub3A_1202 = arith.subf %sub3A_1201, %max3A_1198 : vector<1x256xf32>
    %mul3A_1203 = arith.mulf %slice3A_1199, %sub3A_1202 : vector<1x256xf32>
    %slice3A_1204 = vector.extract_strided_slice %reshape3A_110 {offsets = [1280, 0], sizes = [256, 1], strides = [1, 1]} : vector<2048x1xf32> to vector<256x1xf32>
    %slice3A_1205 = vector.extract_strided_slice %reshape3A_111 {offsets = [1280, 0], sizes = [256, 1], strides = [1, 1]} : vector<2048x1xf32> to vector<256x1xf32>
    %slice3A_1206 = vector.extract_strided_slice %reshape3A_112 {offsets = [1280, 0], sizes = [256, 1], strides = [1, 1]} : vector<2048x1xf32> to vector<256x1xf32>
    %slice3A_1207 = vector.extract_strided_slice %reshape3A_113 {offsets = [1280, 0], sizes = [256, 1], strides = [1, 1]} : vector<2048x1xf32> to vector<256x1xf32>
    %slice3A_1208 = vector.extract_strided_slice %reshape3A_114 {offsets = [1280, 0], sizes = [256, 1], strides = [1, 1]} : vector<2048x1xf32> to vector<256x1xf32>
    %slice3A_1209 = vector.extract_strided_slice %reshape3A_104 {offsets = [5, 0], sizes = [1, 256], strides = [1, 1]} : vector<8x256xf32> to vector<1x256xf32>
    %slice3A_1210 = vector.extract_strided_slice %reshape3A_105 {offsets = [5, 0], sizes = [1, 256], strides = [1, 1]} : vector<8x256xf32> to vector<1x256xf32>
    %slice3A_1211 = vector.extract_strided_slice %reshape3A_106 {offsets = [5, 0], sizes = [1, 256], strides = [1, 1]} : vector<8x256xf32> to vector<1x256xf32>
    %slice3A_1212 = vector.extract_strided_slice %reshape3A_107 {offsets = [5, 0], sizes = [1, 256], strides = [1, 1]} : vector<8x256xf32> to vector<1x256xf32>
    %slice3A_1213 = vector.extract_strided_slice %reshape3A_108 {offsets = [5, 0], sizes = [1, 256], strides = [1, 1]} : vector<8x256xf32> to vector<1x256xf32>
    %max3A_1214 = vector.broadcast %slice3A_1204 : vector<256x1xf32> to vector<256x256xf32>
    %max3A_1215 = vector.broadcast %slice3A_1209 : vector<1x256xf32> to vector<256x256xf32>
    %max3A_1216 = arith.maximumf %max3A_1214, %max3A_1215 : vector<256x256xf32>
    %max3A_1217 = vector.broadcast %slice3A_1205 : vector<256x1xf32> to vector<256x256xf32>
    %max3A_1218 = vector.broadcast %slice3A_1210 : vector<1x256xf32> to vector<256x256xf32>
    %max3A_1219 = arith.maximumf %max3A_1217, %max3A_1218 : vector<256x256xf32>
    %min3A_1220 = vector.broadcast %slice3A_1206 : vector<256x1xf32> to vector<256x256xf32>
    %min3A_1221 = vector.broadcast %slice3A_1211 : vector<1x256xf32> to vector<256x256xf32>
    %min3A_1222 = arith.minimumf %min3A_1220, %min3A_1221 : vector<256x256xf32>
    %min3A_1223 = vector.broadcast %slice3A_1207 : vector<256x1xf32> to vector<256x256xf32>
    %min3A_1224 = vector.broadcast %slice3A_1212 : vector<1x256xf32> to vector<256x256xf32>
    %min3A_1225 = arith.minimumf %min3A_1223, %min3A_1224 : vector<256x256xf32>
    %sub3A_1226 = arith.subf %min3A_1222, %max3A_1216 : vector<256x256xf32>
    %add3A_1227 = arith.constant 1.000000e+00 : f32
    %add3A_1228 = vector.broadcast %add3A_1227 : f32 to vector<256x256xf32>
    %add3A_1229 = arith.addf %sub3A_1226, %add3A_1228 : vector<256x256xf32>
    %max3A_1230 = arith.constant 0.000000e+00 : f32
    %max3A_1231 = vector.broadcast %max3A_1230 : f32 to vector<256x256xf32>
    %max3A_1232 = arith.maximumf %max3A_1231, %add3A_1229 : vector<256x256xf32>
    %sub3A_1233 = arith.subf %min3A_1225, %max3A_1219 : vector<256x256xf32>
    %add3A_1234 = arith.constant 1.000000e+00 : f32
    %add3A_1235 = vector.broadcast %add3A_1234 : f32 to vector<256x256xf32>
    %add3A_1236 = arith.addf %sub3A_1233, %add3A_1235 : vector<256x256xf32>
    %max3A_1237 = arith.constant 0.000000e+00 : f32
    %max3A_1238 = vector.broadcast %max3A_1237 : f32 to vector<256x256xf32>
    %max3A_1239 = arith.maximumf %max3A_1238, %add3A_1236 : vector<256x256xf32>
    %mul3A_1240 = arith.mulf %max3A_1232, %max3A_1239 : vector<256x256xf32>
    %add3A_1241 = vector.broadcast %slice3A_1208 : vector<256x1xf32> to vector<256x256xf32>
    %add3A_1242 = vector.broadcast %slice3A_1213 : vector<1x256xf32> to vector<256x256xf32>
    %add3A_1243 = arith.addf %add3A_1241, %add3A_1242 : vector<256x256xf32>
    %sub3A_1244 = arith.subf %add3A_1243, %mul3A_1240 : vector<256x256xf32>
    %div3A_1245 = arith.divf %mul3A_1240, %sub3A_1244 : vector<256x256xf32>
    %gt3A_1246 = arith.constant 0.699999988 : f32
    %gt3A_1247 = vector.broadcast %gt3A_1246 : f32 to vector<256x256xf32>
    %gt3A_1248 = arith.cmpf ogt, %div3A_1245, %gt3A_1247 : vector<256x256xf32>
    %and3A_1249 = arith.andi %gt3A_1248, %lt3A_117 : vector<256x256xi1>
    %convert_element_type3A_1250 = arith.extui %and3A_1249 : vector<256x256xi1> to vector<256x256xi32>
    %convert_element_type3A_1251 = arith.sitofp %convert_element_type3A_1250 : vector<256x256xi32> to vector<256x256xf32>
    %while3A_1252 = arith.constant true
    %while3A_1253:2 = scf.while (%while3A_2256 = %mul3A_1203, %while3A_2257 = %while3A_1252) : (vector<1x256xf32>, i1) -> (vector<1x256xf32>, i1) {
      scf.condition(%while3A_2257) %while3A_2256, %while3A_2257 : vector<1x256xf32>, i1
    } do {
    ^bb0(%while3A_2256: vector<1x256xf32>, %while3A_2257: i1):
      %reshape3A_2258 = vector.shape_cast %while3A_2256 : vector<1x256xf32> to vector<256x1xf32>
      %mul3A_2259 = vector.broadcast %reshape3A_2258 : vector<256x1xf32> to vector<256x256xf32>
      %mul3A_2260 = arith.mulf %convert_element_type3A_1251, %mul3A_2259 : vector<256x256xf32>
      %reduce_max3A_2261 = arith.constant dense<0xFF800000> : vector<256xf32>
      %reduce_max3A_2262 = vector.multi_reduction <maximumf>, %mul3A_2260, %reduce_max3A_2261 [0] : vector<256x256xf32> to vector<256xf32>
      %broadcast_in_dim3A_2263 = vector.shape_cast %reduce_max3A_2262 : vector<256xf32> to vector<1x256xf32>
      %sub3A_2264 = arith.constant 1.000000e+00 : f32
      %sub3A_2265 = vector.broadcast %sub3A_2264 : f32 to vector<1x256xf32>
      %sub3A_2266 = arith.subf %sub3A_2265, %broadcast_in_dim3A_2263 : vector<1x256xf32>
      %mul3A_2267 = arith.mulf %mul3A_1203, %sub3A_2266 : vector<1x256xf32>
      %ne3A = arith.cmpf one, %mul3A_2267, %while3A_2256 : vector<1x256xf32>
      %reduce_or3A = arith.constant 1.000000e+00 : f32
      %reduce_or3A_2268 = arith.constant 0.000000e+00 : f32
      %reduce_or3A_2269 = vector.broadcast %reduce_or3A : f32 to vector<1x256xf32>
      %reduce_or3A_2270 = vector.broadcast %reduce_or3A_2268 : f32 to vector<1x256xf32>
      %reduce_or3A_2271 = arith.select %ne3A, %reduce_or3A_2269, %reduce_or3A_2270 : vector<1x256xi1>, vector<1x256xf32>
      %reduce_or3A_2272 = vector.shape_cast %reduce_or3A_2271 : vector<1x256xf32> to vector<1x1x256xf32>
      %reduce_or3A_2273 = arith.constant dense<0xFF800000> : vector<1xf32>
      %reduce_or3A_2274 = vector.multi_reduction <maximumf>, %reduce_or3A_2272, %reduce_or3A_2273 [1, 2] : vector<1x1x256xf32> to vector<1xf32>
      %reduce_or3A_2275 = vector.shape_cast %reduce_or3A_2274 : vector<1xf32> to vector<1x1x1xf32>
      %reduce_or3A_2276 = vector.extract %reduce_or3A_2275[0, 0, 0] : f32 from vector<1x1x1xf32>
      %reduce_or3A_2277 = arith.constant 0.000000e+00 : f32
      %reduce_or3A_2278 = arith.cmpf ogt, %reduce_or3A_2276, %reduce_or3A_2277 : f32
      scf.yield %mul3A_2267, %reduce_or3A_2278 : vector<1x256xf32>, i1
    }
    %reshape3A_1254 = vector.shape_cast %while3A_1253#0 : vector<1x256xf32> to vector<256x1xf32>
    %broadcast_in_dim3A_1255 = arith.constant 0.000000e+00 : f32
    %broadcast_in_dim3A_1256 = vector.broadcast %broadcast_in_dim3A_1255 : f32 to vector<1x256xf32>
    %slice3A_1257 = vector.extract_strided_slice %reshape3A_110 {offsets = [0, 0], sizes = [256, 1], strides = [1, 1]} : vector<2048x1xf32> to vector<256x1xf32>
    %slice3A_1258 = vector.extract_strided_slice %reshape3A_111 {offsets = [0, 0], sizes = [256, 1], strides = [1, 1]} : vector<2048x1xf32> to vector<256x1xf32>
    %slice3A_1259 = vector.extract_strided_slice %reshape3A_112 {offsets = [0, 0], sizes = [256, 1], strides = [1, 1]} : vector<2048x1xf32> to vector<256x1xf32>
    %slice3A_1260 = vector.extract_strided_slice %reshape3A_113 {offsets = [0, 0], sizes = [256, 1], strides = [1, 1]} : vector<2048x1xf32> to vector<256x1xf32>
    %slice3A_1261 = vector.extract_strided_slice %reshape3A_114 {offsets = [0, 0], sizes = [256, 1], strides = [1, 1]} : vector<2048x1xf32> to vector<256x1xf32>
    %slice3A_1262 = vector.extract_strided_slice %reshape3A_104 {offsets = [6, 0], sizes = [1, 256], strides = [1, 1]} : vector<8x256xf32> to vector<1x256xf32>
    %slice3A_1263 = vector.extract_strided_slice %reshape3A_105 {offsets = [6, 0], sizes = [1, 256], strides = [1, 1]} : vector<8x256xf32> to vector<1x256xf32>
    %slice3A_1264 = vector.extract_strided_slice %reshape3A_106 {offsets = [6, 0], sizes = [1, 256], strides = [1, 1]} : vector<8x256xf32> to vector<1x256xf32>
    %slice3A_1265 = vector.extract_strided_slice %reshape3A_107 {offsets = [6, 0], sizes = [1, 256], strides = [1, 1]} : vector<8x256xf32> to vector<1x256xf32>
    %slice3A_1266 = vector.extract_strided_slice %reshape3A_108 {offsets = [6, 0], sizes = [1, 256], strides = [1, 1]} : vector<8x256xf32> to vector<1x256xf32>
    %max3A_1267 = vector.broadcast %slice3A_1257 : vector<256x1xf32> to vector<256x256xf32>
    %max3A_1268 = vector.broadcast %slice3A_1262 : vector<1x256xf32> to vector<256x256xf32>
    %max3A_1269 = arith.maximumf %max3A_1267, %max3A_1268 : vector<256x256xf32>
    %max3A_1270 = vector.broadcast %slice3A_1258 : vector<256x1xf32> to vector<256x256xf32>
    %max3A_1271 = vector.broadcast %slice3A_1263 : vector<1x256xf32> to vector<256x256xf32>
    %max3A_1272 = arith.maximumf %max3A_1270, %max3A_1271 : vector<256x256xf32>
    %min3A_1273 = vector.broadcast %slice3A_1259 : vector<256x1xf32> to vector<256x256xf32>
    %min3A_1274 = vector.broadcast %slice3A_1264 : vector<1x256xf32> to vector<256x256xf32>
    %min3A_1275 = arith.minimumf %min3A_1273, %min3A_1274 : vector<256x256xf32>
    %min3A_1276 = vector.broadcast %slice3A_1260 : vector<256x1xf32> to vector<256x256xf32>
    %min3A_1277 = vector.broadcast %slice3A_1265 : vector<1x256xf32> to vector<256x256xf32>
    %min3A_1278 = arith.minimumf %min3A_1276, %min3A_1277 : vector<256x256xf32>
    %sub3A_1279 = arith.subf %min3A_1275, %max3A_1269 : vector<256x256xf32>
    %add3A_1280 = arith.constant 1.000000e+00 : f32
    %add3A_1281 = vector.broadcast %add3A_1280 : f32 to vector<256x256xf32>
    %add3A_1282 = arith.addf %sub3A_1279, %add3A_1281 : vector<256x256xf32>
    %max3A_1283 = arith.constant 0.000000e+00 : f32
    %max3A_1284 = vector.broadcast %max3A_1283 : f32 to vector<256x256xf32>
    %max3A_1285 = arith.maximumf %max3A_1284, %add3A_1282 : vector<256x256xf32>
    %sub3A_1286 = arith.subf %min3A_1278, %max3A_1272 : vector<256x256xf32>
    %add3A_1287 = arith.constant 1.000000e+00 : f32
    %add3A_1288 = vector.broadcast %add3A_1287 : f32 to vector<256x256xf32>
    %add3A_1289 = arith.addf %sub3A_1286, %add3A_1288 : vector<256x256xf32>
    %max3A_1290 = arith.constant 0.000000e+00 : f32
    %max3A_1291 = vector.broadcast %max3A_1290 : f32 to vector<256x256xf32>
    %max3A_1292 = arith.maximumf %max3A_1291, %add3A_1289 : vector<256x256xf32>
    %mul3A_1293 = arith.mulf %max3A_1285, %max3A_1292 : vector<256x256xf32>
    %add3A_1294 = vector.broadcast %slice3A_1261 : vector<256x1xf32> to vector<256x256xf32>
    %add3A_1295 = vector.broadcast %slice3A_1266 : vector<1x256xf32> to vector<256x256xf32>
    %add3A_1296 = arith.addf %add3A_1294, %add3A_1295 : vector<256x256xf32>
    %sub3A_1297 = arith.subf %add3A_1296, %mul3A_1293 : vector<256x256xf32>
    %div3A_1298 = arith.divf %mul3A_1293, %sub3A_1297 : vector<256x256xf32>
    %gt3A_1299 = arith.constant 0.699999988 : f32
    %gt3A_1300 = vector.broadcast %gt3A_1299 : f32 to vector<256x256xf32>
    %gt3A_1301 = arith.cmpf ogt, %div3A_1298, %gt3A_1300 : vector<256x256xf32>
    %convert_element_type3A_1302 = arith.extui %gt3A_1301 : vector<256x256xi1> to vector<256x256xi32>
    %convert_element_type3A_1303 = arith.sitofp %convert_element_type3A_1302 : vector<256x256xi32> to vector<256x256xf32>
    %mul3A_1304 = vector.broadcast %reshape3A_170 : vector<256x1xf32> to vector<256x256xf32>
    %mul3A_1305 = arith.mulf %convert_element_type3A_1303, %mul3A_1304 : vector<256x256xf32>
    %reduce_max3A_1306 = arith.constant dense<0xFF800000> : vector<256xf32>
    %reduce_max3A_1307 = vector.multi_reduction <maximumf>, %mul3A_1305, %reduce_max3A_1306 [0] : vector<256x256xf32> to vector<256xf32>
    %broadcast_in_dim3A_1308 = vector.shape_cast %reduce_max3A_1307 : vector<256xf32> to vector<1x256xf32>
    %max3A_1309 = arith.maximumf %broadcast_in_dim3A_1256, %broadcast_in_dim3A_1308 : vector<1x256xf32>
    %slice3A_1310 = vector.extract_strided_slice %reshape3A_110 {offsets = [256, 0], sizes = [256, 1], strides = [1, 1]} : vector<2048x1xf32> to vector<256x1xf32>
    %slice3A_1311 = vector.extract_strided_slice %reshape3A_111 {offsets = [256, 0], sizes = [256, 1], strides = [1, 1]} : vector<2048x1xf32> to vector<256x1xf32>
    %slice3A_1312 = vector.extract_strided_slice %reshape3A_112 {offsets = [256, 0], sizes = [256, 1], strides = [1, 1]} : vector<2048x1xf32> to vector<256x1xf32>
    %slice3A_1313 = vector.extract_strided_slice %reshape3A_113 {offsets = [256, 0], sizes = [256, 1], strides = [1, 1]} : vector<2048x1xf32> to vector<256x1xf32>
    %slice3A_1314 = vector.extract_strided_slice %reshape3A_114 {offsets = [256, 0], sizes = [256, 1], strides = [1, 1]} : vector<2048x1xf32> to vector<256x1xf32>
    %slice3A_1315 = vector.extract_strided_slice %reshape3A_104 {offsets = [6, 0], sizes = [1, 256], strides = [1, 1]} : vector<8x256xf32> to vector<1x256xf32>
    %slice3A_1316 = vector.extract_strided_slice %reshape3A_105 {offsets = [6, 0], sizes = [1, 256], strides = [1, 1]} : vector<8x256xf32> to vector<1x256xf32>
    %slice3A_1317 = vector.extract_strided_slice %reshape3A_106 {offsets = [6, 0], sizes = [1, 256], strides = [1, 1]} : vector<8x256xf32> to vector<1x256xf32>
    %slice3A_1318 = vector.extract_strided_slice %reshape3A_107 {offsets = [6, 0], sizes = [1, 256], strides = [1, 1]} : vector<8x256xf32> to vector<1x256xf32>
    %slice3A_1319 = vector.extract_strided_slice %reshape3A_108 {offsets = [6, 0], sizes = [1, 256], strides = [1, 1]} : vector<8x256xf32> to vector<1x256xf32>
    %max3A_1320 = vector.broadcast %slice3A_1310 : vector<256x1xf32> to vector<256x256xf32>
    %max3A_1321 = vector.broadcast %slice3A_1315 : vector<1x256xf32> to vector<256x256xf32>
    %max3A_1322 = arith.maximumf %max3A_1320, %max3A_1321 : vector<256x256xf32>
    %max3A_1323 = vector.broadcast %slice3A_1311 : vector<256x1xf32> to vector<256x256xf32>
    %max3A_1324 = vector.broadcast %slice3A_1316 : vector<1x256xf32> to vector<256x256xf32>
    %max3A_1325 = arith.maximumf %max3A_1323, %max3A_1324 : vector<256x256xf32>
    %min3A_1326 = vector.broadcast %slice3A_1312 : vector<256x1xf32> to vector<256x256xf32>
    %min3A_1327 = vector.broadcast %slice3A_1317 : vector<1x256xf32> to vector<256x256xf32>
    %min3A_1328 = arith.minimumf %min3A_1326, %min3A_1327 : vector<256x256xf32>
    %min3A_1329 = vector.broadcast %slice3A_1313 : vector<256x1xf32> to vector<256x256xf32>
    %min3A_1330 = vector.broadcast %slice3A_1318 : vector<1x256xf32> to vector<256x256xf32>
    %min3A_1331 = arith.minimumf %min3A_1329, %min3A_1330 : vector<256x256xf32>
    %sub3A_1332 = arith.subf %min3A_1328, %max3A_1322 : vector<256x256xf32>
    %add3A_1333 = arith.constant 1.000000e+00 : f32
    %add3A_1334 = vector.broadcast %add3A_1333 : f32 to vector<256x256xf32>
    %add3A_1335 = arith.addf %sub3A_1332, %add3A_1334 : vector<256x256xf32>
    %max3A_1336 = arith.constant 0.000000e+00 : f32
    %max3A_1337 = vector.broadcast %max3A_1336 : f32 to vector<256x256xf32>
    %max3A_1338 = arith.maximumf %max3A_1337, %add3A_1335 : vector<256x256xf32>
    %sub3A_1339 = arith.subf %min3A_1331, %max3A_1325 : vector<256x256xf32>
    %add3A_1340 = arith.constant 1.000000e+00 : f32
    %add3A_1341 = vector.broadcast %add3A_1340 : f32 to vector<256x256xf32>
    %add3A_1342 = arith.addf %sub3A_1339, %add3A_1341 : vector<256x256xf32>
    %max3A_1343 = arith.constant 0.000000e+00 : f32
    %max3A_1344 = vector.broadcast %max3A_1343 : f32 to vector<256x256xf32>
    %max3A_1345 = arith.maximumf %max3A_1344, %add3A_1342 : vector<256x256xf32>
    %mul3A_1346 = arith.mulf %max3A_1338, %max3A_1345 : vector<256x256xf32>
    %add3A_1347 = vector.broadcast %slice3A_1314 : vector<256x1xf32> to vector<256x256xf32>
    %add3A_1348 = vector.broadcast %slice3A_1319 : vector<1x256xf32> to vector<256x256xf32>
    %add3A_1349 = arith.addf %add3A_1347, %add3A_1348 : vector<256x256xf32>
    %sub3A_1350 = arith.subf %add3A_1349, %mul3A_1346 : vector<256x256xf32>
    %div3A_1351 = arith.divf %mul3A_1346, %sub3A_1350 : vector<256x256xf32>
    %gt3A_1352 = arith.constant 0.699999988 : f32
    %gt3A_1353 = vector.broadcast %gt3A_1352 : f32 to vector<256x256xf32>
    %gt3A_1354 = arith.cmpf ogt, %div3A_1351, %gt3A_1353 : vector<256x256xf32>
    %convert_element_type3A_1355 = arith.extui %gt3A_1354 : vector<256x256xi1> to vector<256x256xi32>
    %convert_element_type3A_1356 = arith.sitofp %convert_element_type3A_1355 : vector<256x256xi32> to vector<256x256xf32>
    %mul3A_1357 = vector.broadcast %reshape3A_280 : vector<256x1xf32> to vector<256x256xf32>
    %mul3A_1358 = arith.mulf %convert_element_type3A_1356, %mul3A_1357 : vector<256x256xf32>
    %reduce_max3A_1359 = arith.constant dense<0xFF800000> : vector<256xf32>
    %reduce_max3A_1360 = vector.multi_reduction <maximumf>, %mul3A_1358, %reduce_max3A_1359 [0] : vector<256x256xf32> to vector<256xf32>
    %broadcast_in_dim3A_1361 = vector.shape_cast %reduce_max3A_1360 : vector<256xf32> to vector<1x256xf32>
    %max3A_1362 = arith.maximumf %max3A_1309, %broadcast_in_dim3A_1361 : vector<1x256xf32>
    %slice3A_1363 = vector.extract_strided_slice %reshape3A_110 {offsets = [512, 0], sizes = [256, 1], strides = [1, 1]} : vector<2048x1xf32> to vector<256x1xf32>
    %slice3A_1364 = vector.extract_strided_slice %reshape3A_111 {offsets = [512, 0], sizes = [256, 1], strides = [1, 1]} : vector<2048x1xf32> to vector<256x1xf32>
    %slice3A_1365 = vector.extract_strided_slice %reshape3A_112 {offsets = [512, 0], sizes = [256, 1], strides = [1, 1]} : vector<2048x1xf32> to vector<256x1xf32>
    %slice3A_1366 = vector.extract_strided_slice %reshape3A_113 {offsets = [512, 0], sizes = [256, 1], strides = [1, 1]} : vector<2048x1xf32> to vector<256x1xf32>
    %slice3A_1367 = vector.extract_strided_slice %reshape3A_114 {offsets = [512, 0], sizes = [256, 1], strides = [1, 1]} : vector<2048x1xf32> to vector<256x1xf32>
    %slice3A_1368 = vector.extract_strided_slice %reshape3A_104 {offsets = [6, 0], sizes = [1, 256], strides = [1, 1]} : vector<8x256xf32> to vector<1x256xf32>
    %slice3A_1369 = vector.extract_strided_slice %reshape3A_105 {offsets = [6, 0], sizes = [1, 256], strides = [1, 1]} : vector<8x256xf32> to vector<1x256xf32>
    %slice3A_1370 = vector.extract_strided_slice %reshape3A_106 {offsets = [6, 0], sizes = [1, 256], strides = [1, 1]} : vector<8x256xf32> to vector<1x256xf32>
    %slice3A_1371 = vector.extract_strided_slice %reshape3A_107 {offsets = [6, 0], sizes = [1, 256], strides = [1, 1]} : vector<8x256xf32> to vector<1x256xf32>
    %slice3A_1372 = vector.extract_strided_slice %reshape3A_108 {offsets = [6, 0], sizes = [1, 256], strides = [1, 1]} : vector<8x256xf32> to vector<1x256xf32>
    %max3A_1373 = vector.broadcast %slice3A_1363 : vector<256x1xf32> to vector<256x256xf32>
    %max3A_1374 = vector.broadcast %slice3A_1368 : vector<1x256xf32> to vector<256x256xf32>
    %max3A_1375 = arith.maximumf %max3A_1373, %max3A_1374 : vector<256x256xf32>
    %max3A_1376 = vector.broadcast %slice3A_1364 : vector<256x1xf32> to vector<256x256xf32>
    %max3A_1377 = vector.broadcast %slice3A_1369 : vector<1x256xf32> to vector<256x256xf32>
    %max3A_1378 = arith.maximumf %max3A_1376, %max3A_1377 : vector<256x256xf32>
    %min3A_1379 = vector.broadcast %slice3A_1365 : vector<256x1xf32> to vector<256x256xf32>
    %min3A_1380 = vector.broadcast %slice3A_1370 : vector<1x256xf32> to vector<256x256xf32>
    %min3A_1381 = arith.minimumf %min3A_1379, %min3A_1380 : vector<256x256xf32>
    %min3A_1382 = vector.broadcast %slice3A_1366 : vector<256x1xf32> to vector<256x256xf32>
    %min3A_1383 = vector.broadcast %slice3A_1371 : vector<1x256xf32> to vector<256x256xf32>
    %min3A_1384 = arith.minimumf %min3A_1382, %min3A_1383 : vector<256x256xf32>
    %sub3A_1385 = arith.subf %min3A_1381, %max3A_1375 : vector<256x256xf32>
    %add3A_1386 = arith.constant 1.000000e+00 : f32
    %add3A_1387 = vector.broadcast %add3A_1386 : f32 to vector<256x256xf32>
    %add3A_1388 = arith.addf %sub3A_1385, %add3A_1387 : vector<256x256xf32>
    %max3A_1389 = arith.constant 0.000000e+00 : f32
    %max3A_1390 = vector.broadcast %max3A_1389 : f32 to vector<256x256xf32>
    %max3A_1391 = arith.maximumf %max3A_1390, %add3A_1388 : vector<256x256xf32>
    %sub3A_1392 = arith.subf %min3A_1384, %max3A_1378 : vector<256x256xf32>
    %add3A_1393 = arith.constant 1.000000e+00 : f32
    %add3A_1394 = vector.broadcast %add3A_1393 : f32 to vector<256x256xf32>
    %add3A_1395 = arith.addf %sub3A_1392, %add3A_1394 : vector<256x256xf32>
    %max3A_1396 = arith.constant 0.000000e+00 : f32
    %max3A_1397 = vector.broadcast %max3A_1396 : f32 to vector<256x256xf32>
    %max3A_1398 = arith.maximumf %max3A_1397, %add3A_1395 : vector<256x256xf32>
    %mul3A_1399 = arith.mulf %max3A_1391, %max3A_1398 : vector<256x256xf32>
    %add3A_1400 = vector.broadcast %slice3A_1367 : vector<256x1xf32> to vector<256x256xf32>
    %add3A_1401 = vector.broadcast %slice3A_1372 : vector<1x256xf32> to vector<256x256xf32>
    %add3A_1402 = arith.addf %add3A_1400, %add3A_1401 : vector<256x256xf32>
    %sub3A_1403 = arith.subf %add3A_1402, %mul3A_1399 : vector<256x256xf32>
    %div3A_1404 = arith.divf %mul3A_1399, %sub3A_1403 : vector<256x256xf32>
    %gt3A_1405 = arith.constant 0.699999988 : f32
    %gt3A_1406 = vector.broadcast %gt3A_1405 : f32 to vector<256x256xf32>
    %gt3A_1407 = arith.cmpf ogt, %div3A_1404, %gt3A_1406 : vector<256x256xf32>
    %convert_element_type3A_1408 = arith.extui %gt3A_1407 : vector<256x256xi1> to vector<256x256xi32>
    %convert_element_type3A_1409 = arith.sitofp %convert_element_type3A_1408 : vector<256x256xi32> to vector<256x256xf32>
    %mul3A_1410 = vector.broadcast %reshape3A_444 : vector<256x1xf32> to vector<256x256xf32>
    %mul3A_1411 = arith.mulf %convert_element_type3A_1409, %mul3A_1410 : vector<256x256xf32>
    %reduce_max3A_1412 = arith.constant dense<0xFF800000> : vector<256xf32>
    %reduce_max3A_1413 = vector.multi_reduction <maximumf>, %mul3A_1411, %reduce_max3A_1412 [0] : vector<256x256xf32> to vector<256xf32>
    %broadcast_in_dim3A_1414 = vector.shape_cast %reduce_max3A_1413 : vector<256xf32> to vector<1x256xf32>
    %max3A_1415 = arith.maximumf %max3A_1362, %broadcast_in_dim3A_1414 : vector<1x256xf32>
    %slice3A_1416 = vector.extract_strided_slice %reshape3A_110 {offsets = [768, 0], sizes = [256, 1], strides = [1, 1]} : vector<2048x1xf32> to vector<256x1xf32>
    %slice3A_1417 = vector.extract_strided_slice %reshape3A_111 {offsets = [768, 0], sizes = [256, 1], strides = [1, 1]} : vector<2048x1xf32> to vector<256x1xf32>
    %slice3A_1418 = vector.extract_strided_slice %reshape3A_112 {offsets = [768, 0], sizes = [256, 1], strides = [1, 1]} : vector<2048x1xf32> to vector<256x1xf32>
    %slice3A_1419 = vector.extract_strided_slice %reshape3A_113 {offsets = [768, 0], sizes = [256, 1], strides = [1, 1]} : vector<2048x1xf32> to vector<256x1xf32>
    %slice3A_1420 = vector.extract_strided_slice %reshape3A_114 {offsets = [768, 0], sizes = [256, 1], strides = [1, 1]} : vector<2048x1xf32> to vector<256x1xf32>
    %slice3A_1421 = vector.extract_strided_slice %reshape3A_104 {offsets = [6, 0], sizes = [1, 256], strides = [1, 1]} : vector<8x256xf32> to vector<1x256xf32>
    %slice3A_1422 = vector.extract_strided_slice %reshape3A_105 {offsets = [6, 0], sizes = [1, 256], strides = [1, 1]} : vector<8x256xf32> to vector<1x256xf32>
    %slice3A_1423 = vector.extract_strided_slice %reshape3A_106 {offsets = [6, 0], sizes = [1, 256], strides = [1, 1]} : vector<8x256xf32> to vector<1x256xf32>
    %slice3A_1424 = vector.extract_strided_slice %reshape3A_107 {offsets = [6, 0], sizes = [1, 256], strides = [1, 1]} : vector<8x256xf32> to vector<1x256xf32>
    %slice3A_1425 = vector.extract_strided_slice %reshape3A_108 {offsets = [6, 0], sizes = [1, 256], strides = [1, 1]} : vector<8x256xf32> to vector<1x256xf32>
    %max3A_1426 = vector.broadcast %slice3A_1416 : vector<256x1xf32> to vector<256x256xf32>
    %max3A_1427 = vector.broadcast %slice3A_1421 : vector<1x256xf32> to vector<256x256xf32>
    %max3A_1428 = arith.maximumf %max3A_1426, %max3A_1427 : vector<256x256xf32>
    %max3A_1429 = vector.broadcast %slice3A_1417 : vector<256x1xf32> to vector<256x256xf32>
    %max3A_1430 = vector.broadcast %slice3A_1422 : vector<1x256xf32> to vector<256x256xf32>
    %max3A_1431 = arith.maximumf %max3A_1429, %max3A_1430 : vector<256x256xf32>
    %min3A_1432 = vector.broadcast %slice3A_1418 : vector<256x1xf32> to vector<256x256xf32>
    %min3A_1433 = vector.broadcast %slice3A_1423 : vector<1x256xf32> to vector<256x256xf32>
    %min3A_1434 = arith.minimumf %min3A_1432, %min3A_1433 : vector<256x256xf32>
    %min3A_1435 = vector.broadcast %slice3A_1419 : vector<256x1xf32> to vector<256x256xf32>
    %min3A_1436 = vector.broadcast %slice3A_1424 : vector<1x256xf32> to vector<256x256xf32>
    %min3A_1437 = arith.minimumf %min3A_1435, %min3A_1436 : vector<256x256xf32>
    %sub3A_1438 = arith.subf %min3A_1434, %max3A_1428 : vector<256x256xf32>
    %add3A_1439 = arith.constant 1.000000e+00 : f32
    %add3A_1440 = vector.broadcast %add3A_1439 : f32 to vector<256x256xf32>
    %add3A_1441 = arith.addf %sub3A_1438, %add3A_1440 : vector<256x256xf32>
    %max3A_1442 = arith.constant 0.000000e+00 : f32
    %max3A_1443 = vector.broadcast %max3A_1442 : f32 to vector<256x256xf32>
    %max3A_1444 = arith.maximumf %max3A_1443, %add3A_1441 : vector<256x256xf32>
    %sub3A_1445 = arith.subf %min3A_1437, %max3A_1431 : vector<256x256xf32>
    %add3A_1446 = arith.constant 1.000000e+00 : f32
    %add3A_1447 = vector.broadcast %add3A_1446 : f32 to vector<256x256xf32>
    %add3A_1448 = arith.addf %sub3A_1445, %add3A_1447 : vector<256x256xf32>
    %max3A_1449 = arith.constant 0.000000e+00 : f32
    %max3A_1450 = vector.broadcast %max3A_1449 : f32 to vector<256x256xf32>
    %max3A_1451 = arith.maximumf %max3A_1450, %add3A_1448 : vector<256x256xf32>
    %mul3A_1452 = arith.mulf %max3A_1444, %max3A_1451 : vector<256x256xf32>
    %add3A_1453 = vector.broadcast %slice3A_1420 : vector<256x1xf32> to vector<256x256xf32>
    %add3A_1454 = vector.broadcast %slice3A_1425 : vector<1x256xf32> to vector<256x256xf32>
    %add3A_1455 = arith.addf %add3A_1453, %add3A_1454 : vector<256x256xf32>
    %sub3A_1456 = arith.subf %add3A_1455, %mul3A_1452 : vector<256x256xf32>
    %div3A_1457 = arith.divf %mul3A_1452, %sub3A_1456 : vector<256x256xf32>
    %gt3A_1458 = arith.constant 0.699999988 : f32
    %gt3A_1459 = vector.broadcast %gt3A_1458 : f32 to vector<256x256xf32>
    %gt3A_1460 = arith.cmpf ogt, %div3A_1457, %gt3A_1459 : vector<256x256xf32>
    %convert_element_type3A_1461 = arith.extui %gt3A_1460 : vector<256x256xi1> to vector<256x256xi32>
    %convert_element_type3A_1462 = arith.sitofp %convert_element_type3A_1461 : vector<256x256xi32> to vector<256x256xf32>
    %mul3A_1463 = vector.broadcast %reshape3A_661 : vector<256x1xf32> to vector<256x256xf32>
    %mul3A_1464 = arith.mulf %convert_element_type3A_1462, %mul3A_1463 : vector<256x256xf32>
    %reduce_max3A_1465 = arith.constant dense<0xFF800000> : vector<256xf32>
    %reduce_max3A_1466 = vector.multi_reduction <maximumf>, %mul3A_1464, %reduce_max3A_1465 [0] : vector<256x256xf32> to vector<256xf32>
    %broadcast_in_dim3A_1467 = vector.shape_cast %reduce_max3A_1466 : vector<256xf32> to vector<1x256xf32>
    %max3A_1468 = arith.maximumf %max3A_1415, %broadcast_in_dim3A_1467 : vector<1x256xf32>
    %slice3A_1469 = vector.extract_strided_slice %reshape3A_110 {offsets = [1024, 0], sizes = [256, 1], strides = [1, 1]} : vector<2048x1xf32> to vector<256x1xf32>
    %slice3A_1470 = vector.extract_strided_slice %reshape3A_111 {offsets = [1024, 0], sizes = [256, 1], strides = [1, 1]} : vector<2048x1xf32> to vector<256x1xf32>
    %slice3A_1471 = vector.extract_strided_slice %reshape3A_112 {offsets = [1024, 0], sizes = [256, 1], strides = [1, 1]} : vector<2048x1xf32> to vector<256x1xf32>
    %slice3A_1472 = vector.extract_strided_slice %reshape3A_113 {offsets = [1024, 0], sizes = [256, 1], strides = [1, 1]} : vector<2048x1xf32> to vector<256x1xf32>
    %slice3A_1473 = vector.extract_strided_slice %reshape3A_114 {offsets = [1024, 0], sizes = [256, 1], strides = [1, 1]} : vector<2048x1xf32> to vector<256x1xf32>
    %slice3A_1474 = vector.extract_strided_slice %reshape3A_104 {offsets = [6, 0], sizes = [1, 256], strides = [1, 1]} : vector<8x256xf32> to vector<1x256xf32>
    %slice3A_1475 = vector.extract_strided_slice %reshape3A_105 {offsets = [6, 0], sizes = [1, 256], strides = [1, 1]} : vector<8x256xf32> to vector<1x256xf32>
    %slice3A_1476 = vector.extract_strided_slice %reshape3A_106 {offsets = [6, 0], sizes = [1, 256], strides = [1, 1]} : vector<8x256xf32> to vector<1x256xf32>
    %slice3A_1477 = vector.extract_strided_slice %reshape3A_107 {offsets = [6, 0], sizes = [1, 256], strides = [1, 1]} : vector<8x256xf32> to vector<1x256xf32>
    %slice3A_1478 = vector.extract_strided_slice %reshape3A_108 {offsets = [6, 0], sizes = [1, 256], strides = [1, 1]} : vector<8x256xf32> to vector<1x256xf32>
    %max3A_1479 = vector.broadcast %slice3A_1469 : vector<256x1xf32> to vector<256x256xf32>
    %max3A_1480 = vector.broadcast %slice3A_1474 : vector<1x256xf32> to vector<256x256xf32>
    %max3A_1481 = arith.maximumf %max3A_1479, %max3A_1480 : vector<256x256xf32>
    %max3A_1482 = vector.broadcast %slice3A_1470 : vector<256x1xf32> to vector<256x256xf32>
    %max3A_1483 = vector.broadcast %slice3A_1475 : vector<1x256xf32> to vector<256x256xf32>
    %max3A_1484 = arith.maximumf %max3A_1482, %max3A_1483 : vector<256x256xf32>
    %min3A_1485 = vector.broadcast %slice3A_1471 : vector<256x1xf32> to vector<256x256xf32>
    %min3A_1486 = vector.broadcast %slice3A_1476 : vector<1x256xf32> to vector<256x256xf32>
    %min3A_1487 = arith.minimumf %min3A_1485, %min3A_1486 : vector<256x256xf32>
    %min3A_1488 = vector.broadcast %slice3A_1472 : vector<256x1xf32> to vector<256x256xf32>
    %min3A_1489 = vector.broadcast %slice3A_1477 : vector<1x256xf32> to vector<256x256xf32>
    %min3A_1490 = arith.minimumf %min3A_1488, %min3A_1489 : vector<256x256xf32>
    %sub3A_1491 = arith.subf %min3A_1487, %max3A_1481 : vector<256x256xf32>
    %add3A_1492 = arith.constant 1.000000e+00 : f32
    %add3A_1493 = vector.broadcast %add3A_1492 : f32 to vector<256x256xf32>
    %add3A_1494 = arith.addf %sub3A_1491, %add3A_1493 : vector<256x256xf32>
    %max3A_1495 = arith.constant 0.000000e+00 : f32
    %max3A_1496 = vector.broadcast %max3A_1495 : f32 to vector<256x256xf32>
    %max3A_1497 = arith.maximumf %max3A_1496, %add3A_1494 : vector<256x256xf32>
    %sub3A_1498 = arith.subf %min3A_1490, %max3A_1484 : vector<256x256xf32>
    %add3A_1499 = arith.constant 1.000000e+00 : f32
    %add3A_1500 = vector.broadcast %add3A_1499 : f32 to vector<256x256xf32>
    %add3A_1501 = arith.addf %sub3A_1498, %add3A_1500 : vector<256x256xf32>
    %max3A_1502 = arith.constant 0.000000e+00 : f32
    %max3A_1503 = vector.broadcast %max3A_1502 : f32 to vector<256x256xf32>
    %max3A_1504 = arith.maximumf %max3A_1503, %add3A_1501 : vector<256x256xf32>
    %mul3A_1505 = arith.mulf %max3A_1497, %max3A_1504 : vector<256x256xf32>
    %add3A_1506 = vector.broadcast %slice3A_1473 : vector<256x1xf32> to vector<256x256xf32>
    %add3A_1507 = vector.broadcast %slice3A_1478 : vector<1x256xf32> to vector<256x256xf32>
    %add3A_1508 = arith.addf %add3A_1506, %add3A_1507 : vector<256x256xf32>
    %sub3A_1509 = arith.subf %add3A_1508, %mul3A_1505 : vector<256x256xf32>
    %div3A_1510 = arith.divf %mul3A_1505, %sub3A_1509 : vector<256x256xf32>
    %gt3A_1511 = arith.constant 0.699999988 : f32
    %gt3A_1512 = vector.broadcast %gt3A_1511 : f32 to vector<256x256xf32>
    %gt3A_1513 = arith.cmpf ogt, %div3A_1510, %gt3A_1512 : vector<256x256xf32>
    %convert_element_type3A_1514 = arith.extui %gt3A_1513 : vector<256x256xi1> to vector<256x256xi32>
    %convert_element_type3A_1515 = arith.sitofp %convert_element_type3A_1514 : vector<256x256xi32> to vector<256x256xf32>
    %mul3A_1516 = vector.broadcast %reshape3A_931 : vector<256x1xf32> to vector<256x256xf32>
    %mul3A_1517 = arith.mulf %convert_element_type3A_1515, %mul3A_1516 : vector<256x256xf32>
    %reduce_max3A_1518 = arith.constant dense<0xFF800000> : vector<256xf32>
    %reduce_max3A_1519 = vector.multi_reduction <maximumf>, %mul3A_1517, %reduce_max3A_1518 [0] : vector<256x256xf32> to vector<256xf32>
    %broadcast_in_dim3A_1520 = vector.shape_cast %reduce_max3A_1519 : vector<256xf32> to vector<1x256xf32>
    %max3A_1521 = arith.maximumf %max3A_1468, %broadcast_in_dim3A_1520 : vector<1x256xf32>
    %slice3A_1522 = vector.extract_strided_slice %reshape3A_110 {offsets = [1280, 0], sizes = [256, 1], strides = [1, 1]} : vector<2048x1xf32> to vector<256x1xf32>
    %slice3A_1523 = vector.extract_strided_slice %reshape3A_111 {offsets = [1280, 0], sizes = [256, 1], strides = [1, 1]} : vector<2048x1xf32> to vector<256x1xf32>
    %slice3A_1524 = vector.extract_strided_slice %reshape3A_112 {offsets = [1280, 0], sizes = [256, 1], strides = [1, 1]} : vector<2048x1xf32> to vector<256x1xf32>
    %slice3A_1525 = vector.extract_strided_slice %reshape3A_113 {offsets = [1280, 0], sizes = [256, 1], strides = [1, 1]} : vector<2048x1xf32> to vector<256x1xf32>
    %slice3A_1526 = vector.extract_strided_slice %reshape3A_114 {offsets = [1280, 0], sizes = [256, 1], strides = [1, 1]} : vector<2048x1xf32> to vector<256x1xf32>
    %slice3A_1527 = vector.extract_strided_slice %reshape3A_104 {offsets = [6, 0], sizes = [1, 256], strides = [1, 1]} : vector<8x256xf32> to vector<1x256xf32>
    %slice3A_1528 = vector.extract_strided_slice %reshape3A_105 {offsets = [6, 0], sizes = [1, 256], strides = [1, 1]} : vector<8x256xf32> to vector<1x256xf32>
    %slice3A_1529 = vector.extract_strided_slice %reshape3A_106 {offsets = [6, 0], sizes = [1, 256], strides = [1, 1]} : vector<8x256xf32> to vector<1x256xf32>
    %slice3A_1530 = vector.extract_strided_slice %reshape3A_107 {offsets = [6, 0], sizes = [1, 256], strides = [1, 1]} : vector<8x256xf32> to vector<1x256xf32>
    %slice3A_1531 = vector.extract_strided_slice %reshape3A_108 {offsets = [6, 0], sizes = [1, 256], strides = [1, 1]} : vector<8x256xf32> to vector<1x256xf32>
    %max3A_1532 = vector.broadcast %slice3A_1522 : vector<256x1xf32> to vector<256x256xf32>
    %max3A_1533 = vector.broadcast %slice3A_1527 : vector<1x256xf32> to vector<256x256xf32>
    %max3A_1534 = arith.maximumf %max3A_1532, %max3A_1533 : vector<256x256xf32>
    %max3A_1535 = vector.broadcast %slice3A_1523 : vector<256x1xf32> to vector<256x256xf32>
    %max3A_1536 = vector.broadcast %slice3A_1528 : vector<1x256xf32> to vector<256x256xf32>
    %max3A_1537 = arith.maximumf %max3A_1535, %max3A_1536 : vector<256x256xf32>
    %min3A_1538 = vector.broadcast %slice3A_1524 : vector<256x1xf32> to vector<256x256xf32>
    %min3A_1539 = vector.broadcast %slice3A_1529 : vector<1x256xf32> to vector<256x256xf32>
    %min3A_1540 = arith.minimumf %min3A_1538, %min3A_1539 : vector<256x256xf32>
    %min3A_1541 = vector.broadcast %slice3A_1525 : vector<256x1xf32> to vector<256x256xf32>
    %min3A_1542 = vector.broadcast %slice3A_1530 : vector<1x256xf32> to vector<256x256xf32>
    %min3A_1543 = arith.minimumf %min3A_1541, %min3A_1542 : vector<256x256xf32>
    %sub3A_1544 = arith.subf %min3A_1540, %max3A_1534 : vector<256x256xf32>
    %add3A_1545 = arith.constant 1.000000e+00 : f32
    %add3A_1546 = vector.broadcast %add3A_1545 : f32 to vector<256x256xf32>
    %add3A_1547 = arith.addf %sub3A_1544, %add3A_1546 : vector<256x256xf32>
    %max3A_1548 = arith.constant 0.000000e+00 : f32
    %max3A_1549 = vector.broadcast %max3A_1548 : f32 to vector<256x256xf32>
    %max3A_1550 = arith.maximumf %max3A_1549, %add3A_1547 : vector<256x256xf32>
    %sub3A_1551 = arith.subf %min3A_1543, %max3A_1537 : vector<256x256xf32>
    %add3A_1552 = arith.constant 1.000000e+00 : f32
    %add3A_1553 = vector.broadcast %add3A_1552 : f32 to vector<256x256xf32>
    %add3A_1554 = arith.addf %sub3A_1551, %add3A_1553 : vector<256x256xf32>
    %max3A_1555 = arith.constant 0.000000e+00 : f32
    %max3A_1556 = vector.broadcast %max3A_1555 : f32 to vector<256x256xf32>
    %max3A_1557 = arith.maximumf %max3A_1556, %add3A_1554 : vector<256x256xf32>
    %mul3A_1558 = arith.mulf %max3A_1550, %max3A_1557 : vector<256x256xf32>
    %add3A_1559 = vector.broadcast %slice3A_1526 : vector<256x1xf32> to vector<256x256xf32>
    %add3A_1560 = vector.broadcast %slice3A_1531 : vector<1x256xf32> to vector<256x256xf32>
    %add3A_1561 = arith.addf %add3A_1559, %add3A_1560 : vector<256x256xf32>
    %sub3A_1562 = arith.subf %add3A_1561, %mul3A_1558 : vector<256x256xf32>
    %div3A_1563 = arith.divf %mul3A_1558, %sub3A_1562 : vector<256x256xf32>
    %gt3A_1564 = arith.constant 0.699999988 : f32
    %gt3A_1565 = vector.broadcast %gt3A_1564 : f32 to vector<256x256xf32>
    %gt3A_1566 = arith.cmpf ogt, %div3A_1563, %gt3A_1565 : vector<256x256xf32>
    %convert_element_type3A_1567 = arith.extui %gt3A_1566 : vector<256x256xi1> to vector<256x256xi32>
    %convert_element_type3A_1568 = arith.sitofp %convert_element_type3A_1567 : vector<256x256xi32> to vector<256x256xf32>
    %mul3A_1569 = vector.broadcast %reshape3A_1254 : vector<256x1xf32> to vector<256x256xf32>
    %mul3A_1570 = arith.mulf %convert_element_type3A_1568, %mul3A_1569 : vector<256x256xf32>
    %reduce_max3A_1571 = arith.constant dense<0xFF800000> : vector<256xf32>
    %reduce_max3A_1572 = vector.multi_reduction <maximumf>, %mul3A_1570, %reduce_max3A_1571 [0] : vector<256x256xf32> to vector<256xf32>
    %broadcast_in_dim3A_1573 = vector.shape_cast %reduce_max3A_1572 : vector<256xf32> to vector<1x256xf32>
    %max3A_1574 = arith.maximumf %max3A_1521, %broadcast_in_dim3A_1573 : vector<1x256xf32>
    %slice3A_1575 = vector.extract_strided_slice %reshape3A_109 {offsets = [6, 0], sizes = [1, 256], strides = [1, 1]} : vector<8x256xf32> to vector<1x256xf32>
    %sub3A_1576 = arith.constant 1.000000e+00 : f32
    %sub3A_1577 = vector.broadcast %sub3A_1576 : f32 to vector<1x256xf32>
    %sub3A_1578 = arith.subf %sub3A_1577, %max3A_1574 : vector<1x256xf32>
    %mul3A_1579 = arith.mulf %slice3A_1575, %sub3A_1578 : vector<1x256xf32>
    %slice3A_1580 = vector.extract_strided_slice %reshape3A_110 {offsets = [1536, 0], sizes = [256, 1], strides = [1, 1]} : vector<2048x1xf32> to vector<256x1xf32>
    %slice3A_1581 = vector.extract_strided_slice %reshape3A_111 {offsets = [1536, 0], sizes = [256, 1], strides = [1, 1]} : vector<2048x1xf32> to vector<256x1xf32>
    %slice3A_1582 = vector.extract_strided_slice %reshape3A_112 {offsets = [1536, 0], sizes = [256, 1], strides = [1, 1]} : vector<2048x1xf32> to vector<256x1xf32>
    %slice3A_1583 = vector.extract_strided_slice %reshape3A_113 {offsets = [1536, 0], sizes = [256, 1], strides = [1, 1]} : vector<2048x1xf32> to vector<256x1xf32>
    %slice3A_1584 = vector.extract_strided_slice %reshape3A_114 {offsets = [1536, 0], sizes = [256, 1], strides = [1, 1]} : vector<2048x1xf32> to vector<256x1xf32>
    %slice3A_1585 = vector.extract_strided_slice %reshape3A_104 {offsets = [6, 0], sizes = [1, 256], strides = [1, 1]} : vector<8x256xf32> to vector<1x256xf32>
    %slice3A_1586 = vector.extract_strided_slice %reshape3A_105 {offsets = [6, 0], sizes = [1, 256], strides = [1, 1]} : vector<8x256xf32> to vector<1x256xf32>
    %slice3A_1587 = vector.extract_strided_slice %reshape3A_106 {offsets = [6, 0], sizes = [1, 256], strides = [1, 1]} : vector<8x256xf32> to vector<1x256xf32>
    %slice3A_1588 = vector.extract_strided_slice %reshape3A_107 {offsets = [6, 0], sizes = [1, 256], strides = [1, 1]} : vector<8x256xf32> to vector<1x256xf32>
    %slice3A_1589 = vector.extract_strided_slice %reshape3A_108 {offsets = [6, 0], sizes = [1, 256], strides = [1, 1]} : vector<8x256xf32> to vector<1x256xf32>
    %max3A_1590 = vector.broadcast %slice3A_1580 : vector<256x1xf32> to vector<256x256xf32>
    %max3A_1591 = vector.broadcast %slice3A_1585 : vector<1x256xf32> to vector<256x256xf32>
    %max3A_1592 = arith.maximumf %max3A_1590, %max3A_1591 : vector<256x256xf32>
    %max3A_1593 = vector.broadcast %slice3A_1581 : vector<256x1xf32> to vector<256x256xf32>
    %max3A_1594 = vector.broadcast %slice3A_1586 : vector<1x256xf32> to vector<256x256xf32>
    %max3A_1595 = arith.maximumf %max3A_1593, %max3A_1594 : vector<256x256xf32>
    %min3A_1596 = vector.broadcast %slice3A_1582 : vector<256x1xf32> to vector<256x256xf32>
    %min3A_1597 = vector.broadcast %slice3A_1587 : vector<1x256xf32> to vector<256x256xf32>
    %min3A_1598 = arith.minimumf %min3A_1596, %min3A_1597 : vector<256x256xf32>
    %min3A_1599 = vector.broadcast %slice3A_1583 : vector<256x1xf32> to vector<256x256xf32>
    %min3A_1600 = vector.broadcast %slice3A_1588 : vector<1x256xf32> to vector<256x256xf32>
    %min3A_1601 = arith.minimumf %min3A_1599, %min3A_1600 : vector<256x256xf32>
    %sub3A_1602 = arith.subf %min3A_1598, %max3A_1592 : vector<256x256xf32>
    %add3A_1603 = arith.constant 1.000000e+00 : f32
    %add3A_1604 = vector.broadcast %add3A_1603 : f32 to vector<256x256xf32>
    %add3A_1605 = arith.addf %sub3A_1602, %add3A_1604 : vector<256x256xf32>
    %max3A_1606 = arith.constant 0.000000e+00 : f32
    %max3A_1607 = vector.broadcast %max3A_1606 : f32 to vector<256x256xf32>
    %max3A_1608 = arith.maximumf %max3A_1607, %add3A_1605 : vector<256x256xf32>
    %sub3A_1609 = arith.subf %min3A_1601, %max3A_1595 : vector<256x256xf32>
    %add3A_1610 = arith.constant 1.000000e+00 : f32
    %add3A_1611 = vector.broadcast %add3A_1610 : f32 to vector<256x256xf32>
    %add3A_1612 = arith.addf %sub3A_1609, %add3A_1611 : vector<256x256xf32>
    %max3A_1613 = arith.constant 0.000000e+00 : f32
    %max3A_1614 = vector.broadcast %max3A_1613 : f32 to vector<256x256xf32>
    %max3A_1615 = arith.maximumf %max3A_1614, %add3A_1612 : vector<256x256xf32>
    %mul3A_1616 = arith.mulf %max3A_1608, %max3A_1615 : vector<256x256xf32>
    %add3A_1617 = vector.broadcast %slice3A_1584 : vector<256x1xf32> to vector<256x256xf32>
    %add3A_1618 = vector.broadcast %slice3A_1589 : vector<1x256xf32> to vector<256x256xf32>
    %add3A_1619 = arith.addf %add3A_1617, %add3A_1618 : vector<256x256xf32>
    %sub3A_1620 = arith.subf %add3A_1619, %mul3A_1616 : vector<256x256xf32>
    %div3A_1621 = arith.divf %mul3A_1616, %sub3A_1620 : vector<256x256xf32>
    %gt3A_1622 = arith.constant 0.699999988 : f32
    %gt3A_1623 = vector.broadcast %gt3A_1622 : f32 to vector<256x256xf32>
    %gt3A_1624 = arith.cmpf ogt, %div3A_1621, %gt3A_1623 : vector<256x256xf32>
    %and3A_1625 = arith.andi %gt3A_1624, %lt3A_117 : vector<256x256xi1>
    %convert_element_type3A_1626 = arith.extui %and3A_1625 : vector<256x256xi1> to vector<256x256xi32>
    %convert_element_type3A_1627 = arith.sitofp %convert_element_type3A_1626 : vector<256x256xi32> to vector<256x256xf32>
    %while3A_1628 = arith.constant true
    %while3A_1629:2 = scf.while (%while3A_2256 = %mul3A_1579, %while3A_2257 = %while3A_1628) : (vector<1x256xf32>, i1) -> (vector<1x256xf32>, i1) {
      scf.condition(%while3A_2257) %while3A_2256, %while3A_2257 : vector<1x256xf32>, i1
    } do {
    ^bb0(%while3A_2256: vector<1x256xf32>, %while3A_2257: i1):
      %reshape3A_2258 = vector.shape_cast %while3A_2256 : vector<1x256xf32> to vector<256x1xf32>
      %mul3A_2259 = vector.broadcast %reshape3A_2258 : vector<256x1xf32> to vector<256x256xf32>
      %mul3A_2260 = arith.mulf %convert_element_type3A_1627, %mul3A_2259 : vector<256x256xf32>
      %reduce_max3A_2261 = arith.constant dense<0xFF800000> : vector<256xf32>
      %reduce_max3A_2262 = vector.multi_reduction <maximumf>, %mul3A_2260, %reduce_max3A_2261 [0] : vector<256x256xf32> to vector<256xf32>
      %broadcast_in_dim3A_2263 = vector.shape_cast %reduce_max3A_2262 : vector<256xf32> to vector<1x256xf32>
      %sub3A_2264 = arith.constant 1.000000e+00 : f32
      %sub3A_2265 = vector.broadcast %sub3A_2264 : f32 to vector<1x256xf32>
      %sub3A_2266 = arith.subf %sub3A_2265, %broadcast_in_dim3A_2263 : vector<1x256xf32>
      %mul3A_2267 = arith.mulf %mul3A_1579, %sub3A_2266 : vector<1x256xf32>
      %ne3A = arith.cmpf one, %mul3A_2267, %while3A_2256 : vector<1x256xf32>
      %reduce_or3A = arith.constant 1.000000e+00 : f32
      %reduce_or3A_2268 = arith.constant 0.000000e+00 : f32
      %reduce_or3A_2269 = vector.broadcast %reduce_or3A : f32 to vector<1x256xf32>
      %reduce_or3A_2270 = vector.broadcast %reduce_or3A_2268 : f32 to vector<1x256xf32>
      %reduce_or3A_2271 = arith.select %ne3A, %reduce_or3A_2269, %reduce_or3A_2270 : vector<1x256xi1>, vector<1x256xf32>
      %reduce_or3A_2272 = vector.shape_cast %reduce_or3A_2271 : vector<1x256xf32> to vector<1x1x256xf32>
      %reduce_or3A_2273 = arith.constant dense<0xFF800000> : vector<1xf32>
      %reduce_or3A_2274 = vector.multi_reduction <maximumf>, %reduce_or3A_2272, %reduce_or3A_2273 [1, 2] : vector<1x1x256xf32> to vector<1xf32>
      %reduce_or3A_2275 = vector.shape_cast %reduce_or3A_2274 : vector<1xf32> to vector<1x1x1xf32>
      %reduce_or3A_2276 = vector.extract %reduce_or3A_2275[0, 0, 0] : f32 from vector<1x1x1xf32>
      %reduce_or3A_2277 = arith.constant 0.000000e+00 : f32
      %reduce_or3A_2278 = arith.cmpf ogt, %reduce_or3A_2276, %reduce_or3A_2277 : f32
      scf.yield %mul3A_2267, %reduce_or3A_2278 : vector<1x256xf32>, i1
    }
    %reshape3A_1630 = vector.shape_cast %while3A_1629#0 : vector<1x256xf32> to vector<256x1xf32>
    %broadcast_in_dim3A_1631 = arith.constant 0.000000e+00 : f32
    %broadcast_in_dim3A_1632 = vector.broadcast %broadcast_in_dim3A_1631 : f32 to vector<1x256xf32>
    %slice3A_1633 = vector.extract_strided_slice %reshape3A_110 {offsets = [0, 0], sizes = [256, 1], strides = [1, 1]} : vector<2048x1xf32> to vector<256x1xf32>
    %slice3A_1634 = vector.extract_strided_slice %reshape3A_111 {offsets = [0, 0], sizes = [256, 1], strides = [1, 1]} : vector<2048x1xf32> to vector<256x1xf32>
    %slice3A_1635 = vector.extract_strided_slice %reshape3A_112 {offsets = [0, 0], sizes = [256, 1], strides = [1, 1]} : vector<2048x1xf32> to vector<256x1xf32>
    %slice3A_1636 = vector.extract_strided_slice %reshape3A_113 {offsets = [0, 0], sizes = [256, 1], strides = [1, 1]} : vector<2048x1xf32> to vector<256x1xf32>
    %slice3A_1637 = vector.extract_strided_slice %reshape3A_114 {offsets = [0, 0], sizes = [256, 1], strides = [1, 1]} : vector<2048x1xf32> to vector<256x1xf32>
    %slice3A_1638 = vector.extract_strided_slice %reshape3A_104 {offsets = [7, 0], sizes = [1, 256], strides = [1, 1]} : vector<8x256xf32> to vector<1x256xf32>
    %slice3A_1639 = vector.extract_strided_slice %reshape3A_105 {offsets = [7, 0], sizes = [1, 256], strides = [1, 1]} : vector<8x256xf32> to vector<1x256xf32>
    %slice3A_1640 = vector.extract_strided_slice %reshape3A_106 {offsets = [7, 0], sizes = [1, 256], strides = [1, 1]} : vector<8x256xf32> to vector<1x256xf32>
    %slice3A_1641 = vector.extract_strided_slice %reshape3A_107 {offsets = [7, 0], sizes = [1, 256], strides = [1, 1]} : vector<8x256xf32> to vector<1x256xf32>
    %slice3A_1642 = vector.extract_strided_slice %reshape3A_108 {offsets = [7, 0], sizes = [1, 256], strides = [1, 1]} : vector<8x256xf32> to vector<1x256xf32>
    %max3A_1643 = vector.broadcast %slice3A_1633 : vector<256x1xf32> to vector<256x256xf32>
    %max3A_1644 = vector.broadcast %slice3A_1638 : vector<1x256xf32> to vector<256x256xf32>
    %max3A_1645 = arith.maximumf %max3A_1643, %max3A_1644 : vector<256x256xf32>
    %max3A_1646 = vector.broadcast %slice3A_1634 : vector<256x1xf32> to vector<256x256xf32>
    %max3A_1647 = vector.broadcast %slice3A_1639 : vector<1x256xf32> to vector<256x256xf32>
    %max3A_1648 = arith.maximumf %max3A_1646, %max3A_1647 : vector<256x256xf32>
    %min3A_1649 = vector.broadcast %slice3A_1635 : vector<256x1xf32> to vector<256x256xf32>
    %min3A_1650 = vector.broadcast %slice3A_1640 : vector<1x256xf32> to vector<256x256xf32>
    %min3A_1651 = arith.minimumf %min3A_1649, %min3A_1650 : vector<256x256xf32>
    %min3A_1652 = vector.broadcast %slice3A_1636 : vector<256x1xf32> to vector<256x256xf32>
    %min3A_1653 = vector.broadcast %slice3A_1641 : vector<1x256xf32> to vector<256x256xf32>
    %min3A_1654 = arith.minimumf %min3A_1652, %min3A_1653 : vector<256x256xf32>
    %sub3A_1655 = arith.subf %min3A_1651, %max3A_1645 : vector<256x256xf32>
    %add3A_1656 = arith.constant 1.000000e+00 : f32
    %add3A_1657 = vector.broadcast %add3A_1656 : f32 to vector<256x256xf32>
    %add3A_1658 = arith.addf %sub3A_1655, %add3A_1657 : vector<256x256xf32>
    %max3A_1659 = arith.constant 0.000000e+00 : f32
    %max3A_1660 = vector.broadcast %max3A_1659 : f32 to vector<256x256xf32>
    %max3A_1661 = arith.maximumf %max3A_1660, %add3A_1658 : vector<256x256xf32>
    %sub3A_1662 = arith.subf %min3A_1654, %max3A_1648 : vector<256x256xf32>
    %add3A_1663 = arith.constant 1.000000e+00 : f32
    %add3A_1664 = vector.broadcast %add3A_1663 : f32 to vector<256x256xf32>
    %add3A_1665 = arith.addf %sub3A_1662, %add3A_1664 : vector<256x256xf32>
    %max3A_1666 = arith.constant 0.000000e+00 : f32
    %max3A_1667 = vector.broadcast %max3A_1666 : f32 to vector<256x256xf32>
    %max3A_1668 = arith.maximumf %max3A_1667, %add3A_1665 : vector<256x256xf32>
    %mul3A_1669 = arith.mulf %max3A_1661, %max3A_1668 : vector<256x256xf32>
    %add3A_1670 = vector.broadcast %slice3A_1637 : vector<256x1xf32> to vector<256x256xf32>
    %add3A_1671 = vector.broadcast %slice3A_1642 : vector<1x256xf32> to vector<256x256xf32>
    %add3A_1672 = arith.addf %add3A_1670, %add3A_1671 : vector<256x256xf32>
    %sub3A_1673 = arith.subf %add3A_1672, %mul3A_1669 : vector<256x256xf32>
    %div3A_1674 = arith.divf %mul3A_1669, %sub3A_1673 : vector<256x256xf32>
    %gt3A_1675 = arith.constant 0.699999988 : f32
    %gt3A_1676 = vector.broadcast %gt3A_1675 : f32 to vector<256x256xf32>
    %gt3A_1677 = arith.cmpf ogt, %div3A_1674, %gt3A_1676 : vector<256x256xf32>
    %convert_element_type3A_1678 = arith.extui %gt3A_1677 : vector<256x256xi1> to vector<256x256xi32>
    %convert_element_type3A_1679 = arith.sitofp %convert_element_type3A_1678 : vector<256x256xi32> to vector<256x256xf32>
    %mul3A_1680 = vector.broadcast %reshape3A_170 : vector<256x1xf32> to vector<256x256xf32>
    %mul3A_1681 = arith.mulf %convert_element_type3A_1679, %mul3A_1680 : vector<256x256xf32>
    %reduce_max3A_1682 = arith.constant dense<0xFF800000> : vector<256xf32>
    %reduce_max3A_1683 = vector.multi_reduction <maximumf>, %mul3A_1681, %reduce_max3A_1682 [0] : vector<256x256xf32> to vector<256xf32>
    %broadcast_in_dim3A_1684 = vector.shape_cast %reduce_max3A_1683 : vector<256xf32> to vector<1x256xf32>
    %max3A_1685 = arith.maximumf %broadcast_in_dim3A_1632, %broadcast_in_dim3A_1684 : vector<1x256xf32>
    %slice3A_1686 = vector.extract_strided_slice %reshape3A_110 {offsets = [256, 0], sizes = [256, 1], strides = [1, 1]} : vector<2048x1xf32> to vector<256x1xf32>
    %slice3A_1687 = vector.extract_strided_slice %reshape3A_111 {offsets = [256, 0], sizes = [256, 1], strides = [1, 1]} : vector<2048x1xf32> to vector<256x1xf32>
    %slice3A_1688 = vector.extract_strided_slice %reshape3A_112 {offsets = [256, 0], sizes = [256, 1], strides = [1, 1]} : vector<2048x1xf32> to vector<256x1xf32>
    %slice3A_1689 = vector.extract_strided_slice %reshape3A_113 {offsets = [256, 0], sizes = [256, 1], strides = [1, 1]} : vector<2048x1xf32> to vector<256x1xf32>
    %slice3A_1690 = vector.extract_strided_slice %reshape3A_114 {offsets = [256, 0], sizes = [256, 1], strides = [1, 1]} : vector<2048x1xf32> to vector<256x1xf32>
    %slice3A_1691 = vector.extract_strided_slice %reshape3A_104 {offsets = [7, 0], sizes = [1, 256], strides = [1, 1]} : vector<8x256xf32> to vector<1x256xf32>
    %slice3A_1692 = vector.extract_strided_slice %reshape3A_105 {offsets = [7, 0], sizes = [1, 256], strides = [1, 1]} : vector<8x256xf32> to vector<1x256xf32>
    %slice3A_1693 = vector.extract_strided_slice %reshape3A_106 {offsets = [7, 0], sizes = [1, 256], strides = [1, 1]} : vector<8x256xf32> to vector<1x256xf32>
    %slice3A_1694 = vector.extract_strided_slice %reshape3A_107 {offsets = [7, 0], sizes = [1, 256], strides = [1, 1]} : vector<8x256xf32> to vector<1x256xf32>
    %slice3A_1695 = vector.extract_strided_slice %reshape3A_108 {offsets = [7, 0], sizes = [1, 256], strides = [1, 1]} : vector<8x256xf32> to vector<1x256xf32>
    %max3A_1696 = vector.broadcast %slice3A_1686 : vector<256x1xf32> to vector<256x256xf32>
    %max3A_1697 = vector.broadcast %slice3A_1691 : vector<1x256xf32> to vector<256x256xf32>
    %max3A_1698 = arith.maximumf %max3A_1696, %max3A_1697 : vector<256x256xf32>
    %max3A_1699 = vector.broadcast %slice3A_1687 : vector<256x1xf32> to vector<256x256xf32>
    %max3A_1700 = vector.broadcast %slice3A_1692 : vector<1x256xf32> to vector<256x256xf32>
    %max3A_1701 = arith.maximumf %max3A_1699, %max3A_1700 : vector<256x256xf32>
    %min3A_1702 = vector.broadcast %slice3A_1688 : vector<256x1xf32> to vector<256x256xf32>
    %min3A_1703 = vector.broadcast %slice3A_1693 : vector<1x256xf32> to vector<256x256xf32>
    %min3A_1704 = arith.minimumf %min3A_1702, %min3A_1703 : vector<256x256xf32>
    %min3A_1705 = vector.broadcast %slice3A_1689 : vector<256x1xf32> to vector<256x256xf32>
    %min3A_1706 = vector.broadcast %slice3A_1694 : vector<1x256xf32> to vector<256x256xf32>
    %min3A_1707 = arith.minimumf %min3A_1705, %min3A_1706 : vector<256x256xf32>
    %sub3A_1708 = arith.subf %min3A_1704, %max3A_1698 : vector<256x256xf32>
    %add3A_1709 = arith.constant 1.000000e+00 : f32
    %add3A_1710 = vector.broadcast %add3A_1709 : f32 to vector<256x256xf32>
    %add3A_1711 = arith.addf %sub3A_1708, %add3A_1710 : vector<256x256xf32>
    %max3A_1712 = arith.constant 0.000000e+00 : f32
    %max3A_1713 = vector.broadcast %max3A_1712 : f32 to vector<256x256xf32>
    %max3A_1714 = arith.maximumf %max3A_1713, %add3A_1711 : vector<256x256xf32>
    %sub3A_1715 = arith.subf %min3A_1707, %max3A_1701 : vector<256x256xf32>
    %add3A_1716 = arith.constant 1.000000e+00 : f32
    %add3A_1717 = vector.broadcast %add3A_1716 : f32 to vector<256x256xf32>
    %add3A_1718 = arith.addf %sub3A_1715, %add3A_1717 : vector<256x256xf32>
    %max3A_1719 = arith.constant 0.000000e+00 : f32
    %max3A_1720 = vector.broadcast %max3A_1719 : f32 to vector<256x256xf32>
    %max3A_1721 = arith.maximumf %max3A_1720, %add3A_1718 : vector<256x256xf32>
    %mul3A_1722 = arith.mulf %max3A_1714, %max3A_1721 : vector<256x256xf32>
    %add3A_1723 = vector.broadcast %slice3A_1690 : vector<256x1xf32> to vector<256x256xf32>
    %add3A_1724 = vector.broadcast %slice3A_1695 : vector<1x256xf32> to vector<256x256xf32>
    %add3A_1725 = arith.addf %add3A_1723, %add3A_1724 : vector<256x256xf32>
    %sub3A_1726 = arith.subf %add3A_1725, %mul3A_1722 : vector<256x256xf32>
    %div3A_1727 = arith.divf %mul3A_1722, %sub3A_1726 : vector<256x256xf32>
    %gt3A_1728 = arith.constant 0.699999988 : f32
    %gt3A_1729 = vector.broadcast %gt3A_1728 : f32 to vector<256x256xf32>
    %gt3A_1730 = arith.cmpf ogt, %div3A_1727, %gt3A_1729 : vector<256x256xf32>
    %convert_element_type3A_1731 = arith.extui %gt3A_1730 : vector<256x256xi1> to vector<256x256xi32>
    %convert_element_type3A_1732 = arith.sitofp %convert_element_type3A_1731 : vector<256x256xi32> to vector<256x256xf32>
    %mul3A_1733 = vector.broadcast %reshape3A_280 : vector<256x1xf32> to vector<256x256xf32>
    %mul3A_1734 = arith.mulf %convert_element_type3A_1732, %mul3A_1733 : vector<256x256xf32>
    %reduce_max3A_1735 = arith.constant dense<0xFF800000> : vector<256xf32>
    %reduce_max3A_1736 = vector.multi_reduction <maximumf>, %mul3A_1734, %reduce_max3A_1735 [0] : vector<256x256xf32> to vector<256xf32>
    %broadcast_in_dim3A_1737 = vector.shape_cast %reduce_max3A_1736 : vector<256xf32> to vector<1x256xf32>
    %max3A_1738 = arith.maximumf %max3A_1685, %broadcast_in_dim3A_1737 : vector<1x256xf32>
    %slice3A_1739 = vector.extract_strided_slice %reshape3A_110 {offsets = [512, 0], sizes = [256, 1], strides = [1, 1]} : vector<2048x1xf32> to vector<256x1xf32>
    %slice3A_1740 = vector.extract_strided_slice %reshape3A_111 {offsets = [512, 0], sizes = [256, 1], strides = [1, 1]} : vector<2048x1xf32> to vector<256x1xf32>
    %slice3A_1741 = vector.extract_strided_slice %reshape3A_112 {offsets = [512, 0], sizes = [256, 1], strides = [1, 1]} : vector<2048x1xf32> to vector<256x1xf32>
    %slice3A_1742 = vector.extract_strided_slice %reshape3A_113 {offsets = [512, 0], sizes = [256, 1], strides = [1, 1]} : vector<2048x1xf32> to vector<256x1xf32>
    %slice3A_1743 = vector.extract_strided_slice %reshape3A_114 {offsets = [512, 0], sizes = [256, 1], strides = [1, 1]} : vector<2048x1xf32> to vector<256x1xf32>
    %slice3A_1744 = vector.extract_strided_slice %reshape3A_104 {offsets = [7, 0], sizes = [1, 256], strides = [1, 1]} : vector<8x256xf32> to vector<1x256xf32>
    %slice3A_1745 = vector.extract_strided_slice %reshape3A_105 {offsets = [7, 0], sizes = [1, 256], strides = [1, 1]} : vector<8x256xf32> to vector<1x256xf32>
    %slice3A_1746 = vector.extract_strided_slice %reshape3A_106 {offsets = [7, 0], sizes = [1, 256], strides = [1, 1]} : vector<8x256xf32> to vector<1x256xf32>
    %slice3A_1747 = vector.extract_strided_slice %reshape3A_107 {offsets = [7, 0], sizes = [1, 256], strides = [1, 1]} : vector<8x256xf32> to vector<1x256xf32>
    %slice3A_1748 = vector.extract_strided_slice %reshape3A_108 {offsets = [7, 0], sizes = [1, 256], strides = [1, 1]} : vector<8x256xf32> to vector<1x256xf32>
    %max3A_1749 = vector.broadcast %slice3A_1739 : vector<256x1xf32> to vector<256x256xf32>
    %max3A_1750 = vector.broadcast %slice3A_1744 : vector<1x256xf32> to vector<256x256xf32>
    %max3A_1751 = arith.maximumf %max3A_1749, %max3A_1750 : vector<256x256xf32>
    %max3A_1752 = vector.broadcast %slice3A_1740 : vector<256x1xf32> to vector<256x256xf32>
    %max3A_1753 = vector.broadcast %slice3A_1745 : vector<1x256xf32> to vector<256x256xf32>
    %max3A_1754 = arith.maximumf %max3A_1752, %max3A_1753 : vector<256x256xf32>
    %min3A_1755 = vector.broadcast %slice3A_1741 : vector<256x1xf32> to vector<256x256xf32>
    %min3A_1756 = vector.broadcast %slice3A_1746 : vector<1x256xf32> to vector<256x256xf32>
    %min3A_1757 = arith.minimumf %min3A_1755, %min3A_1756 : vector<256x256xf32>
    %min3A_1758 = vector.broadcast %slice3A_1742 : vector<256x1xf32> to vector<256x256xf32>
    %min3A_1759 = vector.broadcast %slice3A_1747 : vector<1x256xf32> to vector<256x256xf32>
    %min3A_1760 = arith.minimumf %min3A_1758, %min3A_1759 : vector<256x256xf32>
    %sub3A_1761 = arith.subf %min3A_1757, %max3A_1751 : vector<256x256xf32>
    %add3A_1762 = arith.constant 1.000000e+00 : f32
    %add3A_1763 = vector.broadcast %add3A_1762 : f32 to vector<256x256xf32>
    %add3A_1764 = arith.addf %sub3A_1761, %add3A_1763 : vector<256x256xf32>
    %max3A_1765 = arith.constant 0.000000e+00 : f32
    %max3A_1766 = vector.broadcast %max3A_1765 : f32 to vector<256x256xf32>
    %max3A_1767 = arith.maximumf %max3A_1766, %add3A_1764 : vector<256x256xf32>
    %sub3A_1768 = arith.subf %min3A_1760, %max3A_1754 : vector<256x256xf32>
    %add3A_1769 = arith.constant 1.000000e+00 : f32
    %add3A_1770 = vector.broadcast %add3A_1769 : f32 to vector<256x256xf32>
    %add3A_1771 = arith.addf %sub3A_1768, %add3A_1770 : vector<256x256xf32>
    %max3A_1772 = arith.constant 0.000000e+00 : f32
    %max3A_1773 = vector.broadcast %max3A_1772 : f32 to vector<256x256xf32>
    %max3A_1774 = arith.maximumf %max3A_1773, %add3A_1771 : vector<256x256xf32>
    %mul3A_1775 = arith.mulf %max3A_1767, %max3A_1774 : vector<256x256xf32>
    %add3A_1776 = vector.broadcast %slice3A_1743 : vector<256x1xf32> to vector<256x256xf32>
    %add3A_1777 = vector.broadcast %slice3A_1748 : vector<1x256xf32> to vector<256x256xf32>
    %add3A_1778 = arith.addf %add3A_1776, %add3A_1777 : vector<256x256xf32>
    %sub3A_1779 = arith.subf %add3A_1778, %mul3A_1775 : vector<256x256xf32>
    %div3A_1780 = arith.divf %mul3A_1775, %sub3A_1779 : vector<256x256xf32>
    %gt3A_1781 = arith.constant 0.699999988 : f32
    %gt3A_1782 = vector.broadcast %gt3A_1781 : f32 to vector<256x256xf32>
    %gt3A_1783 = arith.cmpf ogt, %div3A_1780, %gt3A_1782 : vector<256x256xf32>
    %convert_element_type3A_1784 = arith.extui %gt3A_1783 : vector<256x256xi1> to vector<256x256xi32>
    %convert_element_type3A_1785 = arith.sitofp %convert_element_type3A_1784 : vector<256x256xi32> to vector<256x256xf32>
    %mul3A_1786 = vector.broadcast %reshape3A_444 : vector<256x1xf32> to vector<256x256xf32>
    %mul3A_1787 = arith.mulf %convert_element_type3A_1785, %mul3A_1786 : vector<256x256xf32>
    %reduce_max3A_1788 = arith.constant dense<0xFF800000> : vector<256xf32>
    %reduce_max3A_1789 = vector.multi_reduction <maximumf>, %mul3A_1787, %reduce_max3A_1788 [0] : vector<256x256xf32> to vector<256xf32>
    %broadcast_in_dim3A_1790 = vector.shape_cast %reduce_max3A_1789 : vector<256xf32> to vector<1x256xf32>
    %max3A_1791 = arith.maximumf %max3A_1738, %broadcast_in_dim3A_1790 : vector<1x256xf32>
    %slice3A_1792 = vector.extract_strided_slice %reshape3A_110 {offsets = [768, 0], sizes = [256, 1], strides = [1, 1]} : vector<2048x1xf32> to vector<256x1xf32>
    %slice3A_1793 = vector.extract_strided_slice %reshape3A_111 {offsets = [768, 0], sizes = [256, 1], strides = [1, 1]} : vector<2048x1xf32> to vector<256x1xf32>
    %slice3A_1794 = vector.extract_strided_slice %reshape3A_112 {offsets = [768, 0], sizes = [256, 1], strides = [1, 1]} : vector<2048x1xf32> to vector<256x1xf32>
    %slice3A_1795 = vector.extract_strided_slice %reshape3A_113 {offsets = [768, 0], sizes = [256, 1], strides = [1, 1]} : vector<2048x1xf32> to vector<256x1xf32>
    %slice3A_1796 = vector.extract_strided_slice %reshape3A_114 {offsets = [768, 0], sizes = [256, 1], strides = [1, 1]} : vector<2048x1xf32> to vector<256x1xf32>
    %slice3A_1797 = vector.extract_strided_slice %reshape3A_104 {offsets = [7, 0], sizes = [1, 256], strides = [1, 1]} : vector<8x256xf32> to vector<1x256xf32>
    %slice3A_1798 = vector.extract_strided_slice %reshape3A_105 {offsets = [7, 0], sizes = [1, 256], strides = [1, 1]} : vector<8x256xf32> to vector<1x256xf32>
    %slice3A_1799 = vector.extract_strided_slice %reshape3A_106 {offsets = [7, 0], sizes = [1, 256], strides = [1, 1]} : vector<8x256xf32> to vector<1x256xf32>
    %slice3A_1800 = vector.extract_strided_slice %reshape3A_107 {offsets = [7, 0], sizes = [1, 256], strides = [1, 1]} : vector<8x256xf32> to vector<1x256xf32>
    %slice3A_1801 = vector.extract_strided_slice %reshape3A_108 {offsets = [7, 0], sizes = [1, 256], strides = [1, 1]} : vector<8x256xf32> to vector<1x256xf32>
    %max3A_1802 = vector.broadcast %slice3A_1792 : vector<256x1xf32> to vector<256x256xf32>
    %max3A_1803 = vector.broadcast %slice3A_1797 : vector<1x256xf32> to vector<256x256xf32>
    %max3A_1804 = arith.maximumf %max3A_1802, %max3A_1803 : vector<256x256xf32>
    %max3A_1805 = vector.broadcast %slice3A_1793 : vector<256x1xf32> to vector<256x256xf32>
    %max3A_1806 = vector.broadcast %slice3A_1798 : vector<1x256xf32> to vector<256x256xf32>
    %max3A_1807 = arith.maximumf %max3A_1805, %max3A_1806 : vector<256x256xf32>
    %min3A_1808 = vector.broadcast %slice3A_1794 : vector<256x1xf32> to vector<256x256xf32>
    %min3A_1809 = vector.broadcast %slice3A_1799 : vector<1x256xf32> to vector<256x256xf32>
    %min3A_1810 = arith.minimumf %min3A_1808, %min3A_1809 : vector<256x256xf32>
    %min3A_1811 = vector.broadcast %slice3A_1795 : vector<256x1xf32> to vector<256x256xf32>
    %min3A_1812 = vector.broadcast %slice3A_1800 : vector<1x256xf32> to vector<256x256xf32>
    %min3A_1813 = arith.minimumf %min3A_1811, %min3A_1812 : vector<256x256xf32>
    %sub3A_1814 = arith.subf %min3A_1810, %max3A_1804 : vector<256x256xf32>
    %add3A_1815 = arith.constant 1.000000e+00 : f32
    %add3A_1816 = vector.broadcast %add3A_1815 : f32 to vector<256x256xf32>
    %add3A_1817 = arith.addf %sub3A_1814, %add3A_1816 : vector<256x256xf32>
    %max3A_1818 = arith.constant 0.000000e+00 : f32
    %max3A_1819 = vector.broadcast %max3A_1818 : f32 to vector<256x256xf32>
    %max3A_1820 = arith.maximumf %max3A_1819, %add3A_1817 : vector<256x256xf32>
    %sub3A_1821 = arith.subf %min3A_1813, %max3A_1807 : vector<256x256xf32>
    %add3A_1822 = arith.constant 1.000000e+00 : f32
    %add3A_1823 = vector.broadcast %add3A_1822 : f32 to vector<256x256xf32>
    %add3A_1824 = arith.addf %sub3A_1821, %add3A_1823 : vector<256x256xf32>
    %max3A_1825 = arith.constant 0.000000e+00 : f32
    %max3A_1826 = vector.broadcast %max3A_1825 : f32 to vector<256x256xf32>
    %max3A_1827 = arith.maximumf %max3A_1826, %add3A_1824 : vector<256x256xf32>
    %mul3A_1828 = arith.mulf %max3A_1820, %max3A_1827 : vector<256x256xf32>
    %add3A_1829 = vector.broadcast %slice3A_1796 : vector<256x1xf32> to vector<256x256xf32>
    %add3A_1830 = vector.broadcast %slice3A_1801 : vector<1x256xf32> to vector<256x256xf32>
    %add3A_1831 = arith.addf %add3A_1829, %add3A_1830 : vector<256x256xf32>
    %sub3A_1832 = arith.subf %add3A_1831, %mul3A_1828 : vector<256x256xf32>
    %div3A_1833 = arith.divf %mul3A_1828, %sub3A_1832 : vector<256x256xf32>
    %gt3A_1834 = arith.constant 0.699999988 : f32
    %gt3A_1835 = vector.broadcast %gt3A_1834 : f32 to vector<256x256xf32>
    %gt3A_1836 = arith.cmpf ogt, %div3A_1833, %gt3A_1835 : vector<256x256xf32>
    %convert_element_type3A_1837 = arith.extui %gt3A_1836 : vector<256x256xi1> to vector<256x256xi32>
    %convert_element_type3A_1838 = arith.sitofp %convert_element_type3A_1837 : vector<256x256xi32> to vector<256x256xf32>
    %mul3A_1839 = vector.broadcast %reshape3A_661 : vector<256x1xf32> to vector<256x256xf32>
    %mul3A_1840 = arith.mulf %convert_element_type3A_1838, %mul3A_1839 : vector<256x256xf32>
    %reduce_max3A_1841 = arith.constant dense<0xFF800000> : vector<256xf32>
    %reduce_max3A_1842 = vector.multi_reduction <maximumf>, %mul3A_1840, %reduce_max3A_1841 [0] : vector<256x256xf32> to vector<256xf32>
    %broadcast_in_dim3A_1843 = vector.shape_cast %reduce_max3A_1842 : vector<256xf32> to vector<1x256xf32>
    %max3A_1844 = arith.maximumf %max3A_1791, %broadcast_in_dim3A_1843 : vector<1x256xf32>
    %slice3A_1845 = vector.extract_strided_slice %reshape3A_110 {offsets = [1024, 0], sizes = [256, 1], strides = [1, 1]} : vector<2048x1xf32> to vector<256x1xf32>
    %slice3A_1846 = vector.extract_strided_slice %reshape3A_111 {offsets = [1024, 0], sizes = [256, 1], strides = [1, 1]} : vector<2048x1xf32> to vector<256x1xf32>
    %slice3A_1847 = vector.extract_strided_slice %reshape3A_112 {offsets = [1024, 0], sizes = [256, 1], strides = [1, 1]} : vector<2048x1xf32> to vector<256x1xf32>
    %slice3A_1848 = vector.extract_strided_slice %reshape3A_113 {offsets = [1024, 0], sizes = [256, 1], strides = [1, 1]} : vector<2048x1xf32> to vector<256x1xf32>
    %slice3A_1849 = vector.extract_strided_slice %reshape3A_114 {offsets = [1024, 0], sizes = [256, 1], strides = [1, 1]} : vector<2048x1xf32> to vector<256x1xf32>
    %slice3A_1850 = vector.extract_strided_slice %reshape3A_104 {offsets = [7, 0], sizes = [1, 256], strides = [1, 1]} : vector<8x256xf32> to vector<1x256xf32>
    %slice3A_1851 = vector.extract_strided_slice %reshape3A_105 {offsets = [7, 0], sizes = [1, 256], strides = [1, 1]} : vector<8x256xf32> to vector<1x256xf32>
    %slice3A_1852 = vector.extract_strided_slice %reshape3A_106 {offsets = [7, 0], sizes = [1, 256], strides = [1, 1]} : vector<8x256xf32> to vector<1x256xf32>
    %slice3A_1853 = vector.extract_strided_slice %reshape3A_107 {offsets = [7, 0], sizes = [1, 256], strides = [1, 1]} : vector<8x256xf32> to vector<1x256xf32>
    %slice3A_1854 = vector.extract_strided_slice %reshape3A_108 {offsets = [7, 0], sizes = [1, 256], strides = [1, 1]} : vector<8x256xf32> to vector<1x256xf32>
    %max3A_1855 = vector.broadcast %slice3A_1845 : vector<256x1xf32> to vector<256x256xf32>
    %max3A_1856 = vector.broadcast %slice3A_1850 : vector<1x256xf32> to vector<256x256xf32>
    %max3A_1857 = arith.maximumf %max3A_1855, %max3A_1856 : vector<256x256xf32>
    %max3A_1858 = vector.broadcast %slice3A_1846 : vector<256x1xf32> to vector<256x256xf32>
    %max3A_1859 = vector.broadcast %slice3A_1851 : vector<1x256xf32> to vector<256x256xf32>
    %max3A_1860 = arith.maximumf %max3A_1858, %max3A_1859 : vector<256x256xf32>
    %min3A_1861 = vector.broadcast %slice3A_1847 : vector<256x1xf32> to vector<256x256xf32>
    %min3A_1862 = vector.broadcast %slice3A_1852 : vector<1x256xf32> to vector<256x256xf32>
    %min3A_1863 = arith.minimumf %min3A_1861, %min3A_1862 : vector<256x256xf32>
    %min3A_1864 = vector.broadcast %slice3A_1848 : vector<256x1xf32> to vector<256x256xf32>
    %min3A_1865 = vector.broadcast %slice3A_1853 : vector<1x256xf32> to vector<256x256xf32>
    %min3A_1866 = arith.minimumf %min3A_1864, %min3A_1865 : vector<256x256xf32>
    %sub3A_1867 = arith.subf %min3A_1863, %max3A_1857 : vector<256x256xf32>
    %add3A_1868 = arith.constant 1.000000e+00 : f32
    %add3A_1869 = vector.broadcast %add3A_1868 : f32 to vector<256x256xf32>
    %add3A_1870 = arith.addf %sub3A_1867, %add3A_1869 : vector<256x256xf32>
    %max3A_1871 = arith.constant 0.000000e+00 : f32
    %max3A_1872 = vector.broadcast %max3A_1871 : f32 to vector<256x256xf32>
    %max3A_1873 = arith.maximumf %max3A_1872, %add3A_1870 : vector<256x256xf32>
    %sub3A_1874 = arith.subf %min3A_1866, %max3A_1860 : vector<256x256xf32>
    %add3A_1875 = arith.constant 1.000000e+00 : f32
    %add3A_1876 = vector.broadcast %add3A_1875 : f32 to vector<256x256xf32>
    %add3A_1877 = arith.addf %sub3A_1874, %add3A_1876 : vector<256x256xf32>
    %max3A_1878 = arith.constant 0.000000e+00 : f32
    %max3A_1879 = vector.broadcast %max3A_1878 : f32 to vector<256x256xf32>
    %max3A_1880 = arith.maximumf %max3A_1879, %add3A_1877 : vector<256x256xf32>
    %mul3A_1881 = arith.mulf %max3A_1873, %max3A_1880 : vector<256x256xf32>
    %add3A_1882 = vector.broadcast %slice3A_1849 : vector<256x1xf32> to vector<256x256xf32>
    %add3A_1883 = vector.broadcast %slice3A_1854 : vector<1x256xf32> to vector<256x256xf32>
    %add3A_1884 = arith.addf %add3A_1882, %add3A_1883 : vector<256x256xf32>
    %sub3A_1885 = arith.subf %add3A_1884, %mul3A_1881 : vector<256x256xf32>
    %div3A_1886 = arith.divf %mul3A_1881, %sub3A_1885 : vector<256x256xf32>
    %gt3A_1887 = arith.constant 0.699999988 : f32
    %gt3A_1888 = vector.broadcast %gt3A_1887 : f32 to vector<256x256xf32>
    %gt3A_1889 = arith.cmpf ogt, %div3A_1886, %gt3A_1888 : vector<256x256xf32>
    %convert_element_type3A_1890 = arith.extui %gt3A_1889 : vector<256x256xi1> to vector<256x256xi32>
    %convert_element_type3A_1891 = arith.sitofp %convert_element_type3A_1890 : vector<256x256xi32> to vector<256x256xf32>
    %mul3A_1892 = vector.broadcast %reshape3A_931 : vector<256x1xf32> to vector<256x256xf32>
    %mul3A_1893 = arith.mulf %convert_element_type3A_1891, %mul3A_1892 : vector<256x256xf32>
    %reduce_max3A_1894 = arith.constant dense<0xFF800000> : vector<256xf32>
    %reduce_max3A_1895 = vector.multi_reduction <maximumf>, %mul3A_1893, %reduce_max3A_1894 [0] : vector<256x256xf32> to vector<256xf32>
    %broadcast_in_dim3A_1896 = vector.shape_cast %reduce_max3A_1895 : vector<256xf32> to vector<1x256xf32>
    %max3A_1897 = arith.maximumf %max3A_1844, %broadcast_in_dim3A_1896 : vector<1x256xf32>
    %slice3A_1898 = vector.extract_strided_slice %reshape3A_110 {offsets = [1280, 0], sizes = [256, 1], strides = [1, 1]} : vector<2048x1xf32> to vector<256x1xf32>
    %slice3A_1899 = vector.extract_strided_slice %reshape3A_111 {offsets = [1280, 0], sizes = [256, 1], strides = [1, 1]} : vector<2048x1xf32> to vector<256x1xf32>
    %slice3A_1900 = vector.extract_strided_slice %reshape3A_112 {offsets = [1280, 0], sizes = [256, 1], strides = [1, 1]} : vector<2048x1xf32> to vector<256x1xf32>
    %slice3A_1901 = vector.extract_strided_slice %reshape3A_113 {offsets = [1280, 0], sizes = [256, 1], strides = [1, 1]} : vector<2048x1xf32> to vector<256x1xf32>
    %slice3A_1902 = vector.extract_strided_slice %reshape3A_114 {offsets = [1280, 0], sizes = [256, 1], strides = [1, 1]} : vector<2048x1xf32> to vector<256x1xf32>
    %slice3A_1903 = vector.extract_strided_slice %reshape3A_104 {offsets = [7, 0], sizes = [1, 256], strides = [1, 1]} : vector<8x256xf32> to vector<1x256xf32>
    %slice3A_1904 = vector.extract_strided_slice %reshape3A_105 {offsets = [7, 0], sizes = [1, 256], strides = [1, 1]} : vector<8x256xf32> to vector<1x256xf32>
    %slice3A_1905 = vector.extract_strided_slice %reshape3A_106 {offsets = [7, 0], sizes = [1, 256], strides = [1, 1]} : vector<8x256xf32> to vector<1x256xf32>
    %slice3A_1906 = vector.extract_strided_slice %reshape3A_107 {offsets = [7, 0], sizes = [1, 256], strides = [1, 1]} : vector<8x256xf32> to vector<1x256xf32>
    %slice3A_1907 = vector.extract_strided_slice %reshape3A_108 {offsets = [7, 0], sizes = [1, 256], strides = [1, 1]} : vector<8x256xf32> to vector<1x256xf32>
    %max3A_1908 = vector.broadcast %slice3A_1898 : vector<256x1xf32> to vector<256x256xf32>
    %max3A_1909 = vector.broadcast %slice3A_1903 : vector<1x256xf32> to vector<256x256xf32>
    %max3A_1910 = arith.maximumf %max3A_1908, %max3A_1909 : vector<256x256xf32>
    %max3A_1911 = vector.broadcast %slice3A_1899 : vector<256x1xf32> to vector<256x256xf32>
    %max3A_1912 = vector.broadcast %slice3A_1904 : vector<1x256xf32> to vector<256x256xf32>
    %max3A_1913 = arith.maximumf %max3A_1911, %max3A_1912 : vector<256x256xf32>
    %min3A_1914 = vector.broadcast %slice3A_1900 : vector<256x1xf32> to vector<256x256xf32>
    %min3A_1915 = vector.broadcast %slice3A_1905 : vector<1x256xf32> to vector<256x256xf32>
    %min3A_1916 = arith.minimumf %min3A_1914, %min3A_1915 : vector<256x256xf32>
    %min3A_1917 = vector.broadcast %slice3A_1901 : vector<256x1xf32> to vector<256x256xf32>
    %min3A_1918 = vector.broadcast %slice3A_1906 : vector<1x256xf32> to vector<256x256xf32>
    %min3A_1919 = arith.minimumf %min3A_1917, %min3A_1918 : vector<256x256xf32>
    %sub3A_1920 = arith.subf %min3A_1916, %max3A_1910 : vector<256x256xf32>
    %add3A_1921 = arith.constant 1.000000e+00 : f32
    %add3A_1922 = vector.broadcast %add3A_1921 : f32 to vector<256x256xf32>
    %add3A_1923 = arith.addf %sub3A_1920, %add3A_1922 : vector<256x256xf32>
    %max3A_1924 = arith.constant 0.000000e+00 : f32
    %max3A_1925 = vector.broadcast %max3A_1924 : f32 to vector<256x256xf32>
    %max3A_1926 = arith.maximumf %max3A_1925, %add3A_1923 : vector<256x256xf32>
    %sub3A_1927 = arith.subf %min3A_1919, %max3A_1913 : vector<256x256xf32>
    %add3A_1928 = arith.constant 1.000000e+00 : f32
    %add3A_1929 = vector.broadcast %add3A_1928 : f32 to vector<256x256xf32>
    %add3A_1930 = arith.addf %sub3A_1927, %add3A_1929 : vector<256x256xf32>
    %max3A_1931 = arith.constant 0.000000e+00 : f32
    %max3A_1932 = vector.broadcast %max3A_1931 : f32 to vector<256x256xf32>
    %max3A_1933 = arith.maximumf %max3A_1932, %add3A_1930 : vector<256x256xf32>
    %mul3A_1934 = arith.mulf %max3A_1926, %max3A_1933 : vector<256x256xf32>
    %add3A_1935 = vector.broadcast %slice3A_1902 : vector<256x1xf32> to vector<256x256xf32>
    %add3A_1936 = vector.broadcast %slice3A_1907 : vector<1x256xf32> to vector<256x256xf32>
    %add3A_1937 = arith.addf %add3A_1935, %add3A_1936 : vector<256x256xf32>
    %sub3A_1938 = arith.subf %add3A_1937, %mul3A_1934 : vector<256x256xf32>
    %div3A_1939 = arith.divf %mul3A_1934, %sub3A_1938 : vector<256x256xf32>
    %gt3A_1940 = arith.constant 0.699999988 : f32
    %gt3A_1941 = vector.broadcast %gt3A_1940 : f32 to vector<256x256xf32>
    %gt3A_1942 = arith.cmpf ogt, %div3A_1939, %gt3A_1941 : vector<256x256xf32>
    %convert_element_type3A_1943 = arith.extui %gt3A_1942 : vector<256x256xi1> to vector<256x256xi32>
    %convert_element_type3A_1944 = arith.sitofp %convert_element_type3A_1943 : vector<256x256xi32> to vector<256x256xf32>
    %mul3A_1945 = vector.broadcast %reshape3A_1254 : vector<256x1xf32> to vector<256x256xf32>
    %mul3A_1946 = arith.mulf %convert_element_type3A_1944, %mul3A_1945 : vector<256x256xf32>
    %reduce_max3A_1947 = arith.constant dense<0xFF800000> : vector<256xf32>
    %reduce_max3A_1948 = vector.multi_reduction <maximumf>, %mul3A_1946, %reduce_max3A_1947 [0] : vector<256x256xf32> to vector<256xf32>
    %broadcast_in_dim3A_1949 = vector.shape_cast %reduce_max3A_1948 : vector<256xf32> to vector<1x256xf32>
    %max3A_1950 = arith.maximumf %max3A_1897, %broadcast_in_dim3A_1949 : vector<1x256xf32>
    %slice3A_1951 = vector.extract_strided_slice %reshape3A_110 {offsets = [1536, 0], sizes = [256, 1], strides = [1, 1]} : vector<2048x1xf32> to vector<256x1xf32>
    %slice3A_1952 = vector.extract_strided_slice %reshape3A_111 {offsets = [1536, 0], sizes = [256, 1], strides = [1, 1]} : vector<2048x1xf32> to vector<256x1xf32>
    %slice3A_1953 = vector.extract_strided_slice %reshape3A_112 {offsets = [1536, 0], sizes = [256, 1], strides = [1, 1]} : vector<2048x1xf32> to vector<256x1xf32>
    %slice3A_1954 = vector.extract_strided_slice %reshape3A_113 {offsets = [1536, 0], sizes = [256, 1], strides = [1, 1]} : vector<2048x1xf32> to vector<256x1xf32>
    %slice3A_1955 = vector.extract_strided_slice %reshape3A_114 {offsets = [1536, 0], sizes = [256, 1], strides = [1, 1]} : vector<2048x1xf32> to vector<256x1xf32>
    %slice3A_1956 = vector.extract_strided_slice %reshape3A_104 {offsets = [7, 0], sizes = [1, 256], strides = [1, 1]} : vector<8x256xf32> to vector<1x256xf32>
    %slice3A_1957 = vector.extract_strided_slice %reshape3A_105 {offsets = [7, 0], sizes = [1, 256], strides = [1, 1]} : vector<8x256xf32> to vector<1x256xf32>
    %slice3A_1958 = vector.extract_strided_slice %reshape3A_106 {offsets = [7, 0], sizes = [1, 256], strides = [1, 1]} : vector<8x256xf32> to vector<1x256xf32>
    %slice3A_1959 = vector.extract_strided_slice %reshape3A_107 {offsets = [7, 0], sizes = [1, 256], strides = [1, 1]} : vector<8x256xf32> to vector<1x256xf32>
    %slice3A_1960 = vector.extract_strided_slice %reshape3A_108 {offsets = [7, 0], sizes = [1, 256], strides = [1, 1]} : vector<8x256xf32> to vector<1x256xf32>
    %max3A_1961 = vector.broadcast %slice3A_1951 : vector<256x1xf32> to vector<256x256xf32>
    %max3A_1962 = vector.broadcast %slice3A_1956 : vector<1x256xf32> to vector<256x256xf32>
    %max3A_1963 = arith.maximumf %max3A_1961, %max3A_1962 : vector<256x256xf32>
    %max3A_1964 = vector.broadcast %slice3A_1952 : vector<256x1xf32> to vector<256x256xf32>
    %max3A_1965 = vector.broadcast %slice3A_1957 : vector<1x256xf32> to vector<256x256xf32>
    %max3A_1966 = arith.maximumf %max3A_1964, %max3A_1965 : vector<256x256xf32>
    %min3A_1967 = vector.broadcast %slice3A_1953 : vector<256x1xf32> to vector<256x256xf32>
    %min3A_1968 = vector.broadcast %slice3A_1958 : vector<1x256xf32> to vector<256x256xf32>
    %min3A_1969 = arith.minimumf %min3A_1967, %min3A_1968 : vector<256x256xf32>
    %min3A_1970 = vector.broadcast %slice3A_1954 : vector<256x1xf32> to vector<256x256xf32>
    %min3A_1971 = vector.broadcast %slice3A_1959 : vector<1x256xf32> to vector<256x256xf32>
    %min3A_1972 = arith.minimumf %min3A_1970, %min3A_1971 : vector<256x256xf32>
    %sub3A_1973 = arith.subf %min3A_1969, %max3A_1963 : vector<256x256xf32>
    %add3A_1974 = arith.constant 1.000000e+00 : f32
    %add3A_1975 = vector.broadcast %add3A_1974 : f32 to vector<256x256xf32>
    %add3A_1976 = arith.addf %sub3A_1973, %add3A_1975 : vector<256x256xf32>
    %max3A_1977 = arith.constant 0.000000e+00 : f32
    %max3A_1978 = vector.broadcast %max3A_1977 : f32 to vector<256x256xf32>
    %max3A_1979 = arith.maximumf %max3A_1978, %add3A_1976 : vector<256x256xf32>
    %sub3A_1980 = arith.subf %min3A_1972, %max3A_1966 : vector<256x256xf32>
    %add3A_1981 = arith.constant 1.000000e+00 : f32
    %add3A_1982 = vector.broadcast %add3A_1981 : f32 to vector<256x256xf32>
    %add3A_1983 = arith.addf %sub3A_1980, %add3A_1982 : vector<256x256xf32>
    %max3A_1984 = arith.constant 0.000000e+00 : f32
    %max3A_1985 = vector.broadcast %max3A_1984 : f32 to vector<256x256xf32>
    %max3A_1986 = arith.maximumf %max3A_1985, %add3A_1983 : vector<256x256xf32>
    %mul3A_1987 = arith.mulf %max3A_1979, %max3A_1986 : vector<256x256xf32>
    %add3A_1988 = vector.broadcast %slice3A_1955 : vector<256x1xf32> to vector<256x256xf32>
    %add3A_1989 = vector.broadcast %slice3A_1960 : vector<1x256xf32> to vector<256x256xf32>
    %add3A_1990 = arith.addf %add3A_1988, %add3A_1989 : vector<256x256xf32>
    %sub3A_1991 = arith.subf %add3A_1990, %mul3A_1987 : vector<256x256xf32>
    %div3A_1992 = arith.divf %mul3A_1987, %sub3A_1991 : vector<256x256xf32>
    %gt3A_1993 = arith.constant 0.699999988 : f32
    %gt3A_1994 = vector.broadcast %gt3A_1993 : f32 to vector<256x256xf32>
    %gt3A_1995 = arith.cmpf ogt, %div3A_1992, %gt3A_1994 : vector<256x256xf32>
    %convert_element_type3A_1996 = arith.extui %gt3A_1995 : vector<256x256xi1> to vector<256x256xi32>
    %convert_element_type3A_1997 = arith.sitofp %convert_element_type3A_1996 : vector<256x256xi32> to vector<256x256xf32>
    %mul3A_1998 = vector.broadcast %reshape3A_1630 : vector<256x1xf32> to vector<256x256xf32>
    %mul3A_1999 = arith.mulf %convert_element_type3A_1997, %mul3A_1998 : vector<256x256xf32>
    %reduce_max3A_2000 = arith.constant dense<0xFF800000> : vector<256xf32>
    %reduce_max3A_2001 = vector.multi_reduction <maximumf>, %mul3A_1999, %reduce_max3A_2000 [0] : vector<256x256xf32> to vector<256xf32>
    %broadcast_in_dim3A_2002 = vector.shape_cast %reduce_max3A_2001 : vector<256xf32> to vector<1x256xf32>
    %max3A_2003 = arith.maximumf %max3A_1950, %broadcast_in_dim3A_2002 : vector<1x256xf32>
    %slice3A_2004 = vector.extract_strided_slice %reshape3A_109 {offsets = [7, 0], sizes = [1, 256], strides = [1, 1]} : vector<8x256xf32> to vector<1x256xf32>
    %sub3A_2005 = arith.constant 1.000000e+00 : f32
    %sub3A_2006 = vector.broadcast %sub3A_2005 : f32 to vector<1x256xf32>
    %sub3A_2007 = arith.subf %sub3A_2006, %max3A_2003 : vector<1x256xf32>
    %mul3A_2008 = arith.mulf %slice3A_2004, %sub3A_2007 : vector<1x256xf32>
    %slice3A_2009 = vector.extract_strided_slice %reshape3A_110 {offsets = [1792, 0], sizes = [256, 1], strides = [1, 1]} : vector<2048x1xf32> to vector<256x1xf32>
    %slice3A_2010 = vector.extract_strided_slice %reshape3A_111 {offsets = [1792, 0], sizes = [256, 1], strides = [1, 1]} : vector<2048x1xf32> to vector<256x1xf32>
    %slice3A_2011 = vector.extract_strided_slice %reshape3A_112 {offsets = [1792, 0], sizes = [256, 1], strides = [1, 1]} : vector<2048x1xf32> to vector<256x1xf32>
    %slice3A_2012 = vector.extract_strided_slice %reshape3A_113 {offsets = [1792, 0], sizes = [256, 1], strides = [1, 1]} : vector<2048x1xf32> to vector<256x1xf32>
    %slice3A_2013 = vector.extract_strided_slice %reshape3A_114 {offsets = [1792, 0], sizes = [256, 1], strides = [1, 1]} : vector<2048x1xf32> to vector<256x1xf32>
    %slice3A_2014 = vector.extract_strided_slice %reshape3A_104 {offsets = [7, 0], sizes = [1, 256], strides = [1, 1]} : vector<8x256xf32> to vector<1x256xf32>
    %slice3A_2015 = vector.extract_strided_slice %reshape3A_105 {offsets = [7, 0], sizes = [1, 256], strides = [1, 1]} : vector<8x256xf32> to vector<1x256xf32>
    %slice3A_2016 = vector.extract_strided_slice %reshape3A_106 {offsets = [7, 0], sizes = [1, 256], strides = [1, 1]} : vector<8x256xf32> to vector<1x256xf32>
    %slice3A_2017 = vector.extract_strided_slice %reshape3A_107 {offsets = [7, 0], sizes = [1, 256], strides = [1, 1]} : vector<8x256xf32> to vector<1x256xf32>
    %slice3A_2018 = vector.extract_strided_slice %reshape3A_108 {offsets = [7, 0], sizes = [1, 256], strides = [1, 1]} : vector<8x256xf32> to vector<1x256xf32>
    %max3A_2019 = vector.broadcast %slice3A_2009 : vector<256x1xf32> to vector<256x256xf32>
    %max3A_2020 = vector.broadcast %slice3A_2014 : vector<1x256xf32> to vector<256x256xf32>
    %max3A_2021 = arith.maximumf %max3A_2019, %max3A_2020 : vector<256x256xf32>
    %max3A_2022 = vector.broadcast %slice3A_2010 : vector<256x1xf32> to vector<256x256xf32>
    %max3A_2023 = vector.broadcast %slice3A_2015 : vector<1x256xf32> to vector<256x256xf32>
    %max3A_2024 = arith.maximumf %max3A_2022, %max3A_2023 : vector<256x256xf32>
    %min3A_2025 = vector.broadcast %slice3A_2011 : vector<256x1xf32> to vector<256x256xf32>
    %min3A_2026 = vector.broadcast %slice3A_2016 : vector<1x256xf32> to vector<256x256xf32>
    %min3A_2027 = arith.minimumf %min3A_2025, %min3A_2026 : vector<256x256xf32>
    %min3A_2028 = vector.broadcast %slice3A_2012 : vector<256x1xf32> to vector<256x256xf32>
    %min3A_2029 = vector.broadcast %slice3A_2017 : vector<1x256xf32> to vector<256x256xf32>
    %min3A_2030 = arith.minimumf %min3A_2028, %min3A_2029 : vector<256x256xf32>
    %sub3A_2031 = arith.subf %min3A_2027, %max3A_2021 : vector<256x256xf32>
    %add3A_2032 = arith.constant 1.000000e+00 : f32
    %add3A_2033 = vector.broadcast %add3A_2032 : f32 to vector<256x256xf32>
    %add3A_2034 = arith.addf %sub3A_2031, %add3A_2033 : vector<256x256xf32>
    %max3A_2035 = arith.constant 0.000000e+00 : f32
    %max3A_2036 = vector.broadcast %max3A_2035 : f32 to vector<256x256xf32>
    %max3A_2037 = arith.maximumf %max3A_2036, %add3A_2034 : vector<256x256xf32>
    %sub3A_2038 = arith.subf %min3A_2030, %max3A_2024 : vector<256x256xf32>
    %add3A_2039 = arith.constant 1.000000e+00 : f32
    %add3A_2040 = vector.broadcast %add3A_2039 : f32 to vector<256x256xf32>
    %add3A_2041 = arith.addf %sub3A_2038, %add3A_2040 : vector<256x256xf32>
    %max3A_2042 = arith.constant 0.000000e+00 : f32
    %max3A_2043 = vector.broadcast %max3A_2042 : f32 to vector<256x256xf32>
    %max3A_2044 = arith.maximumf %max3A_2043, %add3A_2041 : vector<256x256xf32>
    %mul3A_2045 = arith.mulf %max3A_2037, %max3A_2044 : vector<256x256xf32>
    %add3A_2046 = vector.broadcast %slice3A_2013 : vector<256x1xf32> to vector<256x256xf32>
    %add3A_2047 = vector.broadcast %slice3A_2018 : vector<1x256xf32> to vector<256x256xf32>
    %add3A_2048 = arith.addf %add3A_2046, %add3A_2047 : vector<256x256xf32>
    %sub3A_2049 = arith.subf %add3A_2048, %mul3A_2045 : vector<256x256xf32>
    %div3A_2050 = arith.divf %mul3A_2045, %sub3A_2049 : vector<256x256xf32>
    %gt3A_2051 = arith.constant 0.699999988 : f32
    %gt3A_2052 = vector.broadcast %gt3A_2051 : f32 to vector<256x256xf32>
    %gt3A_2053 = arith.cmpf ogt, %div3A_2050, %gt3A_2052 : vector<256x256xf32>
    %and3A_2054 = arith.andi %gt3A_2053, %lt3A_117 : vector<256x256xi1>
    %convert_element_type3A_2055 = arith.extui %and3A_2054 : vector<256x256xi1> to vector<256x256xi32>
    %convert_element_type3A_2056 = arith.sitofp %convert_element_type3A_2055 : vector<256x256xi32> to vector<256x256xf32>
    %while3A_2057 = arith.constant true
    %while3A_2058:2 = scf.while (%while3A_2256 = %mul3A_2008, %while3A_2257 = %while3A_2057) : (vector<1x256xf32>, i1) -> (vector<1x256xf32>, i1) {
      scf.condition(%while3A_2257) %while3A_2256, %while3A_2257 : vector<1x256xf32>, i1
    } do {
    ^bb0(%while3A_2256: vector<1x256xf32>, %while3A_2257: i1):
      %reshape3A_2258 = vector.shape_cast %while3A_2256 : vector<1x256xf32> to vector<256x1xf32>
      %mul3A_2259 = vector.broadcast %reshape3A_2258 : vector<256x1xf32> to vector<256x256xf32>
      %mul3A_2260 = arith.mulf %convert_element_type3A_2056, %mul3A_2259 : vector<256x256xf32>
      %reduce_max3A_2261 = arith.constant dense<0xFF800000> : vector<256xf32>
      %reduce_max3A_2262 = vector.multi_reduction <maximumf>, %mul3A_2260, %reduce_max3A_2261 [0] : vector<256x256xf32> to vector<256xf32>
      %broadcast_in_dim3A_2263 = vector.shape_cast %reduce_max3A_2262 : vector<256xf32> to vector<1x256xf32>
      %sub3A_2264 = arith.constant 1.000000e+00 : f32
      %sub3A_2265 = vector.broadcast %sub3A_2264 : f32 to vector<1x256xf32>
      %sub3A_2266 = arith.subf %sub3A_2265, %broadcast_in_dim3A_2263 : vector<1x256xf32>
      %mul3A_2267 = arith.mulf %mul3A_2008, %sub3A_2266 : vector<1x256xf32>
      %ne3A = arith.cmpf one, %mul3A_2267, %while3A_2256 : vector<1x256xf32>
      %reduce_or3A = arith.constant 1.000000e+00 : f32
      %reduce_or3A_2268 = arith.constant 0.000000e+00 : f32
      %reduce_or3A_2269 = vector.broadcast %reduce_or3A : f32 to vector<1x256xf32>
      %reduce_or3A_2270 = vector.broadcast %reduce_or3A_2268 : f32 to vector<1x256xf32>
      %reduce_or3A_2271 = arith.select %ne3A, %reduce_or3A_2269, %reduce_or3A_2270 : vector<1x256xi1>, vector<1x256xf32>
      %reduce_or3A_2272 = vector.shape_cast %reduce_or3A_2271 : vector<1x256xf32> to vector<1x1x256xf32>
      %reduce_or3A_2273 = arith.constant dense<0xFF800000> : vector<1xf32>
      %reduce_or3A_2274 = vector.multi_reduction <maximumf>, %reduce_or3A_2272, %reduce_or3A_2273 [1, 2] : vector<1x1x256xf32> to vector<1xf32>
      %reduce_or3A_2275 = vector.shape_cast %reduce_or3A_2274 : vector<1xf32> to vector<1x1x1xf32>
      %reduce_or3A_2276 = vector.extract %reduce_or3A_2275[0, 0, 0] : f32 from vector<1x1x1xf32>
      %reduce_or3A_2277 = arith.constant 0.000000e+00 : f32
      %reduce_or3A_2278 = arith.cmpf ogt, %reduce_or3A_2276, %reduce_or3A_2277 : f32
      scf.yield %mul3A_2267, %reduce_or3A_2278 : vector<1x256xf32>, i1
    }
    %concatenate3A = tpu.concatenate %while3A_169#0, %while3A_279#0, %while3A_443#0, %while3A_660#0, %while3A_930#0, %while3A_1253#0, %while3A_1629#0, %while3A_2058#0 in 1 : vector<1x256xf32>, vector<1x256xf32>, vector<1x256xf32>, vector<1x256xf32>, vector<1x256xf32>, vector<1x256xf32>, vector<1x256xf32>, vector<1x256xf32> -> vector<1x2048xf32>
    %reshape3A_2059 = vector.shape_cast %concatenate3A : vector<1x2048xf32> to vector<2048xf32>
    %gt3A_2060 = arith.constant 5.000000e-01 : f32
    %gt3A_2061 = vector.broadcast %gt3A_2060 : f32 to vector<2048xf32>
    %gt3A_2062 = arith.cmpf ogt, %reshape3A_2059, %gt3A_2061 : vector<2048xf32>
    %jit3A_2063 = arith.constant -1.000000e+00 : f32
    %broadcast_in_dim3A_2064 = vector.broadcast %jit3A_2063 : f32 to vector<2048xf32>
    %select_n3A = arith.select %gt3A_2062, %get3A_17, %broadcast_in_dim3A_2064 : vector<2048xi1>, vector<2048xf32>
    %reduce_sum3A = vector.shape_cast %reshape3A_2059 : vector<2048xf32> to vector<1x2048xf32>
    %reduce_sum3A_2065 = arith.constant dense<0.000000e+00> : vector<1xf32>
    %reduce_sum3A_2066 = vector.multi_reduction <add>, %reduce_sum3A, %reduce_sum3A_2065 [1] : vector<1x2048xf32> to vector<1xf32>
    %reduce_sum3A_2067 = vector.shape_cast %reduce_sum3A_2066 : vector<1xf32> to vector<1x1xf32>
    %reduce_sum3A_2068 = vector.extract %reduce_sum3A_2067[0, 0] : f32 from vector<1x1xf32>
    %broadcast_in_dim3A_2069 = arith.constant 0.000000e+00 : f32
    %broadcast_in_dim3A_2070 = vector.broadcast %broadcast_in_dim3A_2069 : f32 to vector<1xf32>
    %slice3A_2071 = vector.extract_strided_slice %reshape3A_2059 {offsets = [0], sizes = [2047], strides = [1]} : vector<2048xf32> to vector<2047xf32>
    %concatenate3A_2072 = tpu.concatenate %broadcast_in_dim3A_2070, %slice3A_2071 in 0 : vector<1xf32>, vector<2047xf32> -> vector<2048xf32>
    %add3A_2073 = arith.addf %reshape3A_2059, %concatenate3A_2072 : vector<2048xf32>
    %broadcast_in_dim3A_2074 = arith.constant 0.000000e+00 : f32
    %broadcast_in_dim3A_2075 = vector.broadcast %broadcast_in_dim3A_2074 : f32 to vector<2xf32>
    %slice3A_2076 = vector.extract_strided_slice %add3A_2073 {offsets = [0], sizes = [2046], strides = [1]} : vector<2048xf32> to vector<2046xf32>
    %concatenate3A_2077 = tpu.concatenate %broadcast_in_dim3A_2075, %slice3A_2076 in 0 : vector<2xf32>, vector<2046xf32> -> vector<2048xf32>
    %add3A_2078 = arith.addf %add3A_2073, %concatenate3A_2077 : vector<2048xf32>
    %broadcast_in_dim3A_2079 = arith.constant 0.000000e+00 : f32
    %broadcast_in_dim3A_2080 = vector.broadcast %broadcast_in_dim3A_2079 : f32 to vector<4xf32>
    %slice3A_2081 = vector.extract_strided_slice %add3A_2078 {offsets = [0], sizes = [2044], strides = [1]} : vector<2048xf32> to vector<2044xf32>
    %concatenate3A_2082 = tpu.concatenate %broadcast_in_dim3A_2080, %slice3A_2081 in 0 : vector<4xf32>, vector<2044xf32> -> vector<2048xf32>
    %add3A_2083 = arith.addf %add3A_2078, %concatenate3A_2082 : vector<2048xf32>
    %broadcast_in_dim3A_2084 = arith.constant 0.000000e+00 : f32
    %broadcast_in_dim3A_2085 = vector.broadcast %broadcast_in_dim3A_2084 : f32 to vector<8xf32>
    %slice3A_2086 = vector.extract_strided_slice %add3A_2083 {offsets = [0], sizes = [2040], strides = [1]} : vector<2048xf32> to vector<2040xf32>
    %concatenate3A_2087 = tpu.concatenate %broadcast_in_dim3A_2085, %slice3A_2086 in 0 : vector<8xf32>, vector<2040xf32> -> vector<2048xf32>
    %add3A_2088 = arith.addf %add3A_2083, %concatenate3A_2087 : vector<2048xf32>
    %broadcast_in_dim3A_2089 = arith.constant 0.000000e+00 : f32
    %broadcast_in_dim3A_2090 = vector.broadcast %broadcast_in_dim3A_2089 : f32 to vector<16xf32>
    %slice3A_2091 = vector.extract_strided_slice %add3A_2088 {offsets = [0], sizes = [2032], strides = [1]} : vector<2048xf32> to vector<2032xf32>
    %concatenate3A_2092 = tpu.concatenate %broadcast_in_dim3A_2090, %slice3A_2091 in 0 : vector<16xf32>, vector<2032xf32> -> vector<2048xf32>
    %add3A_2093 = arith.addf %add3A_2088, %concatenate3A_2092 : vector<2048xf32>
    %broadcast_in_dim3A_2094 = arith.constant 0.000000e+00 : f32
    %broadcast_in_dim3A_2095 = vector.broadcast %broadcast_in_dim3A_2094 : f32 to vector<32xf32>
    %slice3A_2096 = vector.extract_strided_slice %add3A_2093 {offsets = [0], sizes = [2016], strides = [1]} : vector<2048xf32> to vector<2016xf32>
    %concatenate3A_2097 = tpu.concatenate %broadcast_in_dim3A_2095, %slice3A_2096 in 0 : vector<32xf32>, vector<2016xf32> -> vector<2048xf32>
    %add3A_2098 = arith.addf %add3A_2093, %concatenate3A_2097 : vector<2048xf32>
    %broadcast_in_dim3A_2099 = arith.constant 0.000000e+00 : f32
    %broadcast_in_dim3A_2100 = vector.broadcast %broadcast_in_dim3A_2099 : f32 to vector<64xf32>
    %slice3A_2101 = vector.extract_strided_slice %add3A_2098 {offsets = [0], sizes = [1984], strides = [1]} : vector<2048xf32> to vector<1984xf32>
    %concatenate3A_2102 = tpu.concatenate %broadcast_in_dim3A_2100, %slice3A_2101 in 0 : vector<64xf32>, vector<1984xf32> -> vector<2048xf32>
    %add3A_2103 = arith.addf %add3A_2098, %concatenate3A_2102 : vector<2048xf32>
    %broadcast_in_dim3A_2104 = arith.constant 0.000000e+00 : f32
    %broadcast_in_dim3A_2105 = vector.broadcast %broadcast_in_dim3A_2104 : f32 to vector<128xf32>
    %slice3A_2106 = vector.extract_strided_slice %add3A_2103 {offsets = [0], sizes = [1920], strides = [1]} : vector<2048xf32> to vector<1920xf32>
    %concatenate3A_2107 = tpu.concatenate %broadcast_in_dim3A_2105, %slice3A_2106 in 0 : vector<128xf32>, vector<1920xf32> -> vector<2048xf32>
    %add3A_2108 = arith.addf %add3A_2103, %concatenate3A_2107 : vector<2048xf32>
    %broadcast_in_dim3A_2109 = arith.constant 0.000000e+00 : f32
    %broadcast_in_dim3A_2110 = vector.broadcast %broadcast_in_dim3A_2109 : f32 to vector<256xf32>
    %slice3A_2111 = vector.extract_strided_slice %add3A_2108 {offsets = [0], sizes = [1792], strides = [1]} : vector<2048xf32> to vector<1792xf32>
    %concatenate3A_2112 = tpu.concatenate %broadcast_in_dim3A_2110, %slice3A_2111 in 0 : vector<256xf32>, vector<1792xf32> -> vector<2048xf32>
    %add3A_2113 = arith.addf %add3A_2108, %concatenate3A_2112 : vector<2048xf32>
    %broadcast_in_dim3A_2114 = arith.constant 0.000000e+00 : f32
    %broadcast_in_dim3A_2115 = vector.broadcast %broadcast_in_dim3A_2114 : f32 to vector<512xf32>
    %slice3A_2116 = vector.extract_strided_slice %add3A_2113 {offsets = [0], sizes = [1536], strides = [1]} : vector<2048xf32> to vector<1536xf32>
    %concatenate3A_2117 = tpu.concatenate %broadcast_in_dim3A_2115, %slice3A_2116 in 0 : vector<512xf32>, vector<1536xf32> -> vector<2048xf32>
    %add3A_2118 = arith.addf %add3A_2113, %concatenate3A_2117 : vector<2048xf32>
    %broadcast_in_dim3A_2119 = arith.constant 0.000000e+00 : f32
    %broadcast_in_dim3A_2120 = vector.broadcast %broadcast_in_dim3A_2119 : f32 to vector<1024xf32>
    %slice3A_2121 = vector.extract_strided_slice %add3A_2118 {offsets = [0], sizes = [1024], strides = [1]} : vector<2048xf32> to vector<1024xf32>
    %concatenate3A_2122 = tpu.concatenate %broadcast_in_dim3A_2120, %slice3A_2121 in 0 : vector<1024xf32>, vector<1024xf32> -> vector<2048xf32>
    %add3A_2123 = arith.addf %add3A_2118, %concatenate3A_2122 : vector<2048xf32>
    %sub3A_2124 = arith.constant 1.000000e+00 : f32
    %sub3A_2125 = vector.broadcast %sub3A_2124 : f32 to vector<2048xf32>
    %sub3A_2126 = arith.subf %sub3A_2125, %reshape3A_2059 : vector<2048xf32>
    %mul3A_2127 = arith.mulf %convert_element_type3A_103, %sub3A_2126 : vector<2048xf32>
    %broadcast_in_dim3A_2128 = arith.constant 0.000000e+00 : f32
    %broadcast_in_dim3A_2129 = vector.broadcast %broadcast_in_dim3A_2128 : f32 to vector<1xf32>
    %slice3A_2130 = vector.extract_strided_slice %mul3A_2127 {offsets = [0], sizes = [2047], strides = [1]} : vector<2048xf32> to vector<2047xf32>
    %concatenate3A_2131 = tpu.concatenate %broadcast_in_dim3A_2129, %slice3A_2130 in 0 : vector<1xf32>, vector<2047xf32> -> vector<2048xf32>
    %add3A_2132 = arith.addf %mul3A_2127, %concatenate3A_2131 : vector<2048xf32>
    %broadcast_in_dim3A_2133 = arith.constant 0.000000e+00 : f32
    %broadcast_in_dim3A_2134 = vector.broadcast %broadcast_in_dim3A_2133 : f32 to vector<2xf32>
    %slice3A_2135 = vector.extract_strided_slice %add3A_2132 {offsets = [0], sizes = [2046], strides = [1]} : vector<2048xf32> to vector<2046xf32>
    %concatenate3A_2136 = tpu.concatenate %broadcast_in_dim3A_2134, %slice3A_2135 in 0 : vector<2xf32>, vector<2046xf32> -> vector<2048xf32>
    %add3A_2137 = arith.addf %add3A_2132, %concatenate3A_2136 : vector<2048xf32>
    %broadcast_in_dim3A_2138 = arith.constant 0.000000e+00 : f32
    %broadcast_in_dim3A_2139 = vector.broadcast %broadcast_in_dim3A_2138 : f32 to vector<4xf32>
    %slice3A_2140 = vector.extract_strided_slice %add3A_2137 {offsets = [0], sizes = [2044], strides = [1]} : vector<2048xf32> to vector<2044xf32>
    %concatenate3A_2141 = tpu.concatenate %broadcast_in_dim3A_2139, %slice3A_2140 in 0 : vector<4xf32>, vector<2044xf32> -> vector<2048xf32>
    %add3A_2142 = arith.addf %add3A_2137, %concatenate3A_2141 : vector<2048xf32>
    %broadcast_in_dim3A_2143 = arith.constant 0.000000e+00 : f32
    %broadcast_in_dim3A_2144 = vector.broadcast %broadcast_in_dim3A_2143 : f32 to vector<8xf32>
    %slice3A_2145 = vector.extract_strided_slice %add3A_2142 {offsets = [0], sizes = [2040], strides = [1]} : vector<2048xf32> to vector<2040xf32>
    %concatenate3A_2146 = tpu.concatenate %broadcast_in_dim3A_2144, %slice3A_2145 in 0 : vector<8xf32>, vector<2040xf32> -> vector<2048xf32>
    %add3A_2147 = arith.addf %add3A_2142, %concatenate3A_2146 : vector<2048xf32>
    %broadcast_in_dim3A_2148 = arith.constant 0.000000e+00 : f32
    %broadcast_in_dim3A_2149 = vector.broadcast %broadcast_in_dim3A_2148 : f32 to vector<16xf32>
    %slice3A_2150 = vector.extract_strided_slice %add3A_2147 {offsets = [0], sizes = [2032], strides = [1]} : vector<2048xf32> to vector<2032xf32>
    %concatenate3A_2151 = tpu.concatenate %broadcast_in_dim3A_2149, %slice3A_2150 in 0 : vector<16xf32>, vector<2032xf32> -> vector<2048xf32>
    %add3A_2152 = arith.addf %add3A_2147, %concatenate3A_2151 : vector<2048xf32>
    %broadcast_in_dim3A_2153 = arith.constant 0.000000e+00 : f32
    %broadcast_in_dim3A_2154 = vector.broadcast %broadcast_in_dim3A_2153 : f32 to vector<32xf32>
    %slice3A_2155 = vector.extract_strided_slice %add3A_2152 {offsets = [0], sizes = [2016], strides = [1]} : vector<2048xf32> to vector<2016xf32>
    %concatenate3A_2156 = tpu.concatenate %broadcast_in_dim3A_2154, %slice3A_2155 in 0 : vector<32xf32>, vector<2016xf32> -> vector<2048xf32>
    %add3A_2157 = arith.addf %add3A_2152, %concatenate3A_2156 : vector<2048xf32>
    %broadcast_in_dim3A_2158 = arith.constant 0.000000e+00 : f32
    %broadcast_in_dim3A_2159 = vector.broadcast %broadcast_in_dim3A_2158 : f32 to vector<64xf32>
    %slice3A_2160 = vector.extract_strided_slice %add3A_2157 {offsets = [0], sizes = [1984], strides = [1]} : vector<2048xf32> to vector<1984xf32>
    %concatenate3A_2161 = tpu.concatenate %broadcast_in_dim3A_2159, %slice3A_2160 in 0 : vector<64xf32>, vector<1984xf32> -> vector<2048xf32>
    %add3A_2162 = arith.addf %add3A_2157, %concatenate3A_2161 : vector<2048xf32>
    %broadcast_in_dim3A_2163 = arith.constant 0.000000e+00 : f32
    %broadcast_in_dim3A_2164 = vector.broadcast %broadcast_in_dim3A_2163 : f32 to vector<128xf32>
    %slice3A_2165 = vector.extract_strided_slice %add3A_2162 {offsets = [0], sizes = [1920], strides = [1]} : vector<2048xf32> to vector<1920xf32>
    %concatenate3A_2166 = tpu.concatenate %broadcast_in_dim3A_2164, %slice3A_2165 in 0 : vector<128xf32>, vector<1920xf32> -> vector<2048xf32>
    %add3A_2167 = arith.addf %add3A_2162, %concatenate3A_2166 : vector<2048xf32>
    %broadcast_in_dim3A_2168 = arith.constant 0.000000e+00 : f32
    %broadcast_in_dim3A_2169 = vector.broadcast %broadcast_in_dim3A_2168 : f32 to vector<256xf32>
    %slice3A_2170 = vector.extract_strided_slice %add3A_2167 {offsets = [0], sizes = [1792], strides = [1]} : vector<2048xf32> to vector<1792xf32>
    %concatenate3A_2171 = tpu.concatenate %broadcast_in_dim3A_2169, %slice3A_2170 in 0 : vector<256xf32>, vector<1792xf32> -> vector<2048xf32>
    %add3A_2172 = arith.addf %add3A_2167, %concatenate3A_2171 : vector<2048xf32>
    %broadcast_in_dim3A_2173 = arith.constant 0.000000e+00 : f32
    %broadcast_in_dim3A_2174 = vector.broadcast %broadcast_in_dim3A_2173 : f32 to vector<512xf32>
    %slice3A_2175 = vector.extract_strided_slice %add3A_2172 {offsets = [0], sizes = [1536], strides = [1]} : vector<2048xf32> to vector<1536xf32>
    %concatenate3A_2176 = tpu.concatenate %broadcast_in_dim3A_2174, %slice3A_2175 in 0 : vector<512xf32>, vector<1536xf32> -> vector<2048xf32>
    %add3A_2177 = arith.addf %add3A_2172, %concatenate3A_2176 : vector<2048xf32>
    %broadcast_in_dim3A_2178 = arith.constant 0.000000e+00 : f32
    %broadcast_in_dim3A_2179 = vector.broadcast %broadcast_in_dim3A_2178 : f32 to vector<1024xf32>
    %slice3A_2180 = vector.extract_strided_slice %add3A_2177 {offsets = [0], sizes = [1024], strides = [1]} : vector<2048xf32> to vector<1024xf32>
    %concatenate3A_2181 = tpu.concatenate %broadcast_in_dim3A_2179, %slice3A_2180 in 0 : vector<1024xf32>, vector<1024xf32> -> vector<2048xf32>
    %add3A_2182 = arith.addf %add3A_2177, %concatenate3A_2181 : vector<2048xf32>
    %gt3A_2183 = arith.constant 5.000000e-01 : f32
    %gt3A_2184 = vector.broadcast %gt3A_2183 : f32 to vector<2048xf32>
    %gt3A_2185 = arith.cmpf ogt, %reshape3A_2059, %gt3A_2184 : vector<2048xf32>
    %sub3A_2186 = arith.constant 1.000000e+00 : f32
    %sub3A_2187 = vector.broadcast %sub3A_2186 : f32 to vector<2048xf32>
    %sub3A_2188 = arith.subf %add3A_2123, %sub3A_2187 : vector<2048xf32>
    %add3A_2189 = vector.broadcast %reduce_sum3A_2068 : f32 to vector<2048xf32>
    %add3A_2190 = arith.addf %add3A_2189, %add3A_2182 : vector<2048xf32>
    %sub3A_2191 = arith.constant 1.000000e+00 : f32
    %sub3A_2192 = vector.broadcast %sub3A_2191 : f32 to vector<2048xf32>
    %sub3A_2193 = arith.subf %add3A_2190, %sub3A_2192 : vector<2048xf32>
    %select_n3A_2194 = arith.select %gt3A_2185, %sub3A_2188, %sub3A_2193 : vector<2048xi1>, vector<2048xf32>
    %gt3A_2195 = arith.constant 5.000000e-01 : f32
    %gt3A_2196 = vector.broadcast %gt3A_2195 : f32 to vector<2048xf32>
    %gt3A_2197 = arith.cmpf ogt, %convert_element_type3A_103, %gt3A_2196 : vector<2048xf32>
    %jit3A_2198 = arith.constant 3.000000e+03 : f32
    %broadcast_in_dim3A_2199 = vector.broadcast %jit3A_2198 : f32 to vector<2048xf32>
    %select_n3A_2200 = arith.select %gt3A_2197, %select_n3A_2194, %broadcast_in_dim3A_2199 : vector<2048xi1>, vector<2048xf32>
    %convert_element_type3A_2201 = arith.fptosi %select_n3A_2200 : vector<2048xf32> to vector<2048xi32>
    %reshape3A_2202 = vector.shape_cast %convert_element_type3A_2201 : vector<2048xi32> to vector<1x2048xi32>
    %iota3A_2203 = tpu.iota {dimensions = array<i32: 0>} : vector<1000x2048xi32>
    %eq3A = vector.broadcast %reshape3A_2202 : vector<1x2048xi32> to vector<1000x2048xi32>
    %eq3A_2204 = arith.cmpi eq, %iota3A_2203, %eq3A : vector<1000x2048xi32>
    %convert_element_type3A_2205 = arith.extui %eq3A_2204 : vector<1000x2048xi1> to vector<1000x2048xi32>
    %convert_element_type3A_2206 = arith.sitofp %convert_element_type3A_2205 : vector<1000x2048xi32> to vector<1000x2048xf32>
    %reshape3A_2207 = vector.shape_cast %min3A_50 : vector<2048xf32> to vector<1x2048xf32>
    %mul3A_2208 = vector.broadcast %reshape3A_2207 : vector<1x2048xf32> to vector<1000x2048xf32>
    %mul3A_2209 = arith.mulf %convert_element_type3A_2206, %mul3A_2208 : vector<1000x2048xf32>
    %reduce_sum3A_2210 = arith.constant dense<0.000000e+00> : vector<1000xf32>
    %reduce_sum3A_2211 = vector.multi_reduction <add>, %mul3A_2209, %reduce_sum3A_2210 [1] : vector<1000x2048xf32> to vector<1000xf32>
    %swap3A = arith.constant 0 : index
    %swap3A_2212 = arith.constant 0 : index
    %swap3A_2213 = vector.load %arg2[%swap3A, %swap3A_2212] : memref<1000x5xf32, #tpu.memory_space<vmem>>, vector<1000x1xf32>
    %swap3A_2214 = vector.shape_cast %swap3A_2213 : vector<1000x1xf32> to vector<1000xf32>
    %swap3A_2215 = vector.shape_cast %reduce_sum3A_2211 : vector<1000xf32> to vector<1000x1xf32>
    tpu.vector_store %arg2[%swap3A, %swap3A_2212], %swap3A_2215 {strides = array<i32>} : memref<1000x5xf32, #tpu.memory_space<vmem>>, vector<1000x1xf32>,
    %reshape3A_2216 = vector.shape_cast %min3A_60 : vector<2048xf32> to vector<1x2048xf32>
    %mul3A_2217 = vector.broadcast %reshape3A_2216 : vector<1x2048xf32> to vector<1000x2048xf32>
    %mul3A_2218 = arith.mulf %convert_element_type3A_2206, %mul3A_2217 : vector<1000x2048xf32>
    %reduce_sum3A_2219 = arith.constant dense<0.000000e+00> : vector<1000xf32>
    %reduce_sum3A_2220 = vector.multi_reduction <add>, %mul3A_2218, %reduce_sum3A_2219 [1] : vector<1000x2048xf32> to vector<1000xf32>
    %swap3A_2221 = arith.constant 0 : index
    %swap3A_2222 = arith.constant 1 : index
    %swap3A_2223 = vector.load %arg2[%swap3A_2221, %swap3A_2222] : memref<1000x5xf32, #tpu.memory_space<vmem>>, vector<1000x1xf32>
    %swap3A_2224 = vector.shape_cast %swap3A_2223 : vector<1000x1xf32> to vector<1000xf32>
    %swap3A_2225 = vector.shape_cast %reduce_sum3A_2220 : vector<1000xf32> to vector<1000x1xf32>
    tpu.vector_store %arg2[%swap3A_2221, %swap3A_2222], %swap3A_2225 {strides = array<i32>} : memref<1000x5xf32, #tpu.memory_space<vmem>>, vector<1000x1xf32>,
    %reshape3A_2226 = vector.shape_cast %min3A_73 : vector<2048xf32> to vector<1x2048xf32>
    %mul3A_2227 = vector.broadcast %reshape3A_2226 : vector<1x2048xf32> to vector<1000x2048xf32>
    %mul3A_2228 = arith.mulf %convert_element_type3A_2206, %mul3A_2227 : vector<1000x2048xf32>
    %reduce_sum3A_2229 = arith.constant dense<0.000000e+00> : vector<1000xf32>
    %reduce_sum3A_2230 = vector.multi_reduction <add>, %mul3A_2228, %reduce_sum3A_2229 [1] : vector<1000x2048xf32> to vector<1000xf32>
    %swap3A_2231 = arith.constant 0 : index
    %swap3A_2232 = arith.constant 2 : index
    %swap3A_2233 = vector.load %arg2[%swap3A_2231, %swap3A_2232] : memref<1000x5xf32, #tpu.memory_space<vmem>>, vector<1000x1xf32>
    %swap3A_2234 = vector.shape_cast %swap3A_2233 : vector<1000x1xf32> to vector<1000xf32>
    %swap3A_2235 = vector.shape_cast %reduce_sum3A_2230 : vector<1000xf32> to vector<1000x1xf32>
    tpu.vector_store %arg2[%swap3A_2231, %swap3A_2232], %swap3A_2235 {strides = array<i32>} : memref<1000x5xf32, #tpu.memory_space<vmem>>, vector<1000x1xf32>,
    %reshape3A_2236 = vector.shape_cast %min3A_86 : vector<2048xf32> to vector<1x2048xf32>
    %mul3A_2237 = vector.broadcast %reshape3A_2236 : vector<1x2048xf32> to vector<1000x2048xf32>
    %mul3A_2238 = arith.mulf %convert_element_type3A_2206, %mul3A_2237 : vector<1000x2048xf32>
    %reduce_sum3A_2239 = arith.constant dense<0.000000e+00> : vector<1000xf32>
    %reduce_sum3A_2240 = vector.multi_reduction <add>, %mul3A_2238, %reduce_sum3A_2239 [1] : vector<1000x2048xf32> to vector<1000xf32>
    %swap3A_2241 = arith.constant 0 : index
    %swap3A_2242 = arith.constant 3 : index
    %swap3A_2243 = vector.load %arg2[%swap3A_2241, %swap3A_2242] : memref<1000x5xf32, #tpu.memory_space<vmem>>, vector<1000x1xf32>
    %swap3A_2244 = vector.shape_cast %swap3A_2243 : vector<1000x1xf32> to vector<1000xf32>
    %swap3A_2245 = vector.shape_cast %reduce_sum3A_2240 : vector<1000xf32> to vector<1000x1xf32>
    tpu.vector_store %arg2[%swap3A_2241, %swap3A_2242], %swap3A_2245 {strides = array<i32>} : memref<1000x5xf32, #tpu.memory_space<vmem>>, vector<1000x1xf32>,
    %reshape3A_2246 = vector.shape_cast %select_n3A : vector<2048xf32> to vector<1x2048xf32>
    %mul3A_2247 = vector.broadcast %reshape3A_2246 : vector<1x2048xf32> to vector<1000x2048xf32>
    %mul3A_2248 = arith.mulf %convert_element_type3A_2206, %mul3A_2247 : vector<1000x2048xf32>
    %reduce_sum3A_2249 = arith.constant dense<0.000000e+00> : vector<1000xf32>
    %reduce_sum3A_2250 = vector.multi_reduction <add>, %mul3A_2248, %reduce_sum3A_2249 [1] : vector<1000x2048xf32> to vector<1000xf32>
    %swap3A_2251 = arith.constant 0 : index
    %swap3A_2252 = arith.constant 4 : index
    %swap3A_2253 = vector.load %arg2[%swap3A_2251, %swap3A_2252] : memref<1000x5xf32, #tpu.memory_space<vmem>>, vector<1000x1xf32>
    %swap3A_2254 = vector.shape_cast %swap3A_2253 : vector<1000x1xf32> to vector<1000xf32>
    %swap3A_2255 = vector.shape_cast %reduce_sum3A_2250 : vector<1000xf32> to vector<1000x1xf32>
    tpu.vector_store %arg2[%swap3A_2251, %swap3A_2252], %swap3A_2255 {strides = array<i32>} : memref<1000x5xf32, #tpu.memory_space<vmem>>, vector<1000x1xf32>,
    return
  }
}

</mosaic_0001>

<sc_bundles>
// kernel: gather_offload_async_start
scs
__scs_entry_jumppad:
0x0: {  	(pc) =	sbr.rel $0x88, $3  }
0x1: {  	(tag) =	ssettag $0x0;
	lr =	simm.s32 $0x1  }
0x2: {  	[smem:$0x3F9E] =	sst lr;
	_ =	strace $0xD0000000  }
0x3: {  	_ = 	snop  }
0x4: {  	_ = 	snop  }
0x5: {  	_ = 	snop  }
0x6: {  	_ = 	snop  }
0x7: {  	_ = 	snop  }
__scs_overlays_trampoline_lowered:
0x8: {  	[smem:$0x3FAD] =	sst s0  }
0x9: {  	[smem:$0x3FAE] =	sst s1  }
0xa: {  	[smem:$0x3FAF] =	sst s2  }
0xb: {  	[smem:$0x3FB0] =	sst s3  }
0xc: {  	[smem:$0x3FB1] =	sst s4  }
0xd: {  	[smem:$0x3FB2] =	sst s5  }
0xe: {  	[smem:$0x3FB3] =	sst s6  }
0xf: {  	[smem:$0x3FB4] =	sst s7  }
0x10: {  	[smem:$0x3FB5] =	sst s8  }
0x11: {  	[smem:$0x3FB6] =	sst s9;
	s0 =	simm.s32 @!p0 $0x0  }
0x12: {  	s1 =	sld [smem:$0x3F9C];
	s0 =	simm.s32 @p0 $0x1  }
0x13: {  	[smem:$0x3FB7] =	sst s0;
	s0 =	simm.s32 @!p1 $0x0  }
0x14: {  	s2 =	sld [smem:$0x3F9B];
	s0 =	simm.s32 @p1 $0x1  }
0x15: {  	[smem:$0x3FB8] =	sst s0;
	s0 =	simm.s32 @!p2 $0x0  }
0x16: {  	s3 =	sld [smem:$0x3FDB];
	s0 =	simm.s32 @p2 $0x1  }
0x17: {  	s4 =	simm.s32 $0x1BF5;
	[smem:$0x3FBA] =	sst s0  }
0x18: {  	s0 =	sld [smem:$0x3F9D];
	_ =	swait.ge [sflag:s4], $0x0  }
0x19: {  	s7 =	sld [smem:$0x3F9E]  }
0x1a: {  	s8 =	sadd.s32 $0xFFFFE003, lr  }
0x1b: {  	s9 =	sadd.s32 $0xFFFFFEF7, lr;
	s5 =	simm.s32 $0xFFFFFFFF;
	p2 =	slt.u32 s8, $0xFFFFF086  }
0x1c: {  	p1 =	slt.u32 s9, $0xF7A;
	s5 =	simm.s32 @!p2 $0x0  }
0x1d: {  	s5 =	simm.s32 @p1 $0x1;
	p0 =	seq.s32 s7, s2  }
0x1e: {  	s7 =	smul.u32 @!p0 $0xF7A, s2;
	p2 =	seq.s32 @!p0 s5, $0x0  }
0x1f: {  	s9 =	smul.u32 $0xF7A, s1;
	s8 =	simm.s32 @!p0 $0x1BF5;
	p2 =	por !p2, p0  }
0x20: {  	[sflag:s8] =	ssyncset.s32 @!p0 $0xFFFFF086;
	s6 =	sadd.s32 @!p0 s3, s7;
	s7 =	simm.s32 @!p0 $0x108  }
0x21: {  	s3 =	sadd.s32 s3, s9;
	s6 =	sadd.s32 @!p0 $0x88, s6;
	s7 =	simm.s32 @p2 $0x1082  }
0x22: {  	[simem:s7], [sflag:s8] =	dma.local @!p0 [hbm:s6], $0xF7A  }
0x23: {  	s9 =	sor.u32 $0xD0000000, s2;
	s6 =	simm.s32 $0x108;
	_ =	swait.ge @!p0 [sflag:s8], $0x0  }
0x24: {  	s3 =	sadd.s32 $0x88, s3;
	s6 =	simm.s32 @!p1 $0x1082;
	[sflag:s4] =	ssyncset.s32 $0xFFFFF086  }
0x25: {  	[simem:s6], [sflag:s4] =	dma.local [hbm:s3], $0xF7A  }
0x26: {  	[smem:$0x3F9E] =	sst s1;
	(tag) =	ssettag s2;
	_ =	strace s9  }
0x27: {  	s1 =	sld [smem:$0x3FAE]  }
0x28: {  	s2 =	sld [smem:$0x3FAF]  }
0x29: {  	s4 =	sld [smem:$0x3FB1]  }
0x2a: {  	p0 =	seq.s32 s5, $0x0;
	s5 =	sld [smem:$0x3FB2]  }
0x2b: {  	s6 =	sld [smem:$0x3FB3]  }
0x2c: {  	s7 =	sld [smem:$0x3FB4]  }
0x2d: {  	s3 =	simm.s32 $0x108;
	s8 =	sld [smem:$0x3FB5]  }
0x2e: {  	s3 =	simm.s32 @!p0 $0x1082;
	s9 =	sld [smem:$0x3FB6]  }
0x2f: {  	lr =	sadd.s32 s0, s3;
	s0 =	sld [smem:$0x3FAD]  }
0x30: {  	s3 =	sld [smem:$0x3FB0]  }
0x31: {  	[smem:$0x3FB9] =	sst s10  }
0x32: {  	s10 =	sld [smem:$0x3FB7];
	_ =	sdelay $0x3  }
0x33: {  	p0 =	seq.s32 s10, $0x1;
	s10 =	sld [smem:$0x3FB9];
	_ =	sdelay $0x3  }
0x34: {  	[smem:$0x3FB9] =	sst s10  }
0x35: {  	s10 =	sld [smem:$0x3FB8];
	_ =	sdelay $0x3  }
0x36: {  	p1 =	seq.s32 s10, $0x1;
	s10 =	sld [smem:$0x3FB9];
	_ =	sdelay $0x3  }
0x37: {  	[smem:$0x3FB9] =	sst s10  }
0x38: {  	s10 =	sld [smem:$0x3FBA]  }
0x39: {  	_ = 	snop;
	(pc) =	sbr.ind lr, $3  }
0x3a: {  	_ = 	snop  }
0x3b: {  	_ = 	snop  }
0x3c: {  	p2 =	seq.s32 s10, $0x1;
	s10 =	sld [smem:$0x3FB9]  }
0x3d: {  	_ =	shalt  }
0x3e: {  	_ =	shalt  }
0x3f: {  	_ =	shalt  }
0x40: {  	_ =	shalt  }
0x41: {  	_ =	shalt  }
0x42: {  	_ =	shalt  }
0x43: {  	_ =	shalt  }
0x44: {  	_ =	shalt  }
0x45: {  	_ =	shalt  }
0x46: {  	_ =	shalt  }
0x47: {  	_ =	shalt  }
0x48: {  	_ =	shalt  }
0x49: {  	_ =	shalt  }
0x4a: {  	_ =	shalt  }
0x4b: {  	_ =	shalt  }
0x4c: {  	_ =	shalt  }
0x4d: {  	_ =	shalt  }
0x4e: {  	_ =	shalt  }
0x4f: {  	_ =	shalt  }
0x50: {  	_ =	shalt  }
0x51: {  	_ =	shalt  }
0x52: {  	_ =	shalt  }
0x53: {  	_ =	shalt  }
0x54: {  	_ =	shalt  }
0x55: {  	_ =	shalt  }
0x56: {  	_ =	shalt  }
0x57: {  	_ =	shalt  }
0x58: {  	_ =	shalt  }
0x59: {  	_ =	shalt  }
0x5a: {  	_ =	shalt  }
0x5b: {  	_ =	shalt  }
0x5c: {  	_ =	shalt  }
0x5d: {  	_ =	shalt  }
0x5e: {  	_ =	shalt  }
0x5f: {  	_ =	shalt  }
0x60: {  	_ =	shalt  }
0x61: {  	_ =	shalt  }
0x62: {  	_ =	shalt  }
0x63: {  	_ =	shalt  }
0x64: {  	_ =	shalt  }
0x65: {  	_ =	shalt  }
0x66: {  	_ =	shalt  }
0x67: {  	_ =	shalt  }
0x68: {  	_ =	shalt  }
0x69: {  	_ =	shalt  }
0x6a: {  	_ =	shalt  }
0x6b: {  	_ =	shalt  }
0x6c: {  	_ =	shalt  }
0x6d: {  	_ =	shalt  }
0x6e: {  	_ =	shalt  }
0x6f: {  	_ =	shalt  }
0x70: {  	_ =	shalt  }
0x71: {  	_ =	shalt  }
0x72: {  	_ =	shalt  }
0x73: {  	_ =	shalt  }
0x74: {  	_ =	shalt  }
0x75: {  	_ =	shalt  }
0x76: {  	_ =	shalt  }
0x77: {  	_ =	shalt  }
0x78: {  	_ =	shalt  }
0x79: {  	_ =	shalt  }
0x7a: {  	_ =	shalt  }
0x7b: {  	_ =	shalt  }
0x7c: {  	_ =	shalt  }
0x7d: {  	_ =	shalt  }
0x7e: {  	_ =	shalt  }
0x7f: {  	_ =	shalt  }
0x80: {  	_ =	shalt  }
0x81: {  	_ =	shalt  }
0x82: {  	_ =	shalt  }
0x83: {  	_ =	shalt  }
0x84: {  	_ =	shalt  }
0x85: {  	_ =	shalt  }
0x86: {  	_ =	shalt  }
0x87: {  	_ =	shalt  }
.Lfunc_end0:
.L_simem_size_0:
called_computation_lowered:
.L_overlay_start_0:
0x88: {  	s2 =	sld [smem:$0x3FD9]  }
0x89: {  	s3 =	sld [smem:$0x3FFE];
	_ =	sdelay $0x1  }
0x8a: {  	s1 =	srdreg.scid  }
0x8b: {  	s0 =	sand.u32 $0x1, s1  }
0x8c: {  	s17 =	sshll.u32 s0, $0xA;
	s2 =	sadd.s32 s3, s2  }
0x8d: {  	s2 =	sadd.s32 s2, s17  }
0x8e: {  	[smem:$0x3FC5] =	sst s2  }
0x8f: {  	_ = 	snop  }
0x90: {  	s2 =	sld [smem:$0x3FD0];
	(tm) =	ssettm $0x1  }
0x91: {  	s18 =	sld [smem:$0x3FFB];
	_ =	sdelay $0x3  }
0x92: {  	_ =	strace s18  }
0x93: {  	s3 =	sld [smem:$0x3FFC];
	_ =	sdelay $0x3  }
0x94: {  	_ =	strace s3  }
0x95: {  	s3 =	sld [smem:$0x3FFD];
	_ =	sdelay $0x3  }
0x96: {  	_ =	strace s3  }
0x97: {  	_ =	strace $0x8FFFFFFF  }
0x98: {  	s19 =	sld [smem:$0x3FDB];
	_ =	sdelay $0x1  }
0x99: {  	s4 =	simm.s32 $_scs_section_size  }
0x9a: {  	s5 =	simm.s32 $_size__tile_overlayer_lowered;
	s6 =	simm.s32 $_tile_overlayer_lowered  }
0x9b: {  	s22 =	simm.s32 $0x1BFF;
	s21 =	sshll.u32 s6, $0x1;
	s3 =	sadd.s32 s4, s19  }
0x9c: {  	s7 =	simm.s32 $0x0;
	s20 =	sshll.u32 s5, $0x1;
	s5 =	sadd.s32 s21, s3  }
0x9d: {  	[timem:s7], [sflag:s22] =	dma.local [hbm:s5], s20  }
0x9e: {  	_ =	swait.ge [sflag:s22], s20  }
0x9f: {  	s4 =	ssub.s32 $0x0, s20;
	[sflag:s22] =	ssyncset.done $0x0  }
0xa0: {  	[sflag:s22] =	ssyncadd.s32 s4;
	_ =	sdelay $0x1  }
0xa1: {  	s23 =	simm.s32 $0x1B8B  }
0xa2: {  	_ =	swait.ge [sflag:s23], $0x1  }
0xa3: {  	[sflag:s23] =	ssyncset.done $0x0  }
0xa4: {  	s25 =	simm.s32 $0x1B8E;
	s24 =	sld [smem:$0x3FFE];
	[sflag:s23] =	ssyncadd.s32 $0xFFFFFFFF  }
0xa5: {  	s26 =	simm.s32 $execute0_lowered;
	[smem:$0x3FD2] =	sst s25  }
0xa6: {  	s5 =	sshll.u32 s26, $0x1;
	_ =	strace $0x80000046;
	[dreg:$0x1] =	wrdreg $0xFFFFFFFF  }
0xa7: {  	s28 =	simm.s32 $_size_execute0_lowered;
	s3 =	sadd.s32 s3, s5;
	[dreg:$0x0] =	wrdreg $0x0  }
0xa8: {  	s5 =	sshll.u32 s28, $0x1;
	[dreg:$0x2] =	wrdreg s3  }
0xa9: {  	[dreg:$0x3] =	wrdreg s5  }
0xaa: {  	[dreg:$0x4] =	wrdreg $0xC0  }
0xab: {  	_ =	task [dreg:s7], $0x5FFFF  }
0xac: {  	[dreg:$0x1] =	wrdreg $0xFFFFFFFF  }
0xad: {  	[dreg:$0x0] =	wrdreg $0x60  }
0xae: {  	[dreg:$0x2] =	wrdreg s24  }
0xaf: {  	[dreg:$0x3] =	wrdreg s2  }
0xb0: {  	[dreg:$0x4] =	wrdreg $0x9  }
0xb1: {  	_ =	task.clear_ibuf [dreg:s7], $0x5FFFF;
	_ =	strace $0x90000046  }
0xb2: {  	s29 =	simm.s32 $0x9;
	_ =	strace $0x80000048  }
0xb3: {  	_ =	swait.ge [sflag:s29], $0x1  }
0xb4: {  	[sflag:s29] =	ssyncadd.s32 $0xFFFFFFFF  }
0xb5: {  	_ =	strace $0x90000048  }
0xb6: {  	_ =	sfence  }
0xb7: {  	s30 =	sld [smem:$0x0];
	_ =	sdelay $0x2  }
0xb8: {  	s31 =	sshll.u32 s1, $0xD;
	s1 =	sshrl.u32 s1, $0x2  }
0xb9: {  	s3 =	sand.u32 $0x4000, s31;
	s1 =	sadd.s32 s1, s30  }
0xba: {  	s0 =	sor.u32 s3, s0;
	s1 =	sshll.u32 s1, $0x11  }
0xbb: {  	s0 =	sor.u32 s1, s0  }
0xbc: {  	s0 =	sadd.s32 $0x8F2B, s0  }
0xbd: {  	[sflag:s0] =	ssyncadd.remote.s32 $0x1  }
0xbe: {  	_ =	sfence.sel $0xFFFF  }
0xbf: {  	[dreg:$0x0] =	wrdreg $0xFFFFFFFF;
	(pc) =	sbr.abs _section_cstart, $3  }
0xc0: {  	[dreg:$0x1] =	wrdreg $0xFFFFFFFF  }
0xc1: {  	_ =	task.clear_ibuf [dreg:s7], $0x2FFFF;
	_ =	strace $0x9FFFFFFF  }
0xc2: {  	(tm) =	ssettm $0x7FFFFFFF  }
0xc3: {  	_ =	shalt  }
tec
execute0_lowered:
.L_overlay_start_1:
0x0: {  	(tag) =	ssettag $0x1  }
0x1: {  	s2 =	rddreg [dreg:$0x0]  }
0x2: {  	s3 =	rddreg [dreg:$0x1]  }
0x3: {  	s0 =	rddreg [dreg:$0x2];
	s1 =	srdreg.scid;
	_ =	strace $0x80000047  }
0x4: {  	s4 =	simm.s32 $0x1;
	s9 =	simm.s32 $0x3;
	s5 =	sshll.u32 s1, $0x4  }
.Ltmp0:
0x5: {  	s1 =	stileid.u32;
	s5 =	sand.u32 $0x10, s5;
	(pc) =	sbr.rel .LBB2_1-.Ltmp0, $4  }
0x6: {  	s12 =	simm.s32 $0x0;
	s10 =	simm.s32 $0x0;
	s6 =	sor.u32 s1, s5  }
0x7: {  	[sflag:s4] =	ssyncpa.u1 $0x0;
	s5 =	simm.s32 $0x2;
	s6 =	sshll.u32 s6, $0x6  }
0x8: {  	s7 =	sadd.s32 $0x4E200, s2;
	[sflag:s5] =	ssyncpa.u1 $0x0;
	s8 =	sadd.s32 $0x40, s6  }
0x9: {  	vm0 =	vmmov $0xff;
	vm1 =	vcmask $0x3F20;
	[sflag:s9] =	ssyncpa.u1 $0x0;
	s9 =	simm.s32 $0x40;
	s11 =	smov.u32 s6  }
.LBB2_9:
0xa: {  	p0 =	seq.s32 s10, $0x2  }
.Ltmp1:
0xb: {  	_ = 	snop;
	(pc) =	sbr.rel @p0 .LBB2_11-.Ltmp1, $1  }
0xc: {  	_ =	sdelay $0x3  }
.LBB2_10:
0xd: {  	s12 =	sadd.s32 $0x40, s11  }
0xe: {  	s13 =	smov.u32 s6;
	p0 =	slt.s32 s12, s8  }
0xf: {  	s13 =	smov.u32 @p0 s12  }
0x10: {  	s10 =	sadd.s32 $0x1, s10;
	s12 =	smov.u32 s11;
	s11 =	smov.u32 s13  }
.LBB2_1:
0x11: {  	p0 =	sne.s32 s10, $0x0  }
.Ltmp2:
0x12: {  	_ = 	snop;
	(pc) =	sbr.rel @!p0 .LBB2_2-.Ltmp2, $1  }
0x13: {  	_ =	sdelay $0x3  }
0x14: {  	s13 =	sand.u32 $0x1, s10  }
0x15: {  	p0 =	seq.s32 s13, $0x0  }
.Ltmp3:
0x16: {  	_ = 	snop;
	(pc) =	sbr.rel @p0 .LBB2_9-.Ltmp3, $1  }
0x17: {  	_ =	sdelay $0x3  }
0x18: {  	_ =	swait.ge [sflag:s5], $0x40  }
0x19: {  	[sflag:s5] =	ssyncset.done $0x0  }
0x1a: {  	s13 =	simm.s32 $0x0;
	[sflag:s5] =	ssyncadd.s32 $0xFFFFFFC0  }
0x1b: {  	v0 =	vld.msk [tilespmem:s13+$0x40 ss:$0x1], $0xffff;
	_ =	sdelay $0x4  }
0x1c: {  	vm2 =	vgt.s32 v0, $0x0  }
0x1d: {  	v0 =	vnsel vm2, $0x0, v0  }
0x1e: {  	v0 =	vmin.u32 v0, $0x4E1F  }
0x1f: {  	v0 =	vshll.u32 v0, $0x4;
	_ =	sdelay $0x3  }
0x20: {  	s13 =	simm.s32 $0x2080  }
0x21: {  	[tilespmem:s13], [sflag:$0x1] =	stream.indirect_vreg.gather [hbm:s2], $0x80, v0, vm0, $0x38;
	[tilespmem:$0x4080] =	vst v63  }
0x22: {  	s14 =	simm.s32 $0x2480;
	s31 =	simm.s32 $0x10  }
0x23: {  	[tilespmem:s14], [sflag:$0x1] =	stream.indirect_vreg.gather [hbm:s2], $0x80, v0, vm1, $0x38;
	[tilespmem:$0x4080] =	vst v63  }
0x24: {  	s14 =	simm.s32 $0x80;
	v0 =	vld.msk [tilespmem:s31+$0x40 ss:$0x1], $0xffff  }
.LBB2_5:
0x25: {  	p0 =	sne.s32 s14, $0xC0;
	_ =	sdelay $0x4  }
0x26: {  	vm2 =	vgt.s32 v0, $0x0  }
0x27: {  	v0 =	vnsel vm2, $0x0, v0  }
0x28: {  	v0 =	vmin.u32 v0, $0x4E1F  }
0x29: {  	v0 =	vshll.u32 v0, $0x4;
	_ =	sdelay $0x3  }
.Ltmp4:
0x2a: {  	s13 =	sadd.s32 $0x800, s13;
	(pc) =	sbr.rel @p0 .LBB2_5-.Ltmp4, $4  }
0x2b: {  	[tilespmem:s13], [sflag:$0x1] =	stream.indirect_vreg.gather [hbm:s2], $0x80, v0, vm0, $0x38;
	[tilespmem:$0x4080] =	vst v63  }
0x2c: {  	s15 =	sshra.s32 s14, $0x2;
	s16 =	sadd.s32 $0x400, s13  }
0x2d: {  	[tilespmem:s16], [sflag:$0x1] =	stream.indirect_vreg.gather [hbm:s2], $0x80, v0, vm1, $0x38;
	[tilespmem:$0x4080] =	vst v63  }
0x2e: {  	s14 =	sadd.s32 $0x40, s14;
	v0 =	vld.msk [tilespmem:s15+$0x40 ss:$0x1], $0xffff  }
0x2f: {  	_ =	sdelay $0x3  }
0x30: {  	vm2 =	vgt.s32 v0, $0x0  }
0x31: {  	v0 =	vnsel vm2, $0x0, v0  }
0x32: {  	v0 =	vmin.u32 v0, $0x4E1F  }
0x33: {  	v0 =	vshll.u32 v0, $0x4;
	_ =	sdelay $0x3  }
0x34: {  	s13 =	sadd.s32 $0x800, s13  }
0x35: {  	[tilespmem:s13], [sflag:$0x1] =	stream.indirect_vreg.gather [hbm:s2], $0x80, v0, vm0, $0x38;
	[tilespmem:$0x4080] =	vst v63  }
0x36: {  	s13 =	sadd.s32 $0x400, s13  }
0x37: {  	[tilespmem:s13], [sflag:$0x1] =	stream.indirect_vreg.gather [hbm:s2], $0x80, v0, vm1, $0x38;
	[tilespmem:$0x4080] =	vst v63  }
0x38: {  	s12 =	sshll.u32 s12, $0x4;
	s14 =	simm.s32 $0x80;
	_ =	swait.ge [sflag:s4], $0x2000  }
0x39: {  	s15 =	simm.s32 $0x2480;
	s12 =	sadd.s32 s12, s7;
	[sflag:s4] =	ssyncset.done $0x0  }
0x3a: {  	s16 =	sadd.s32 $0x0, s12;
	s13 =	simm.s32 $0x2080;
	[sflag:s4] =	ssyncadd.s32 $0xFFFFE000  }
.LBB2_7:
0x3b: {  	[hbm:s16] =	stream.linear.scatter [tilespmem:s13], [sflag:$0x3], $0x400, $0x38;
	[tilespmem:$0x4080] =	vst v63  }
0x3c: {  	s16 =	smov.u32 s14;
	s13 =	smov.u32 s15;
	p0 =	sne.s32 s14, $0x380  }
.Ltmp5:
0x3d: {  	s14 =	sadd.s32 $0x80, s14;
	(pc) =	sbr.rel @p0 .LBB2_7-.Ltmp5, $2  }
0x3e: {  	_ =	sdelay $0x2  }
0x3f: {  	s15 =	sadd.s32 $0x400, s15;
	s16 =	sadd.s32 s16, s12  }
.Ltmp6:
0x40: {  	(pc) =	sbr.rel .LBB2_9-.Ltmp6, $2  }
0x41: {  	_ =	sdelay $0x2  }
0x42: {  	[hbm:s16] =	stream.linear.scatter [tilespmem:s13], [sflag:$0x3], $0x400, $0x38;
	[tilespmem:$0x4080] =	vst v63  }
.LBB2_2:
.Ltmp7:
0x43: {  	(pc) =	sbr.rel .LBB2_10-.Ltmp7, $4  }
0x44: {  	_ = 	snop  }
0x45: {  	s12 =	sshrl.u32 s11, $0x3  }
0x46: {  	s13 =	sand.u32 $0x7, s11;
	s12 =	sadd.s32 s3, s12  }
0x47: {  	[tilespmem:s9], [sflag:$0x2] =	stream.linear.gather [hbm4b:s12+s13], $0x40, $0x38;
	[tilespmem:$0x4080] =	vst v63  }
.LBB2_11:
0x48: {  	s2 =	simm.s32 $0x3  }
0x49: {  	_ =	swait.ge [sflag:s2], $0x2000  }
0x4a: {  	[sflag:s2] =	ssyncset.done $0x0  }
0x4b: {  	[sflag:s2] =	ssyncadd.s32 $0xFFFFE000  }
0x4c: {  	_ =	sfence.sel $0x180000  }
0x4d: {  	s3 =	simm.s32 $0x2;
	[bflag:$0x0] =	sbarrier.arrive $0xFFFF  }
0x4e: {  	[sflag:s3] =	ssyncpa.u1 $0x1  }
0x4f: {  	s31 =	simm.s32 $0x1;
	[sflag:s2] =	ssyncpa.u1 $0x1  }
0x50: {  	[sflag:s31] =	ssyncpa.u1 $0x1  }
0x51: {  	p0 =	sne.s32 s1, $0x0;
	_ =	strace $0x90000047  }
0x52: {  	s0 =	sadd.s32 @!p0 $0x100000, s0;
	[bflag:$0x2] =	sbarrier.arrive $0xFFFF  }
0x53: {  	[sflag:s0] =	ssyncadd.tile.s32 @!p0 $0x1;
	_ =	shalt  }
.Lfunc_end2:
_tile_overlayer_lowered:
.L_overlay_start_2:
0x54: {  	(tag) =	ssettag $0x2  }
0x55: {  	s0 =	rddreg [dreg:$0x0];
	s2 =	stileid.u32  }
0x56: {  	s1 =	rddreg [dreg:$0x1];
	p0 =	sne.s32 s2, $0x0  }
0x57: {  	s3 =	rddreg [dreg:$0x2];
	[bflag:$0x3] =	sbarrier.arrive $0xFFFF;
	s2 =	simm.s32 @!p0 $0x1C01  }
0x58: {  	[timem:s3], [sflag:s2] =	dma.local @!p0 [hbm:s0], s1  }
0x59: {  	s0 =	simm.s32 @!p0 $0x1  }
0x5a: {  	_ =	swait.ge @!p0 [sflag:s0], s1  }
0x5b: {  	s1 =	ssub.s32 @!p0 $0x0, s1;
	[sflag:s0] =	ssyncset.done @!p0 $0x0  }
0x5c: {  	[sflag:s0] =	ssyncadd.s32 @!p0 s1  }
0x5d: {  	[bflag:$0x3] =	sbarrier.arrive $0xFFFF  }
0x5e: {  	_ =	shalt  }

</sc_bundles>
